<compile_context>
chip_gen: v7x
topology: tpu7x:2x2x1
jax: 0.10.2.dev20260603
libtpu: 0.0.44.dev20260713+nightly
codegen_flags: <defaults>
</compile_context>

<pallas_src>
import functools

import jax
import jax.numpy as jnp
from jax import lax
from jax.experimental import pallas as pl
from jax.experimental.pallas import tpu as pltpu
from jax.experimental.pallas import tpu_sc as plsc

N = 10000
E = 320000
D_IN = 128
D_HID = 128
N_CLS = 64

NC = 2
NS = 16
NW = NC * NS
CHUNK = 128
CPT = 80
EPT = CPT * CHUNK
E_PAD = NW * EPT
N_PAD = 10240
RPT = N_PAD // NS
DUMMY = N

BR = 2048


def _sc_mesh():
    return plsc.VectorSubcoreMesh(
        core_axis_name="c", subcore_axis_name="s",
        num_cores=NC, num_subcores=NS)




HCPT = CPT // 2


def _make_agg(d):

    @functools.partial(
        pl.kernel,
        out_type=jax.ShapeDtypeStruct((NC, N_PAD, d), jnp.float32),
        mesh=_sc_mesh(),
        scratch_types=[
            pltpu.VMEM((HCPT, CHUNK), jnp.int32),
            pltpu.VMEM((HCPT, CHUNK), jnp.int32),
            pltpu.VMEM((CHUNK, d), jnp.float32),
            pltpu.VMEM((CHUNK, d), jnp.float32),
            pltpu.VMEM_SHARED((N_PAD, d), jnp.float32),
            pltpu.SemaphoreType.DMA,
            pltpu.SemaphoreType.DMA,
        ],
    )
    def agg(h_hbm, src_hbm, dst_hbm, zero_hbm, out_hbm,
            src_v, dst_v, rows0, rows1, agg_sh, sem0, sem1):
        c = lax.axis_index("c")
        s = lax.axis_index("s")
        w = c * NS + s
        pltpu.sync_copy(zero_hbm, agg_sh.at[pl.ds(s * RPT, RPT)])
        plsc.subcore_barrier()

        for stage in range(2):
            base = w * CPT + stage * HCPT
            pltpu.sync_copy(src_hbm.at[pl.ds(base, HCPT)], src_v)
            pltpu.sync_copy(dst_hbm.at[pl.ds(base, HCPT)], dst_v)

            pltpu.async_copy(h_hbm.at[src_v.at[0]], rows0, sem0)

            def pair(i, carry):
                j = 2 * i
                pltpu.async_copy(h_hbm.at[src_v.at[j + 1]], rows1, sem1)
                pltpu.make_async_copy(h_hbm.at[src_v.at[j]], rows0, sem0).wait()
                pltpu.sync_copy(rows0, agg_sh.at[dst_v.at[j]], add=True)
                pltpu.async_copy(h_hbm.at[src_v.at[j + 2]], rows0, sem0)
                pltpu.make_async_copy(h_hbm.at[src_v.at[j + 1]], rows1, sem1).wait()
                pltpu.sync_copy(rows1, agg_sh.at[dst_v.at[j + 1]], add=True)
                return carry

            lax.fori_loop(0, HCPT // 2 - 1, pair, 0)

            jl = HCPT - 2
            pltpu.async_copy(h_hbm.at[src_v.at[jl + 1]], rows1, sem1)
            pltpu.make_async_copy(h_hbm.at[src_v.at[jl]], rows0, sem0).wait()
            pltpu.sync_copy(rows0, agg_sh.at[dst_v.at[jl]], add=True)
            pltpu.make_async_copy(h_hbm.at[src_v.at[jl + 1]], rows1, sem1).wait()
            pltpu.sync_copy(rows1, agg_sh.at[dst_v.at[jl + 1]], add=True)

        plsc.subcore_barrier()
        pltpu.sync_copy(agg_sh.at[pl.ds(s * RPT, RPT)],
                        out_hbm.at[c, pl.ds(s * RPT, RPT)])

    return agg


_agg128 = _make_agg(128)


@functools.partial(
    pl.kernel,
    out_type=jax.ShapeDtypeStruct((NC, N_PAD, 128), jnp.float32),
    mesh=_sc_mesh(),
    scratch_types=[
        pltpu.VMEM((CPT, CHUNK), jnp.int32),
        pltpu.VMEM((CPT, CHUNK), jnp.int32),
        pltpu.VMEM((CHUNK, 128), jnp.float32),
        pltpu.VMEM_SHARED((N_PAD, 128), jnp.float32),
    ],
)
def _degrees(src_hbm, dst_hbm, zero_hbm, e0_hbm, e64_hbm, deg_hbm,
             src_v, dst_v, e_v, deg_sh):
    c = lax.axis_index("c")
    s = lax.axis_index("s")
    w = c * NS + s
    pltpu.sync_copy(src_hbm.at[pl.ds(w * CPT, CPT)], src_v)
    pltpu.sync_copy(dst_hbm.at[pl.ds(w * CPT, CPT)], dst_v)
    pltpu.sync_copy(e0_hbm, e_v)
    pltpu.sync_copy(zero_hbm, deg_sh.at[pl.ds(s * RPT, RPT)])
    plsc.subcore_barrier()

    def step_src(j, carry):
        pltpu.sync_copy(e_v, deg_sh.at[src_v.at[j]], add=True)
        return carry

    lax.fori_loop(0, CPT, step_src, 0)
    pltpu.sync_copy(e64_hbm, e_v)

    def step_dst(j, carry):
        pltpu.sync_copy(e_v, deg_sh.at[dst_v.at[j]], add=True)
        return carry

    lax.fori_loop(0, CPT, step_dst, 0)
    plsc.subcore_barrier()
    pltpu.sync_copy(deg_sh.at[pl.ds(s * RPT, RPT)],
                    deg_hbm.at[c, pl.ds(s * RPT, RPT)])




PAD_E = E_PAD - E


def _tc_phase_a(xp, dg):

    def body(x_ref, dg0_ref, dg1_ref, h0_ref, no_ref, ni_ref):
        i = pl.program_id(0)
        row = i * BR + lax.broadcasted_iota(jnp.int32, (BR, 1), 0)
        extra = (row < PAD_E).astype(jnp.float32)
        dego = dg0_ref[0, :, :1] + dg1_ref[0, :, :1] - extra
        degi = dg0_ref[0, :, 64:65] + dg1_ref[0, :, 64:65]
        no = jnp.where(dego > 0, lax.rsqrt(dego), 0.0)
        ni = jnp.where(degi > 0, lax.rsqrt(degi), 0.0)
        h0_ref[...] = x_ref[...] * no
        no_ref[...] = no
        ni_ref[...] = ni

    g = N_PAD // BR
    return pl.pallas_call(
        body,
        grid=(g,),
        in_specs=[
            pl.BlockSpec((BR, 128), lambda i: (i, 0)),
            pl.BlockSpec((1, BR, 128), lambda i: (0, i, 0)),
            pl.BlockSpec((1, BR, 128), lambda i: (1, i, 0)),
        ],
        out_specs=[
            pl.BlockSpec((BR, 128), lambda i: (i, 0)),
            pl.BlockSpec((BR, 1), lambda i: (i, 0)),
            pl.BlockSpec((BR, 1), lambda i: (i, 0)),
        ],
        out_shape=[
            jax.ShapeDtypeStruct((N_PAD, 128), jnp.float32),
            jax.ShapeDtypeStruct((N_PAD, 1), jnp.float32),
            jax.ShapeDtypeStruct((N_PAD, 1), jnp.float32),
        ],
    )(xp, dg, dg)


def _tc_layer(agg, ni, no, W, b):

    def body(a0_ref, a1_ref, ni_ref, no_ref, w_ref, b_ref, out_ref):
        a = (a0_ref[0] + a1_ref[0]) * ni_ref[...]
        h = jnp.dot(a, w_ref[...], preferred_element_type=jnp.float32)
        h = jnp.maximum(h + b_ref[...], 0.0)
        out_ref[...] = h * no_ref[...]

    g = N_PAD // BR
    return pl.pallas_call(
        body,
        grid=(g,),
        in_specs=[
            pl.BlockSpec((1, BR, 128), lambda i: (0, i, 0)),
            pl.BlockSpec((1, BR, 128), lambda i: (1, i, 0)),
            pl.BlockSpec((BR, 1), lambda i: (i, 0)),
            pl.BlockSpec((BR, 1), lambda i: (i, 0)),
            pl.BlockSpec((128, 128), lambda i: (0, 0)),
            pl.BlockSpec((1, 128), lambda i: (0, 0)),
        ],
        out_specs=pl.BlockSpec((BR, 128), lambda i: (i, 0)),
        out_shape=jax.ShapeDtypeStruct((N_PAD, 128), jnp.float32),
    )(agg, agg, ni, no, W, b)


def _tc_final(agg, ni, W3, b3):

    def body(a0_ref, a1_ref, ni_ref, w3_ref, b3_ref, out_ref):
        a = (a0_ref[0] + a1_ref[0]) * ni_ref[...]
        out_ref[...] = jnp.dot(a, w3_ref[...],
                               preferred_element_type=jnp.float32) + b3_ref[...]

    g = N_PAD // BR
    return pl.pallas_call(
        body,
        grid=(g,),
        in_specs=[
            pl.BlockSpec((1, BR, 128), lambda i: (0, i, 0)),
            pl.BlockSpec((1, BR, 128), lambda i: (1, i, 0)),
            pl.BlockSpec((BR, 1), lambda i: (i, 0)),
            pl.BlockSpec((128, 64), lambda i: (0, 0)),
            pl.BlockSpec((1, 64), lambda i: (0, 0)),
        ],
        out_specs=pl.BlockSpec((BR, 64), lambda i: (i, 0)),
        out_shape=jax.ShapeDtypeStruct((N_PAD, 64), jnp.float32),
    )(agg, agg, ni, W3, b3)




def kernel(inputs, edge_index, W1, b1, W2, b2, W3, b3):
    src = edge_index[0].astype(jnp.int32)
    dst = edge_index[1].astype(jnp.int32)
    pad = E_PAD - E
    pad_iota = jnp.arange(pad, dtype=jnp.int32)
    fill_gather = pad_iota % N
    fill_scatter = N + pad_iota % (N_PAD - N)
    src_p = jnp.concatenate([src, fill_gather]).reshape(NW * CPT, CHUNK)
    dst_p = jnp.concatenate([dst, fill_scatter]).reshape(NW * CPT, CHUNK)
    xp = jnp.pad(inputs, ((0, N_PAD - N), (0, 0)))
    zeros128 = jnp.zeros((RPT, 128), jnp.float32)
    col = jax.lax.broadcasted_iota(jnp.int32, (CHUNK, 128), 1)
    e0 = (col == 0).astype(jnp.float32)
    e64 = (col == 64).astype(jnp.float32)

    deg_p = _degrees(src_p, dst_p, zeros128, e0, e64)
    h0, no, ni = _tc_phase_a(xp, deg_p)
    agg1 = _agg128(h0, src_p, dst_p, zeros128)
    h1 = _tc_layer(agg1, ni, no, W1, b1.reshape(1, -1))
    agg2 = _agg128(h1, src_p, dst_p, zeros128)
    h2s = _tc_layer(agg2, ni, no, W2, b2.reshape(1, -1))
    agg3 = _agg128(h2s, src_p, dst_p, zeros128)
    logits = _tc_final(agg3, ni, W3, b3.reshape(1, -1))
    return logits[:N]

# --- scband reference (transcript-rebuilt; emitter-appended) ---
"""Pipeline reference for scband-gcn-66443144069641 (READ-ONLY COPY).

The authoritative reference and input builder live on the scoring server;
editing this copy changes nothing except your own understanding.
"""

import jax, jax.numpy as jnp
import numpy as np

N = 10000
E = 320000
D_IN = 128
D_HID = 128
N_CLS = 64


def setup_inputs(seed: int = 0) -> dict:
    key = jax.random.key(seed)
    ks = jax.random.split(key, 10)
    inputs = jax.random.normal(ks[0], (N, D_IN), dtype=jnp.float32)
    edge_index = jax.random.randint(ks[1], (2, E), 0, N).astype(jnp.int64)
    W1 = jax.random.normal(ks[2], (D_IN, D_HID), dtype=jnp.float32) * (1.0 / np.sqrt(D_IN))
    b1 = jnp.zeros((D_HID,), dtype=jnp.float32)
    W2 = jax.random.normal(ks[3], (D_HID, D_HID), dtype=jnp.float32) * (1.0 / np.sqrt(D_HID))
    b2 = jnp.zeros((D_HID,), dtype=jnp.float32)
    W3 = jax.random.normal(ks[4], (D_HID, N_CLS), dtype=jnp.float32) * (1.0 / np.sqrt(D_HID))
    b3 = jnp.zeros((N_CLS,), dtype=jnp.float32)
    return {"inputs": inputs, "edge_index": edge_index, "W1": W1, "b1": b1, "W2": W2, "b2": b2, "W3": W3, "b3": b3}


def _graph_conv(h, src, dst, norm_out, norm_in, W, b):
    # DGL GraphConv with norm='both': D_out^{-1/2} A D_in^{-1/2} X W + b
    h = h * norm_out[:, None]
    msgs = jnp.take(h, src, axis=0)
    agg = jnp.zeros((h.shape[0], h.shape[1]), h.dtype).at[dst].add(msgs)
    h = agg * norm_in[:, None]
    return h @ W + b


def reference(inputs, edge_index, W1, b1, W2, b2, W3, b3):
    src = edge_index[0]
    dst = edge_index[1]
    n = inputs.shape[0]
    ones = jnp.ones((src.shape[0],), dtype=inputs.dtype)
    deg_out = jnp.zeros((n,), dtype=inputs.dtype).at[src].add(ones)
    deg_in = jnp.zeros((n,), dtype=inputs.dtype).at[dst].add(ones)
    norm_out = jnp.where(deg_out > 0, deg_out ** -0.5, 0.0)
    norm_in = jnp.where(deg_in > 0, deg_in ** -0.5, 0.0)
    h = _graph_conv(inputs, src, dst, norm_out, norm_in, W1, b1)
    h = jax.nn.relu(h)
    h = _graph_conv(h, src, dst, norm_out, norm_in, W2, b2)
    h = jax.nn.relu(h)
    logits = _graph_conv(h, src, dst, norm_out, norm_in, W3, b3)
    return logits

if __name__ == "__main__":
    import jax
    _d = setup_inputs()
    print(jax.jit(kernel)(*tuple(_d.values())))

</pallas_src>

<mosaic_0001>
#map = affine_map<(d0, d1) -> (0, 0)>
#map1 = affine_map<(d0, d1) -> (0, 0, 0)>
module attributes {stable_mosaic.version = 14 : i64} {
  func.func @agg(%arg0: i32, %arg1: i32, %arg2: memref<10240x128xf32, #tpu.memory_space<hbm>>, %arg3: memref<2560x128xi32, #tpu.memory_space<hbm>>, %arg4: memref<2560x128xi32, #tpu.memory_space<hbm>>, %arg5: memref<640x128xf32, #tpu.memory_space<hbm>>, %arg6: memref<2x10240x128xf32, #tpu.memory_space<hbm>>, %arg7: memref<40x128xi32, #tpu.memory_space<vmem>>, %arg8: memref<40x128xi32, #tpu.memory_space<vmem>>, %arg9: memref<128x128xf32, #tpu.memory_space<vmem>>, %arg10: memref<128x128xf32, #tpu.memory_space<vmem>>, %arg11: memref<10240x128xf32, #tpu.memory_space<vmem_shared>>, %arg12: memref<!tpu.dma_semaphore, #tpu.memory_space<semaphore_mem>>, %arg13: memref<!tpu.dma_semaphore, #tpu.memory_space<semaphore_mem>>) attributes {dimension_semantics = [#tpu.dimension_semantics<core_parallel>, #tpu.dimension_semantics<subcore_parallel>], iteration_bounds = array<i64: 2, 16>, scalar_prefetch = 0 : i64, scratch_operands = 7 : i64, tpu.core_type = #tpu.core_type<sc_vector_subcore>, window_params = [{transform_indices = #map}, {transform_indices = #map}, {transform_indices = #map}, {transform_indices = #map}, {transform_indices = #map1}]} {
    %mul3A = arith.constant 16 : i32
    %mul3A_0 = arith.muli %arg0, %mul3A : i32
    %add3A = arith.addi %mul3A_0, %arg1 : i32
    %mul3A_1 = arith.constant 640 : i32
    %mul3A_2 = arith.muli %arg1, %mul3A_1 : i32
    "tpu.region"() ({
      %run_scoped3A_84 = tpu.sem_alloc : memref<!tpu.dma_semaphore, #tpu.memory_space<semaphore_mem>>
      %dma_start3A_85 = arith.constant 0 : i32
      %dma_start3A_86 = tpu.memref_slice %arg11[%mul3A_2, %dma_start3A_85] : memref<10240x128xf32, #tpu.memory_space<vmem_shared>> -> memref<640x128xf32, #tpu.memory_space<vmem_shared>>
      tpu.enqueue_dma source(%arg5 : memref<640x128xf32, #tpu.memory_space<hbm>>) target(%dma_start3A_86 : memref<640x128xf32, #tpu.memory_space<vmem_shared>>) target_semaphore(%run_scoped3A_84 : memref<!tpu.dma_semaphore, #tpu.memory_space<semaphore_mem>>)
      %dma_wait3A_87 = arith.constant 0 : i32
      %dma_wait3A_88 = tpu.memref_slice %arg11[%mul3A_2, %dma_wait3A_87] : memref<10240x128xf32, #tpu.memory_space<vmem_shared>> -> memref<640x128xf32, #tpu.memory_space<vmem_shared>>
      tpu.wait_dma2 semaphore(%run_scoped3A_84 : memref<!tpu.dma_semaphore, #tpu.memory_space<semaphore_mem>>) src(%arg5 : memref<640x128xf32, #tpu.memory_space<hbm>>) dst(%dma_wait3A_88 : memref<640x128xf32, #tpu.memory_space<vmem_shared>>)
      tpu.yield
    }) : () -> ()
    %barrier3A = arith.constant 0 : index
    tpu.barrier barrier_id(%barrier3A)
    %mul3A_3 = arith.constant 80 : i32
    %mul3A_4 = arith.muli %add3A, %mul3A_3 : i32
    %add3A_5 = arith.constant 0 : i32
    %add3A_6 = arith.addi %mul3A_4, %add3A_5 : i32
    "tpu.region"() ({
      %run_scoped3A_84 = tpu.sem_alloc : memref<!tpu.dma_semaphore, #tpu.memory_space<semaphore_mem>>
      %dma_start3A_85 = arith.constant 0 : i32
      %dma_start3A_86 = tpu.memref_slice %arg3[%add3A_6, %dma_start3A_85] : memref<2560x128xi32, #tpu.memory_space<hbm>> -> memref<40x128xi32, #tpu.memory_space<hbm>>
      %dma_start3A_87 = arith.constant 0 : i32
      %dma_start3A_88 = tpu.memref_slice %arg3[%add3A_6, %dma_start3A_87] : memref<2560x128xi32, #tpu.memory_space<hbm>> -> memref<40x128xi32, #tpu.memory_space<hbm>>
      tpu.enqueue_dma source(%dma_start3A_88 : memref<40x128xi32, #tpu.memory_space<hbm>>) target(%arg7 : memref<40x128xi32, #tpu.memory_space<vmem>>) target_semaphore(%run_scoped3A_84 : memref<!tpu.dma_semaphore, #tpu.memory_space<semaphore_mem>>)
      %dma_wait3A_89 = arith.constant 0 : i32
      %dma_wait3A_90 = tpu.memref_slice %arg3[%add3A_6, %dma_wait3A_89] : memref<2560x128xi32, #tpu.memory_space<hbm>> -> memref<40x128xi32, #tpu.memory_space<hbm>>
      %dma_wait3A_91 = arith.constant 0 : i32
      %dma_wait3A_92 = tpu.memref_slice %arg3[%add3A_6, %dma_wait3A_91] : memref<2560x128xi32, #tpu.memory_space<hbm>> -> memref<40x128xi32, #tpu.memory_space<hbm>>
      tpu.wait_dma2 semaphore(%run_scoped3A_84 : memref<!tpu.dma_semaphore, #tpu.memory_space<semaphore_mem>>) src(%dma_wait3A_92 : memref<40x128xi32, #tpu.memory_space<hbm>>) dst(%arg7 : memref<40x128xi32, #tpu.memory_space<vmem>>)
      tpu.yield
    }) : () -> ()
    "tpu.region"() ({
      %run_scoped3A_84 = tpu.sem_alloc : memref<!tpu.dma_semaphore, #tpu.memory_space<semaphore_mem>>
      %dma_start3A_85 = arith.constant 0 : i32
      %dma_start3A_86 = tpu.memref_slice %arg4[%add3A_6, %dma_start3A_85] : memref<2560x128xi32, #tpu.memory_space<hbm>> -> memref<40x128xi32, #tpu.memory_space<hbm>>
      %dma_start3A_87 = arith.constant 0 : i32
      %dma_start3A_88 = tpu.memref_slice %arg4[%add3A_6, %dma_start3A_87] : memref<2560x128xi32, #tpu.memory_space<hbm>> -> memref<40x128xi32, #tpu.memory_space<hbm>>
      tpu.enqueue_dma source(%dma_start3A_88 : memref<40x128xi32, #tpu.memory_space<hbm>>) target(%arg8 : memref<40x128xi32, #tpu.memory_space<vmem>>) target_semaphore(%run_scoped3A_84 : memref<!tpu.dma_semaphore, #tpu.memory_space<semaphore_mem>>)
      %dma_wait3A_89 = arith.constant 0 : i32
      %dma_wait3A_90 = tpu.memref_slice %arg4[%add3A_6, %dma_wait3A_89] : memref<2560x128xi32, #tpu.memory_space<hbm>> -> memref<40x128xi32, #tpu.memory_space<hbm>>
      %dma_wait3A_91 = arith.constant 0 : i32
      %dma_wait3A_92 = tpu.memref_slice %arg4[%add3A_6, %dma_wait3A_91] : memref<2560x128xi32, #tpu.memory_space<hbm>> -> memref<40x128xi32, #tpu.memory_space<hbm>>
      tpu.wait_dma2 semaphore(%run_scoped3A_84 : memref<!tpu.dma_semaphore, #tpu.memory_space<semaphore_mem>>) src(%dma_wait3A_92 : memref<40x128xi32, #tpu.memory_space<hbm>>) dst(%arg8 : memref<40x128xi32, #tpu.memory_space<vmem>>)
      tpu.yield
    }) : () -> ()
    %dma_start3A = arith.constant 0 : i32
    %dma_start3A_7 = arith.constant 0 : i32
    %dma_start3A_8 = tpu.memref_slice %arg7[%dma_start3A, %dma_start3A_7] : memref<40x128xi32, #tpu.memory_space<vmem>> -> memref<1x128xi32, #tpu.memory_space<vmem>>
    %dma_start3A_9 = tpu.memref_squeeze %dma_start3A_8 : memref<1x128xi32, #tpu.memory_space<vmem>> -> memref<128xi32, #tpu.memory_space<vmem>>
    %dma_start3A_10 = arith.constant 0 : i32
    %dma_start3A_11 = arith.constant 0 : i32
    %dma_start3A_12 = tpu.memref_slice %arg2[%dma_start3A_10, %dma_start3A_11] : memref<10240x128xf32, #tpu.memory_space<hbm>> -> memref<10240x128xf32, #tpu.memory_space<hbm>>
    tpu.enqueue_indirect_dma source(%dma_start3A_12 : memref<10240x128xf32, #tpu.memory_space<hbm>>) target(%arg9 : memref<128x128xf32, #tpu.memory_space<vmem>>) offsets(%dma_start3A_9 : memref<128xi32, #tpu.memory_space<vmem>>) semaphore(%arg12 : memref<!tpu.dma_semaphore, #tpu.memory_space<semaphore_mem>>)
    %scan3A = arith.constant 0 : i32
    %scan3A_13 = arith.constant 0 : i32
    %scan3A_14 = arith.constant 19 : i32
    %scan3A_15 = arith.addi %scan3A_13, %scan3A_14 : i32
    %scan3A_16 = arith.constant 1 : i32
    scf.for %scan3A_84 = %scan3A_13 to %scan3A_15 step %scan3A_16  : i32 {
      %mul3A_85 = arith.constant 2 : i32
      %mul3A_86 = arith.muli %mul3A_85, %scan3A_84 : i32
      %add3A_87 = arith.constant 1 : i32
      %add3A_88 = arith.addi %mul3A_86, %add3A_87 : i32
      %dma_start3A_89 = arith.constant 0 : i32
      %dma_start3A_90 = tpu.memref_slice %arg7[%add3A_88, %dma_start3A_89] : memref<40x128xi32, #tpu.memory_space<vmem>> -> memref<1x128xi32, #tpu.memory_space<vmem>>
      %dma_start3A_91 = tpu.memref_squeeze %dma_start3A_90 : memref<1x128xi32, #tpu.memory_space<vmem>> -> memref<128xi32, #tpu.memory_space<vmem>>
      %dma_start3A_92 = arith.constant 0 : i32
      %dma_start3A_93 = arith.constant 0 : i32
      %dma_start3A_94 = tpu.memref_slice %arg2[%dma_start3A_92, %dma_start3A_93] : memref<10240x128xf32, #tpu.memory_space<hbm>> -> memref<10240x128xf32, #tpu.memory_space<hbm>>
      tpu.enqueue_indirect_dma source(%dma_start3A_94 : memref<10240x128xf32, #tpu.memory_space<hbm>>) target(%arg10 : memref<128x128xf32, #tpu.memory_space<vmem>>) offsets(%dma_start3A_91 : memref<128xi32, #tpu.memory_space<vmem>>) semaphore(%arg13 : memref<!tpu.dma_semaphore, #tpu.memory_space<semaphore_mem>>)
      %dma_wait3A_95 = arith.constant 0 : i32
      %dma_wait3A_96 = tpu.memref_slice %arg7[%mul3A_86, %dma_wait3A_95] : memref<40x128xi32, #tpu.memory_space<vmem>> -> memref<1x128xi32, #tpu.memory_space<vmem>>
      %dma_wait3A_97 = tpu.memref_squeeze %dma_wait3A_96 : memref<1x128xi32, #tpu.memory_space<vmem>> -> memref<128xi32, #tpu.memory_space<vmem>>
      %dma_wait3A_98 = arith.constant 0 : i32
      %dma_wait3A_99 = arith.constant 0 : i32
      %dma_wait3A_100 = tpu.memref_slice %arg2[%dma_wait3A_98, %dma_wait3A_99] : memref<10240x128xf32, #tpu.memory_space<hbm>> -> memref<10240x128xf32, #tpu.memory_space<hbm>>
      tpu.wait_indirect_dma semaphore(%arg12 : memref<!tpu.dma_semaphore, #tpu.memory_space<semaphore_mem>>) src(%dma_wait3A_100 : memref<10240x128xf32, #tpu.memory_space<hbm>>) dst(%arg9 : memref<128x128xf32, #tpu.memory_space<vmem>>)
      "tpu.region"() ({
        %run_scoped3A_119 = tpu.sem_alloc : memref<!tpu.dma_semaphore, #tpu.memory_space<semaphore_mem>>
        %dma_start3A_120 = arith.constant 0 : i32
        %dma_start3A_121 = tpu.memref_slice %arg8[%mul3A_86, %dma_start3A_120] : memref<40x128xi32, #tpu.memory_space<vmem>> -> memref<1x128xi32, #tpu.memory_space<vmem>>
        %dma_start3A_122 = tpu.memref_squeeze %dma_start3A_121 : memref<1x128xi32, #tpu.memory_space<vmem>> -> memref<128xi32, #tpu.memory_space<vmem>>
        %dma_start3A_123 = arith.constant 0 : i32
        %dma_start3A_124 = arith.constant 0 : i32
        %dma_start3A_125 = tpu.memref_slice %arg11[%dma_start3A_123, %dma_start3A_124] : memref<10240x128xf32, #tpu.memory_space<vmem_shared>> -> memref<10240x128xf32, #tpu.memory_space<vmem_shared>>
        tpu.enqueue_indirect_dma source(%arg9 : memref<128x128xf32, #tpu.memory_space<vmem>>) target(%dma_start3A_125 : memref<10240x128xf32, #tpu.memory_space<vmem_shared>>) offsets(%dma_start3A_122 : memref<128xi32, #tpu.memory_space<vmem>>) semaphore(%run_scoped3A_119 : memref<!tpu.dma_semaphore, #tpu.memory_space<semaphore_mem>>) {add = true}
        %dma_wait3A_126 = arith.constant 0 : i32
        %dma_wait3A_127 = tpu.memref_slice %arg8[%mul3A_86, %dma_wait3A_126] : memref<40x128xi32, #tpu.memory_space<vmem>> -> memref<1x128xi32, #tpu.memory_space<vmem>>
        %dma_wait3A_128 = tpu.memref_squeeze %dma_wait3A_127 : memref<1x128xi32, #tpu.memory_space<vmem>> -> memref<128xi32, #tpu.memory_space<vmem>>
        %dma_wait3A_129 = arith.constant 0 : i32
        %dma_wait3A_130 = arith.constant 0 : i32
        %dma_wait3A_131 = tpu.memref_slice %arg11[%dma_wait3A_129, %dma_wait3A_130] : memref<10240x128xf32, #tpu.memory_space<vmem_shared>> -> memref<10240x128xf32, #tpu.memory_space<vmem_shared>>
        tpu.wait_indirect_dma semaphore(%run_scoped3A_119 : memref<!tpu.dma_semaphore, #tpu.memory_space<semaphore_mem>>) src(%arg9 : memref<128x128xf32, #tpu.memory_space<vmem>>) dst(%dma_wait3A_131 : memref<10240x128xf32, #tpu.memory_space<vmem_shared>>)
        tpu.yield
      }) : () -> ()
      %add3A_101 = arith.constant 2 : i32
      %add3A_102 = arith.addi %mul3A_86, %add3A_101 : i32
      %dma_start3A_103 = arith.constant 0 : i32
      %dma_start3A_104 = tpu.memref_slice %arg7[%add3A_102, %dma_start3A_103] : memref<40x128xi32, #tpu.memory_space<vmem>> -> memref<1x128xi32, #tpu.memory_space<vmem>>
      %dma_start3A_105 = tpu.memref_squeeze %dma_start3A_104 : memref<1x128xi32, #tpu.memory_space<vmem>> -> memref<128xi32, #tpu.memory_space<vmem>>
      %dma_start3A_106 = arith.constant 0 : i32
      %dma_start3A_107 = arith.constant 0 : i32
      %dma_start3A_108 = tpu.memref_slice %arg2[%dma_start3A_106, %dma_start3A_107] : memref<10240x128xf32, #tpu.memory_space<hbm>> -> memref<10240x128xf32, #tpu.memory_space<hbm>>
      tpu.enqueue_indirect_dma source(%dma_start3A_108 : memref<10240x128xf32, #tpu.memory_space<hbm>>) target(%arg9 : memref<128x128xf32, #tpu.memory_space<vmem>>) offsets(%dma_start3A_105 : memref<128xi32, #tpu.memory_space<vmem>>) semaphore(%arg12 : memref<!tpu.dma_semaphore, #tpu.memory_space<semaphore_mem>>)
      %add3A_109 = arith.constant 1 : i32
      %add3A_110 = arith.addi %mul3A_86, %add3A_109 : i32
      %dma_wait3A_111 = arith.constant 0 : i32
      %dma_wait3A_112 = tpu.memref_slice %arg7[%add3A_110, %dma_wait3A_111] : memref<40x128xi32, #tpu.memory_space<vmem>> -> memref<1x128xi32, #tpu.memory_space<vmem>>
      %dma_wait3A_113 = tpu.memref_squeeze %dma_wait3A_112 : memref<1x128xi32, #tpu.memory_space<vmem>> -> memref<128xi32, #tpu.memory_space<vmem>>
      %dma_wait3A_114 = arith.constant 0 : i32
      %dma_wait3A_115 = arith.constant 0 : i32
      %dma_wait3A_116 = tpu.memref_slice %arg2[%dma_wait3A_114, %dma_wait3A_115] : memref<10240x128xf32, #tpu.memory_space<hbm>> -> memref<10240x128xf32, #tpu.memory_space<hbm>>
      tpu.wait_indirect_dma semaphore(%arg13 : memref<!tpu.dma_semaphore, #tpu.memory_space<semaphore_mem>>) src(%dma_wait3A_116 : memref<10240x128xf32, #tpu.memory_space<hbm>>) dst(%arg10 : memref<128x128xf32, #tpu.memory_space<vmem>>)
      %add3A_117 = arith.constant 1 : i32
      %add3A_118 = arith.addi %mul3A_86, %add3A_117 : i32
      "tpu.region"() ({
        %run_scoped3A_119 = tpu.sem_alloc : memref<!tpu.dma_semaphore, #tpu.memory_space<semaphore_mem>>
        %dma_start3A_120 = arith.constant 0 : i32
        %dma_start3A_121 = tpu.memref_slice %arg8[%add3A_118, %dma_start3A_120] : memref<40x128xi32, #tpu.memory_space<vmem>> -> memref<1x128xi32, #tpu.memory_space<vmem>>
        %dma_start3A_122 = tpu.memref_squeeze %dma_start3A_121 : memref<1x128xi32, #tpu.memory_space<vmem>> -> memref<128xi32, #tpu.memory_space<vmem>>
        %dma_start3A_123 = arith.constant 0 : i32
        %dma_start3A_124 = arith.constant 0 : i32
        %dma_start3A_125 = tpu.memref_slice %arg11[%dma_start3A_123, %dma_start3A_124] : memref<10240x128xf32, #tpu.memory_space<vmem_shared>> -> memref<10240x128xf32, #tpu.memory_space<vmem_shared>>
        tpu.enqueue_indirect_dma source(%arg10 : memref<128x128xf32, #tpu.memory_space<vmem>>) target(%dma_start3A_125 : memref<10240x128xf32, #tpu.memory_space<vmem_shared>>) offsets(%dma_start3A_122 : memref<128xi32, #tpu.memory_space<vmem>>) semaphore(%run_scoped3A_119 : memref<!tpu.dma_semaphore, #tpu.memory_space<semaphore_mem>>) {add = true}
        %dma_wait3A_126 = arith.constant 0 : i32
        %dma_wait3A_127 = tpu.memref_slice %arg8[%add3A_118, %dma_wait3A_126] : memref<40x128xi32, #tpu.memory_space<vmem>> -> memref<1x128xi32, #tpu.memory_space<vmem>>
        %dma_wait3A_128 = tpu.memref_squeeze %dma_wait3A_127 : memref<1x128xi32, #tpu.memory_space<vmem>> -> memref<128xi32, #tpu.memory_space<vmem>>
        %dma_wait3A_129 = arith.constant 0 : i32
        %dma_wait3A_130 = arith.constant 0 : i32
        %dma_wait3A_131 = tpu.memref_slice %arg11[%dma_wait3A_129, %dma_wait3A_130] : memref<10240x128xf32, #tpu.memory_space<vmem_shared>> -> memref<10240x128xf32, #tpu.memory_space<vmem_shared>>
        tpu.wait_indirect_dma semaphore(%run_scoped3A_119 : memref<!tpu.dma_semaphore, #tpu.memory_space<semaphore_mem>>) src(%arg10 : memref<128x128xf32, #tpu.memory_space<vmem>>) dst(%dma_wait3A_131 : memref<10240x128xf32, #tpu.memory_space<vmem_shared>>)
        tpu.yield
      }) : () -> ()
    }
    %scan3A_17 = arith.constant 19 : i32
    %dma_start3A_18 = arith.constant 39 : i32
    %dma_start3A_19 = arith.constant 0 : i32
    %dma_start3A_20 = tpu.memref_slice %arg7[%dma_start3A_18, %dma_start3A_19] : memref<40x128xi32, #tpu.memory_space<vmem>> -> memref<1x128xi32, #tpu.memory_space<vmem>>
    %dma_start3A_21 = tpu.memref_squeeze %dma_start3A_20 : memref<1x128xi32, #tpu.memory_space<vmem>> -> memref<128xi32, #tpu.memory_space<vmem>>
    %dma_start3A_22 = arith.constant 0 : i32
    %dma_start3A_23 = arith.constant 0 : i32
    %dma_start3A_24 = tpu.memref_slice %arg2[%dma_start3A_22, %dma_start3A_23] : memref<10240x128xf32, #tpu.memory_space<hbm>> -> memref<10240x128xf32, #tpu.memory_space<hbm>>
    tpu.enqueue_indirect_dma source(%dma_start3A_24 : memref<10240x128xf32, #tpu.memory_space<hbm>>) target(%arg10 : memref<128x128xf32, #tpu.memory_space<vmem>>) offsets(%dma_start3A_21 : memref<128xi32, #tpu.memory_space<vmem>>) semaphore(%arg13 : memref<!tpu.dma_semaphore, #tpu.memory_space<semaphore_mem>>)
    %dma_wait3A = arith.constant 38 : i32
    %dma_wait3A_25 = arith.constant 0 : i32
    %dma_wait3A_26 = tpu.memref_slice %arg7[%dma_wait3A, %dma_wait3A_25] : memref<40x128xi32, #tpu.memory_space<vmem>> -> memref<1x128xi32, #tpu.memory_space<vmem>>
    %dma_wait3A_27 = tpu.memref_squeeze %dma_wait3A_26 : memref<1x128xi32, #tpu.memory_space<vmem>> -> memref<128xi32, #tpu.memory_space<vmem>>
    %dma_wait3A_28 = arith.constant 0 : i32
    %dma_wait3A_29 = arith.constant 0 : i32
    %dma_wait3A_30 = tpu.memref_slice %arg2[%dma_wait3A_28, %dma_wait3A_29] : memref<10240x128xf32, #tpu.memory_space<hbm>> -> memref<10240x128xf32, #tpu.memory_space<hbm>>
    tpu.wait_indirect_dma semaphore(%arg12 : memref<!tpu.dma_semaphore, #tpu.memory_space<semaphore_mem>>) src(%dma_wait3A_30 : memref<10240x128xf32, #tpu.memory_space<hbm>>) dst(%arg9 : memref<128x128xf32, #tpu.memory_space<vmem>>)
    %run_scoped3A = arith.constant 38 : i32
    "tpu.region"() ({
      %run_scoped3A_84 = tpu.sem_alloc : memref<!tpu.dma_semaphore, #tpu.memory_space<semaphore_mem>>
      %dma_start3A_85 = arith.constant 0 : i32
      %dma_start3A_86 = tpu.memref_slice %arg8[%run_scoped3A, %dma_start3A_85] : memref<40x128xi32, #tpu.memory_space<vmem>> -> memref<1x128xi32, #tpu.memory_space<vmem>>
      %dma_start3A_87 = tpu.memref_squeeze %dma_start3A_86 : memref<1x128xi32, #tpu.memory_space<vmem>> -> memref<128xi32, #tpu.memory_space<vmem>>
      %dma_start3A_88 = arith.constant 0 : i32
      %dma_start3A_89 = arith.constant 0 : i32
      %dma_start3A_90 = tpu.memref_slice %arg11[%dma_start3A_88, %dma_start3A_89] : memref<10240x128xf32, #tpu.memory_space<vmem_shared>> -> memref<10240x128xf32, #tpu.memory_space<vmem_shared>>
      tpu.enqueue_indirect_dma source(%arg9 : memref<128x128xf32, #tpu.memory_space<vmem>>) target(%dma_start3A_90 : memref<10240x128xf32, #tpu.memory_space<vmem_shared>>) offsets(%dma_start3A_87 : memref<128xi32, #tpu.memory_space<vmem>>) semaphore(%run_scoped3A_84 : memref<!tpu.dma_semaphore, #tpu.memory_space<semaphore_mem>>) {add = true}
      %dma_wait3A_91 = arith.constant 0 : i32
      %dma_wait3A_92 = tpu.memref_slice %arg8[%run_scoped3A, %dma_wait3A_91] : memref<40x128xi32, #tpu.memory_space<vmem>> -> memref<1x128xi32, #tpu.memory_space<vmem>>
      %dma_wait3A_93 = tpu.memref_squeeze %dma_wait3A_92 : memref<1x128xi32, #tpu.memory_space<vmem>> -> memref<128xi32, #tpu.memory_space<vmem>>
      %dma_wait3A_94 = arith.constant 0 : i32
      %dma_wait3A_95 = arith.constant 0 : i32
      %dma_wait3A_96 = tpu.memref_slice %arg11[%dma_wait3A_94, %dma_wait3A_95] : memref<10240x128xf32, #tpu.memory_space<vmem_shared>> -> memref<10240x128xf32, #tpu.memory_space<vmem_shared>>
      tpu.wait_indirect_dma semaphore(%run_scoped3A_84 : memref<!tpu.dma_semaphore, #tpu.memory_space<semaphore_mem>>) src(%arg9 : memref<128x128xf32, #tpu.memory_space<vmem>>) dst(%dma_wait3A_96 : memref<10240x128xf32, #tpu.memory_space<vmem_shared>>)
      tpu.yield
    }) : () -> ()
    %dma_wait3A_31 = arith.constant 39 : i32
    %dma_wait3A_32 = arith.constant 0 : i32
    %dma_wait3A_33 = tpu.memref_slice %arg7[%dma_wait3A_31, %dma_wait3A_32] : memref<40x128xi32, #tpu.memory_space<vmem>> -> memref<1x128xi32, #tpu.memory_space<vmem>>
    %dma_wait3A_34 = tpu.memref_squeeze %dma_wait3A_33 : memref<1x128xi32, #tpu.memory_space<vmem>> -> memref<128xi32, #tpu.memory_space<vmem>>
    %dma_wait3A_35 = arith.constant 0 : i32
    %dma_wait3A_36 = arith.constant 0 : i32
    %dma_wait3A_37 = tpu.memref_slice %arg2[%dma_wait3A_35, %dma_wait3A_36] : memref<10240x128xf32, #tpu.memory_space<hbm>> -> memref<10240x128xf32, #tpu.memory_space<hbm>>
    tpu.wait_indirect_dma semaphore(%arg13 : memref<!tpu.dma_semaphore, #tpu.memory_space<semaphore_mem>>) src(%dma_wait3A_37 : memref<10240x128xf32, #tpu.memory_space<hbm>>) dst(%arg10 : memref<128x128xf32, #tpu.memory_space<vmem>>)
    %run_scoped3A_38 = arith.constant 39 : i32
    "tpu.region"() ({
      %run_scoped3A_84 = tpu.sem_alloc : memref<!tpu.dma_semaphore, #tpu.memory_space<semaphore_mem>>
      %dma_start3A_85 = arith.constant 0 : i32
      %dma_start3A_86 = tpu.memref_slice %arg8[%run_scoped3A_38, %dma_start3A_85] : memref<40x128xi32, #tpu.memory_space<vmem>> -> memref<1x128xi32, #tpu.memory_space<vmem>>
      %dma_start3A_87 = tpu.memref_squeeze %dma_start3A_86 : memref<1x128xi32, #tpu.memory_space<vmem>> -> memref<128xi32, #tpu.memory_space<vmem>>
      %dma_start3A_88 = arith.constant 0 : i32
      %dma_start3A_89 = arith.constant 0 : i32
      %dma_start3A_90 = tpu.memref_slice %arg11[%dma_start3A_88, %dma_start3A_89] : memref<10240x128xf32, #tpu.memory_space<vmem_shared>> -> memref<10240x128xf32, #tpu.memory_space<vmem_shared>>
      tpu.enqueue_indirect_dma source(%arg10 : memref<128x128xf32, #tpu.memory_space<vmem>>) target(%dma_start3A_90 : memref<10240x128xf32, #tpu.memory_space<vmem_shared>>) offsets(%dma_start3A_87 : memref<128xi32, #tpu.memory_space<vmem>>) semaphore(%run_scoped3A_84 : memref<!tpu.dma_semaphore, #tpu.memory_space<semaphore_mem>>) {add = true}
      %dma_wait3A_91 = arith.constant 0 : i32
      %dma_wait3A_92 = tpu.memref_slice %arg8[%run_scoped3A_38, %dma_wait3A_91] : memref<40x128xi32, #tpu.memory_space<vmem>> -> memref<1x128xi32, #tpu.memory_space<vmem>>
      %dma_wait3A_93 = tpu.memref_squeeze %dma_wait3A_92 : memref<1x128xi32, #tpu.memory_space<vmem>> -> memref<128xi32, #tpu.memory_space<vmem>>
      %dma_wait3A_94 = arith.constant 0 : i32
      %dma_wait3A_95 = arith.constant 0 : i32
      %dma_wait3A_96 = tpu.memref_slice %arg11[%dma_wait3A_94, %dma_wait3A_95] : memref<10240x128xf32, #tpu.memory_space<vmem_shared>> -> memref<10240x128xf32, #tpu.memory_space<vmem_shared>>
      tpu.wait_indirect_dma semaphore(%run_scoped3A_84 : memref<!tpu.dma_semaphore, #tpu.memory_space<semaphore_mem>>) src(%arg10 : memref<128x128xf32, #tpu.memory_space<vmem>>) dst(%dma_wait3A_96 : memref<10240x128xf32, #tpu.memory_space<vmem_shared>>)
      tpu.yield
    }) : () -> ()
    %mul3A_39 = arith.constant 80 : i32
    %mul3A_40 = arith.muli %add3A, %mul3A_39 : i32
    %add3A_41 = arith.constant 40 : i32
    %add3A_42 = arith.addi %mul3A_40, %add3A_41 : i32
    "tpu.region"() ({
      %run_scoped3A_84 = tpu.sem_alloc : memref<!tpu.dma_semaphore, #tpu.memory_space<semaphore_mem>>
      %dma_start3A_85 = arith.constant 0 : i32
      %dma_start3A_86 = tpu.memref_slice %arg3[%add3A_42, %dma_start3A_85] : memref<2560x128xi32, #tpu.memory_space<hbm>> -> memref<40x128xi32, #tpu.memory_space<hbm>>
      %dma_start3A_87 = arith.constant 0 : i32
      %dma_start3A_88 = tpu.memref_slice %arg3[%add3A_42, %dma_start3A_87] : memref<2560x128xi32, #tpu.memory_space<hbm>> -> memref<40x128xi32, #tpu.memory_space<hbm>>
      tpu.enqueue_dma source(%dma_start3A_88 : memref<40x128xi32, #tpu.memory_space<hbm>>) target(%arg7 : memref<40x128xi32, #tpu.memory_space<vmem>>) target_semaphore(%run_scoped3A_84 : memref<!tpu.dma_semaphore, #tpu.memory_space<semaphore_mem>>)
      %dma_wait3A_89 = arith.constant 0 : i32
      %dma_wait3A_90 = tpu.memref_slice %arg3[%add3A_42, %dma_wait3A_89] : memref<2560x128xi32, #tpu.memory_space<hbm>> -> memref<40x128xi32, #tpu.memory_space<hbm>>
      %dma_wait3A_91 = arith.constant 0 : i32
      %dma_wait3A_92 = tpu.memref_slice %arg3[%add3A_42, %dma_wait3A_91] : memref<2560x128xi32, #tpu.memory_space<hbm>> -> memref<40x128xi32, #tpu.memory_space<hbm>>
      tpu.wait_dma2 semaphore(%run_scoped3A_84 : memref<!tpu.dma_semaphore, #tpu.memory_space<semaphore_mem>>) src(%dma_wait3A_92 : memref<40x128xi32, #tpu.memory_space<hbm>>) dst(%arg7 : memref<40x128xi32, #tpu.memory_space<vmem>>)
      tpu.yield
    }) : () -> ()
    "tpu.region"() ({
      %run_scoped3A_84 = tpu.sem_alloc : memref<!tpu.dma_semaphore, #tpu.memory_space<semaphore_mem>>
      %dma_start3A_85 = arith.constant 0 : i32
      %dma_start3A_86 = tpu.memref_slice %arg4[%add3A_42, %dma_start3A_85] : memref<2560x128xi32, #tpu.memory_space<hbm>> -> memref<40x128xi32, #tpu.memory_space<hbm>>
      %dma_start3A_87 = arith.constant 0 : i32
      %dma_start3A_88 = tpu.memref_slice %arg4[%add3A_42, %dma_start3A_87] : memref<2560x128xi32, #tpu.memory_space<hbm>> -> memref<40x128xi32, #tpu.memory_space<hbm>>
      tpu.enqueue_dma source(%dma_start3A_88 : memref<40x128xi32, #tpu.memory_space<hbm>>) target(%arg8 : memref<40x128xi32, #tpu.memory_space<vmem>>) target_semaphore(%run_scoped3A_84 : memref<!tpu.dma_semaphore, #tpu.memory_space<semaphore_mem>>)
      %dma_wait3A_89 = arith.constant 0 : i32
      %dma_wait3A_90 = tpu.memref_slice %arg4[%add3A_42, %dma_wait3A_89] : memref<2560x128xi32, #tpu.memory_space<hbm>> -> memref<40x128xi32, #tpu.memory_space<hbm>>
      %dma_wait3A_91 = arith.constant 0 : i32
      %dma_wait3A_92 = tpu.memref_slice %arg4[%add3A_42, %dma_wait3A_91] : memref<2560x128xi32, #tpu.memory_space<hbm>> -> memref<40x128xi32, #tpu.memory_space<hbm>>
      tpu.wait_dma2 semaphore(%run_scoped3A_84 : memref<!tpu.dma_semaphore, #tpu.memory_space<semaphore_mem>>) src(%dma_wait3A_92 : memref<40x128xi32, #tpu.memory_space<hbm>>) dst(%arg8 : memref<40x128xi32, #tpu.memory_space<vmem>>)
      tpu.yield
    }) : () -> ()
    %dma_start3A_43 = arith.constant 0 : i32
    %dma_start3A_44 = arith.constant 0 : i32
    %dma_start3A_45 = tpu.memref_slice %arg7[%dma_start3A_43, %dma_start3A_44] : memref<40x128xi32, #tpu.memory_space<vmem>> -> memref<1x128xi32, #tpu.memory_space<vmem>>
    %dma_start3A_46 = tpu.memref_squeeze %dma_start3A_45 : memref<1x128xi32, #tpu.memory_space<vmem>> -> memref<128xi32, #tpu.memory_space<vmem>>
    %dma_start3A_47 = arith.constant 0 : i32
    %dma_start3A_48 = arith.constant 0 : i32
    %dma_start3A_49 = tpu.memref_slice %arg2[%dma_start3A_47, %dma_start3A_48] : memref<10240x128xf32, #tpu.memory_space<hbm>> -> memref<10240x128xf32, #tpu.memory_space<hbm>>
    tpu.enqueue_indirect_dma source(%dma_start3A_49 : memref<10240x128xf32, #tpu.memory_space<hbm>>) target(%arg9 : memref<128x128xf32, #tpu.memory_space<vmem>>) offsets(%dma_start3A_46 : memref<128xi32, #tpu.memory_space<vmem>>) semaphore(%arg12 : memref<!tpu.dma_semaphore, #tpu.memory_space<semaphore_mem>>)
    %scan3A_50 = arith.constant 0 : i32
    %scan3A_51 = arith.constant 0 : i32
    %scan3A_52 = arith.constant 19 : i32
    %scan3A_53 = arith.addi %scan3A_51, %scan3A_52 : i32
    %scan3A_54 = arith.constant 1 : i32
    scf.for %scan3A_84 = %scan3A_51 to %scan3A_53 step %scan3A_54  : i32 {
      %mul3A_85 = arith.constant 2 : i32
      %mul3A_86 = arith.muli %mul3A_85, %scan3A_84 : i32
      %add3A_87 = arith.constant 1 : i32
      %add3A_88 = arith.addi %mul3A_86, %add3A_87 : i32
      %dma_start3A_89 = arith.constant 0 : i32
      %dma_start3A_90 = tpu.memref_slice %arg7[%add3A_88, %dma_start3A_89] : memref<40x128xi32, #tpu.memory_space<vmem>> -> memref<1x128xi32, #tpu.memory_space<vmem>>
      %dma_start3A_91 = tpu.memref_squeeze %dma_start3A_90 : memref<1x128xi32, #tpu.memory_space<vmem>> -> memref<128xi32, #tpu.memory_space<vmem>>
      %dma_start3A_92 = arith.constant 0 : i32
      %dma_start3A_93 = arith.constant 0 : i32
      %dma_start3A_94 = tpu.memref_slice %arg2[%dma_start3A_92, %dma_start3A_93] : memref<10240x128xf32, #tpu.memory_space<hbm>> -> memref<10240x128xf32, #tpu.memory_space<hbm>>
      tpu.enqueue_indirect_dma source(%dma_start3A_94 : memref<10240x128xf32, #tpu.memory_space<hbm>>) target(%arg10 : memref<128x128xf32, #tpu.memory_space<vmem>>) offsets(%dma_start3A_91 : memref<128xi32, #tpu.memory_space<vmem>>) semaphore(%arg13 : memref<!tpu.dma_semaphore, #tpu.memory_space<semaphore_mem>>)
      %dma_wait3A_95 = arith.constant 0 : i32
      %dma_wait3A_96 = tpu.memref_slice %arg7[%mul3A_86, %dma_wait3A_95] : memref<40x128xi32, #tpu.memory_space<vmem>> -> memref<1x128xi32, #tpu.memory_space<vmem>>
      %dma_wait3A_97 = tpu.memref_squeeze %dma_wait3A_96 : memref<1x128xi32, #tpu.memory_space<vmem>> -> memref<128xi32, #tpu.memory_space<vmem>>
      %dma_wait3A_98 = arith.constant 0 : i32
      %dma_wait3A_99 = arith.constant 0 : i32
      %dma_wait3A_100 = tpu.memref_slice %arg2[%dma_wait3A_98, %dma_wait3A_99] : memref<10240x128xf32, #tpu.memory_space<hbm>> -> memref<10240x128xf32, #tpu.memory_space<hbm>>
      tpu.wait_indirect_dma semaphore(%arg12 : memref<!tpu.dma_semaphore, #tpu.memory_space<semaphore_mem>>) src(%dma_wait3A_100 : memref<10240x128xf32, #tpu.memory_space<hbm>>) dst(%arg9 : memref<128x128xf32, #tpu.memory_space<vmem>>)
      "tpu.region"() ({
        %run_scoped3A_119 = tpu.sem_alloc : memref<!tpu.dma_semaphore, #tpu.memory_space<semaphore_mem>>
        %dma_start3A_120 = arith.constant 0 : i32
        %dma_start3A_121 = tpu.memref_slice %arg8[%mul3A_86, %dma_start3A_120] : memref<40x128xi32, #tpu.memory_space<vmem>> -> memref<1x128xi32, #tpu.memory_space<vmem>>
        %dma_start3A_122 = tpu.memref_squeeze %dma_start3A_121 : memref<1x128xi32, #tpu.memory_space<vmem>> -> memref<128xi32, #tpu.memory_space<vmem>>
        %dma_start3A_123 = arith.constant 0 : i32
        %dma_start3A_124 = arith.constant 0 : i32
        %dma_start3A_125 = tpu.memref_slice %arg11[%dma_start3A_123, %dma_start3A_124] : memref<10240x128xf32, #tpu.memory_space<vmem_shared>> -> memref<10240x128xf32, #tpu.memory_space<vmem_shared>>
        tpu.enqueue_indirect_dma source(%arg9 : memref<128x128xf32, #tpu.memory_space<vmem>>) target(%dma_start3A_125 : memref<10240x128xf32, #tpu.memory_space<vmem_shared>>) offsets(%dma_start3A_122 : memref<128xi32, #tpu.memory_space<vmem>>) semaphore(%run_scoped3A_119 : memref<!tpu.dma_semaphore, #tpu.memory_space<semaphore_mem>>) {add = true}
        %dma_wait3A_126 = arith.constant 0 : i32
        %dma_wait3A_127 = tpu.memref_slice %arg8[%mul3A_86, %dma_wait3A_126] : memref<40x128xi32, #tpu.memory_space<vmem>> -> memref<1x128xi32, #tpu.memory_space<vmem>>
        %dma_wait3A_128 = tpu.memref_squeeze %dma_wait3A_127 : memref<1x128xi32, #tpu.memory_space<vmem>> -> memref<128xi32, #tpu.memory_space<vmem>>
        %dma_wait3A_129 = arith.constant 0 : i32
        %dma_wait3A_130 = arith.constant 0 : i32
        %dma_wait3A_131 = tpu.memref_slice %arg11[%dma_wait3A_129, %dma_wait3A_130] : memref<10240x128xf32, #tpu.memory_space<vmem_shared>> -> memref<10240x128xf32, #tpu.memory_space<vmem_shared>>
        tpu.wait_indirect_dma semaphore(%run_scoped3A_119 : memref<!tpu.dma_semaphore, #tpu.memory_space<semaphore_mem>>) src(%arg9 : memref<128x128xf32, #tpu.memory_space<vmem>>) dst(%dma_wait3A_131 : memref<10240x128xf32, #tpu.memory_space<vmem_shared>>)
        tpu.yield
      }) : () -> ()
      %add3A_101 = arith.constant 2 : i32
      %add3A_102 = arith.addi %mul3A_86, %add3A_101 : i32
      %dma_start3A_103 = arith.constant 0 : i32
      %dma_start3A_104 = tpu.memref_slice %arg7[%add3A_102, %dma_start3A_103] : memref<40x128xi32, #tpu.memory_space<vmem>> -> memref<1x128xi32, #tpu.memory_space<vmem>>
      %dma_start3A_105 = tpu.memref_squeeze %dma_start3A_104 : memref<1x128xi32, #tpu.memory_space<vmem>> -> memref<128xi32, #tpu.memory_space<vmem>>
      %dma_start3A_106 = arith.constant 0 : i32
      %dma_start3A_107 = arith.constant 0 : i32
      %dma_start3A_108 = tpu.memref_slice %arg2[%dma_start3A_106, %dma_start3A_107] : memref<10240x128xf32, #tpu.memory_space<hbm>> -> memref<10240x128xf32, #tpu.memory_space<hbm>>
      tpu.enqueue_indirect_dma source(%dma_start3A_108 : memref<10240x128xf32, #tpu.memory_space<hbm>>) target(%arg9 : memref<128x128xf32, #tpu.memory_space<vmem>>) offsets(%dma_start3A_105 : memref<128xi32, #tpu.memory_space<vmem>>) semaphore(%arg12 : memref<!tpu.dma_semaphore, #tpu.memory_space<semaphore_mem>>)
      %add3A_109 = arith.constant 1 : i32
      %add3A_110 = arith.addi %mul3A_86, %add3A_109 : i32
      %dma_wait3A_111 = arith.constant 0 : i32
      %dma_wait3A_112 = tpu.memref_slice %arg7[%add3A_110, %dma_wait3A_111] : memref<40x128xi32, #tpu.memory_space<vmem>> -> memref<1x128xi32, #tpu.memory_space<vmem>>
      %dma_wait3A_113 = tpu.memref_squeeze %dma_wait3A_112 : memref<1x128xi32, #tpu.memory_space<vmem>> -> memref<128xi32, #tpu.memory_space<vmem>>
      %dma_wait3A_114 = arith.constant 0 : i32
      %dma_wait3A_115 = arith.constant 0 : i32
      %dma_wait3A_116 = tpu.memref_slice %arg2[%dma_wait3A_114, %dma_wait3A_115] : memref<10240x128xf32, #tpu.memory_space<hbm>> -> memref<10240x128xf32, #tpu.memory_space<hbm>>
      tpu.wait_indirect_dma semaphore(%arg13 : memref<!tpu.dma_semaphore, #tpu.memory_space<semaphore_mem>>) src(%dma_wait3A_116 : memref<10240x128xf32, #tpu.memory_space<hbm>>) dst(%arg10 : memref<128x128xf32, #tpu.memory_space<vmem>>)
      %add3A_117 = arith.constant 1 : i32
      %add3A_118 = arith.addi %mul3A_86, %add3A_117 : i32
      "tpu.region"() ({
        %run_scoped3A_119 = tpu.sem_alloc : memref<!tpu.dma_semaphore, #tpu.memory_space<semaphore_mem>>
        %dma_start3A_120 = arith.constant 0 : i32
        %dma_start3A_121 = tpu.memref_slice %arg8[%add3A_118, %dma_start3A_120] : memref<40x128xi32, #tpu.memory_space<vmem>> -> memref<1x128xi32, #tpu.memory_space<vmem>>
        %dma_start3A_122 = tpu.memref_squeeze %dma_start3A_121 : memref<1x128xi32, #tpu.memory_space<vmem>> -> memref<128xi32, #tpu.memory_space<vmem>>
        %dma_start3A_123 = arith.constant 0 : i32
        %dma_start3A_124 = arith.constant 0 : i32
        %dma_start3A_125 = tpu.memref_slice %arg11[%dma_start3A_123, %dma_start3A_124] : memref<10240x128xf32, #tpu.memory_space<vmem_shared>> -> memref<10240x128xf32, #tpu.memory_space<vmem_shared>>
        tpu.enqueue_indirect_dma source(%arg10 : memref<128x128xf32, #tpu.memory_space<vmem>>) target(%dma_start3A_125 : memref<10240x128xf32, #tpu.memory_space<vmem_shared>>) offsets(%dma_start3A_122 : memref<128xi32, #tpu.memory_space<vmem>>) semaphore(%run_scoped3A_119 : memref<!tpu.dma_semaphore, #tpu.memory_space<semaphore_mem>>) {add = true}
        %dma_wait3A_126 = arith.constant 0 : i32
        %dma_wait3A_127 = tpu.memref_slice %arg8[%add3A_118, %dma_wait3A_126] : memref<40x128xi32, #tpu.memory_space<vmem>> -> memref<1x128xi32, #tpu.memory_space<vmem>>
        %dma_wait3A_128 = tpu.memref_squeeze %dma_wait3A_127 : memref<1x128xi32, #tpu.memory_space<vmem>> -> memref<128xi32, #tpu.memory_space<vmem>>
        %dma_wait3A_129 = arith.constant 0 : i32
        %dma_wait3A_130 = arith.constant 0 : i32
        %dma_wait3A_131 = tpu.memref_slice %arg11[%dma_wait3A_129, %dma_wait3A_130] : memref<10240x128xf32, #tpu.memory_space<vmem_shared>> -> memref<10240x128xf32, #tpu.memory_space<vmem_shared>>
        tpu.wait_indirect_dma semaphore(%run_scoped3A_119 : memref<!tpu.dma_semaphore, #tpu.memory_space<semaphore_mem>>) src(%arg10 : memref<128x128xf32, #tpu.memory_space<vmem>>) dst(%dma_wait3A_131 : memref<10240x128xf32, #tpu.memory_space<vmem_shared>>)
        tpu.yield
      }) : () -> ()
    }
    %scan3A_55 = arith.constant 19 : i32
    %dma_start3A_56 = arith.constant 39 : i32
    %dma_start3A_57 = arith.constant 0 : i32
    %dma_start3A_58 = tpu.memref_slice %arg7[%dma_start3A_56, %dma_start3A_57] : memref<40x128xi32, #tpu.memory_space<vmem>> -> memref<1x128xi32, #tpu.memory_space<vmem>>
    %dma_start3A_59 = tpu.memref_squeeze %dma_start3A_58 : memref<1x128xi32, #tpu.memory_space<vmem>> -> memref<128xi32, #tpu.memory_space<vmem>>
    %dma_start3A_60 = arith.constant 0 : i32
    %dma_start3A_61 = arith.constant 0 : i32
    %dma_start3A_62 = tpu.memref_slice %arg2[%dma_start3A_60, %dma_start3A_61] : memref<10240x128xf32, #tpu.memory_space<hbm>> -> memref<10240x128xf32, #tpu.memory_space<hbm>>
    tpu.enqueue_indirect_dma source(%dma_start3A_62 : memref<10240x128xf32, #tpu.memory_space<hbm>>) target(%arg10 : memref<128x128xf32, #tpu.memory_space<vmem>>) offsets(%dma_start3A_59 : memref<128xi32, #tpu.memory_space<vmem>>) semaphore(%arg13 : memref<!tpu.dma_semaphore, #tpu.memory_space<semaphore_mem>>)
    %dma_wait3A_63 = arith.constant 38 : i32
    %dma_wait3A_64 = arith.constant 0 : i32
    %dma_wait3A_65 = tpu.memref_slice %arg7[%dma_wait3A_63, %dma_wait3A_64] : memref<40x128xi32, #tpu.memory_space<vmem>> -> memref<1x128xi32, #tpu.memory_space<vmem>>
    %dma_wait3A_66 = tpu.memref_squeeze %dma_wait3A_65 : memref<1x128xi32, #tpu.memory_space<vmem>> -> memref<128xi32, #tpu.memory_space<vmem>>
    %dma_wait3A_67 = arith.constant 0 : i32
    %dma_wait3A_68 = arith.constant 0 : i32
    %dma_wait3A_69 = tpu.memref_slice %arg2[%dma_wait3A_67, %dma_wait3A_68] : memref<10240x128xf32, #tpu.memory_space<hbm>> -> memref<10240x128xf32, #tpu.memory_space<hbm>>
    tpu.wait_indirect_dma semaphore(%arg12 : memref<!tpu.dma_semaphore, #tpu.memory_space<semaphore_mem>>) src(%dma_wait3A_69 : memref<10240x128xf32, #tpu.memory_space<hbm>>) dst(%arg9 : memref<128x128xf32, #tpu.memory_space<vmem>>)
    %run_scoped3A_70 = arith.constant 38 : i32
    "tpu.region"() ({
      %run_scoped3A_84 = tpu.sem_alloc : memref<!tpu.dma_semaphore, #tpu.memory_space<semaphore_mem>>
      %dma_start3A_85 = arith.constant 0 : i32
      %dma_start3A_86 = tpu.memref_slice %arg8[%run_scoped3A_70, %dma_start3A_85] : memref<40x128xi32, #tpu.memory_space<vmem>> -> memref<1x128xi32, #tpu.memory_space<vmem>>
      %dma_start3A_87 = tpu.memref_squeeze %dma_start3A_86 : memref<1x128xi32, #tpu.memory_space<vmem>> -> memref<128xi32, #tpu.memory_space<vmem>>
      %dma_start3A_88 = arith.constant 0 : i32
      %dma_start3A_89 = arith.constant 0 : i32
      %dma_start3A_90 = tpu.memref_slice %arg11[%dma_start3A_88, %dma_start3A_89] : memref<10240x128xf32, #tpu.memory_space<vmem_shared>> -> memref<10240x128xf32, #tpu.memory_space<vmem_shared>>
      tpu.enqueue_indirect_dma source(%arg9 : memref<128x128xf32, #tpu.memory_space<vmem>>) target(%dma_start3A_90 : memref<10240x128xf32, #tpu.memory_space<vmem_shared>>) offsets(%dma_start3A_87 : memref<128xi32, #tpu.memory_space<vmem>>) semaphore(%run_scoped3A_84 : memref<!tpu.dma_semaphore, #tpu.memory_space<semaphore_mem>>) {add = true}
      %dma_wait3A_91 = arith.constant 0 : i32
      %dma_wait3A_92 = tpu.memref_slice %arg8[%run_scoped3A_70, %dma_wait3A_91] : memref<40x128xi32, #tpu.memory_space<vmem>> -> memref<1x128xi32, #tpu.memory_space<vmem>>
      %dma_wait3A_93 = tpu.memref_squeeze %dma_wait3A_92 : memref<1x128xi32, #tpu.memory_space<vmem>> -> memref<128xi32, #tpu.memory_space<vmem>>
      %dma_wait3A_94 = arith.constant 0 : i32
      %dma_wait3A_95 = arith.constant 0 : i32
      %dma_wait3A_96 = tpu.memref_slice %arg11[%dma_wait3A_94, %dma_wait3A_95] : memref<10240x128xf32, #tpu.memory_space<vmem_shared>> -> memref<10240x128xf32, #tpu.memory_space<vmem_shared>>
      tpu.wait_indirect_dma semaphore(%run_scoped3A_84 : memref<!tpu.dma_semaphore, #tpu.memory_space<semaphore_mem>>) src(%arg9 : memref<128x128xf32, #tpu.memory_space<vmem>>) dst(%dma_wait3A_96 : memref<10240x128xf32, #tpu.memory_space<vmem_shared>>)
      tpu.yield
    }) : () -> ()
    %dma_wait3A_71 = arith.constant 39 : i32
    %dma_wait3A_72 = arith.constant 0 : i32
    %dma_wait3A_73 = tpu.memref_slice %arg7[%dma_wait3A_71, %dma_wait3A_72] : memref<40x128xi32, #tpu.memory_space<vmem>> -> memref<1x128xi32, #tpu.memory_space<vmem>>
    %dma_wait3A_74 = tpu.memref_squeeze %dma_wait3A_73 : memref<1x128xi32, #tpu.memory_space<vmem>> -> memref<128xi32, #tpu.memory_space<vmem>>
    %dma_wait3A_75 = arith.constant 0 : i32
    %dma_wait3A_76 = arith.constant 0 : i32
    %dma_wait3A_77 = tpu.memref_slice %arg2[%dma_wait3A_75, %dma_wait3A_76] : memref<10240x128xf32, #tpu.memory_space<hbm>> -> memref<10240x128xf32, #tpu.memory_space<hbm>>
    tpu.wait_indirect_dma semaphore(%arg13 : memref<!tpu.dma_semaphore, #tpu.memory_space<semaphore_mem>>) src(%dma_wait3A_77 : memref<10240x128xf32, #tpu.memory_space<hbm>>) dst(%arg10 : memref<128x128xf32, #tpu.memory_space<vmem>>)
    %run_scoped3A_78 = arith.constant 39 : i32
    "tpu.region"() ({
      %run_scoped3A_84 = tpu.sem_alloc : memref<!tpu.dma_semaphore, #tpu.memory_space<semaphore_mem>>
      %dma_start3A_85 = arith.constant 0 : i32
      %dma_start3A_86 = tpu.memref_slice %arg8[%run_scoped3A_78, %dma_start3A_85] : memref<40x128xi32, #tpu.memory_space<vmem>> -> memref<1x128xi32, #tpu.memory_space<vmem>>
      %dma_start3A_87 = tpu.memref_squeeze %dma_start3A_86 : memref<1x128xi32, #tpu.memory_space<vmem>> -> memref<128xi32, #tpu.memory_space<vmem>>
      %dma_start3A_88 = arith.constant 0 : i32
      %dma_start3A_89 = arith.constant 0 : i32
      %dma_start3A_90 = tpu.memref_slice %arg11[%dma_start3A_88, %dma_start3A_89] : memref<10240x128xf32, #tpu.memory_space<vmem_shared>> -> memref<10240x128xf32, #tpu.memory_space<vmem_shared>>
      tpu.enqueue_indirect_dma source(%arg10 : memref<128x128xf32, #tpu.memory_space<vmem>>) target(%dma_start3A_90 : memref<10240x128xf32, #tpu.memory_space<vmem_shared>>) offsets(%dma_start3A_87 : memref<128xi32, #tpu.memory_space<vmem>>) semaphore(%run_scoped3A_84 : memref<!tpu.dma_semaphore, #tpu.memory_space<semaphore_mem>>) {add = true}
      %dma_wait3A_91 = arith.constant 0 : i32
      %dma_wait3A_92 = tpu.memref_slice %arg8[%run_scoped3A_78, %dma_wait3A_91] : memref<40x128xi32, #tpu.memory_space<vmem>> -> memref<1x128xi32, #tpu.memory_space<vmem>>
      %dma_wait3A_93 = tpu.memref_squeeze %dma_wait3A_92 : memref<1x128xi32, #tpu.memory_space<vmem>> -> memref<128xi32, #tpu.memory_space<vmem>>
      %dma_wait3A_94 = arith.constant 0 : i32
      %dma_wait3A_95 = arith.constant 0 : i32
      %dma_wait3A_96 = tpu.memref_slice %arg11[%dma_wait3A_94, %dma_wait3A_95] : memref<10240x128xf32, #tpu.memory_space<vmem_shared>> -> memref<10240x128xf32, #tpu.memory_space<vmem_shared>>
      tpu.wait_indirect_dma semaphore(%run_scoped3A_84 : memref<!tpu.dma_semaphore, #tpu.memory_space<semaphore_mem>>) src(%arg10 : memref<128x128xf32, #tpu.memory_space<vmem>>) dst(%dma_wait3A_96 : memref<10240x128xf32, #tpu.memory_space<vmem_shared>>)
      tpu.yield
    }) : () -> ()
    %barrier3A_79 = arith.constant 0 : index
    tpu.barrier barrier_id(%barrier3A_79)
    %mul3A_80 = arith.constant 640 : i32
    %mul3A_81 = arith.muli %arg1, %mul3A_80 : i32
    %mul3A_82 = arith.constant 640 : i32
    %mul3A_83 = arith.muli %arg1, %mul3A_82 : i32
    "tpu.region"() ({
      %run_scoped3A_84 = tpu.sem_alloc : memref<!tpu.dma_semaphore, #tpu.memory_space<semaphore_mem>>
      %dma_start3A_85 = arith.constant 0 : i32
      %dma_start3A_86 = tpu.memref_slice %arg6[%arg0, %mul3A_83, %dma_start3A_85] : memref<2x10240x128xf32, #tpu.memory_space<hbm>> -> memref<1x640x128xf32, #tpu.memory_space<hbm>>
      %dma_start3A_87 = tpu.memref_squeeze %dma_start3A_86 : memref<1x640x128xf32, #tpu.memory_space<hbm>> -> memref<640x128xf32, #tpu.memory_space<hbm>>
      %dma_start3A_88 = arith.constant 0 : i32
      %dma_start3A_89 = tpu.memref_slice %arg11[%mul3A_81, %dma_start3A_88] : memref<10240x128xf32, #tpu.memory_space<vmem_shared>> -> memref<640x128xf32, #tpu.memory_space<vmem_shared>>
      tpu.enqueue_dma source(%dma_start3A_89 : memref<640x128xf32, #tpu.memory_space<vmem_shared>>) target(%dma_start3A_87 : memref<640x128xf32, #tpu.memory_space<hbm>>) target_semaphore(%run_scoped3A_84 : memref<!tpu.dma_semaphore, #tpu.memory_space<semaphore_mem>>)
      %dma_wait3A_90 = arith.constant 0 : i32
      %dma_wait3A_91 = tpu.memref_slice %arg6[%arg0, %mul3A_83, %dma_wait3A_90] : memref<2x10240x128xf32, #tpu.memory_space<hbm>> -> memref<1x640x128xf32, #tpu.memory_space<hbm>>
      %dma_wait3A_92 = tpu.memref_squeeze %dma_wait3A_91 : memref<1x640x128xf32, #tpu.memory_space<hbm>> -> memref<640x128xf32, #tpu.memory_space<hbm>>
      %dma_wait3A_93 = arith.constant 0 : i32
      %dma_wait3A_94 = tpu.memref_slice %arg11[%mul3A_81, %dma_wait3A_93] : memref<10240x128xf32, #tpu.memory_space<vmem_shared>> -> memref<640x128xf32, #tpu.memory_space<vmem_shared>>
      tpu.wait_dma2 semaphore(%run_scoped3A_84 : memref<!tpu.dma_semaphore, #tpu.memory_space<semaphore_mem>>) src(%dma_wait3A_94 : memref<640x128xf32, #tpu.memory_space<vmem_shared>>) dst(%dma_wait3A_92 : memref<640x128xf32, #tpu.memory_space<hbm>>)
      tpu.yield
    }) : () -> ()
    return
  }
}

#map = affine_map<(d0, d1) -> (0, 0)>
#map1 = affine_map<(d0, d1) -> (0, 0, 0)>
module attributes {stable_mosaic.version = 14 : i64} {
  func.func @agg(%arg0: i32, %arg1: i32, %arg2: memref<10240x128xf32, #tpu.memory_space<hbm>>, %arg3: memref<2560x128xi32, #tpu.memory_space<hbm>>, %arg4: memref<2560x128xi32, #tpu.memory_space<hbm>>, %arg5: memref<640x128xf32, #tpu.memory_space<hbm>>, %arg6: memref<2x10240x128xf32, #tpu.memory_space<hbm>>, %arg7: memref<40x128xi32, #tpu.memory_space<vmem>>, %arg8: memref<40x128xi32, #tpu.memory_space<vmem>>, %arg9: memref<128x128xf32, #tpu.memory_space<vmem>>, %arg10: memref<128x128xf32, #tpu.memory_space<vmem>>, %arg11: memref<10240x128xf32, #tpu.memory_space<vmem_shared>>, %arg12: memref<!tpu.dma_semaphore, #tpu.memory_space<semaphore_mem>>, %arg13: memref<!tpu.dma_semaphore, #tpu.memory_space<semaphore_mem>>) attributes {dimension_semantics = [#tpu.dimension_semantics<core_parallel>, #tpu.dimension_semantics<subcore_parallel>], iteration_bounds = array<i64: 2, 16>, scalar_prefetch = 0 : i64, scratch_operands = 7 : i64, tpu.core_type = #tpu.core_type<sc_vector_subcore>, window_params = [{transform_indices = #map}, {transform_indices = #map}, {transform_indices = #map}, {transform_indices = #map}, {transform_indices = #map1}]} {
    %mul3A = arith.constant 16 : i32
    %mul3A_0 = arith.muli %arg0, %mul3A : i32
    %add3A = arith.addi %mul3A_0, %arg1 : i32
    %mul3A_1 = arith.constant 640 : i32
    %mul3A_2 = arith.muli %arg1, %mul3A_1 : i32
    "tpu.region"() ({
      %run_scoped3A_84 = tpu.sem_alloc : memref<!tpu.dma_semaphore, #tpu.memory_space<semaphore_mem>>
      %dma_start3A_85 = arith.constant 0 : i32
      %dma_start3A_86 = tpu.memref_slice %arg11[%mul3A_2, %dma_start3A_85] : memref<10240x128xf32, #tpu.memory_space<vmem_shared>> -> memref<640x128xf32, #tpu.memory_space<vmem_shared>>
      tpu.enqueue_dma source(%arg5 : memref<640x128xf32, #tpu.memory_space<hbm>>) target(%dma_start3A_86 : memref<640x128xf32, #tpu.memory_space<vmem_shared>>) target_semaphore(%run_scoped3A_84 : memref<!tpu.dma_semaphore, #tpu.memory_space<semaphore_mem>>)
      %dma_wait3A_87 = arith.constant 0 : i32
      %dma_wait3A_88 = tpu.memref_slice %arg11[%mul3A_2, %dma_wait3A_87] : memref<10240x128xf32, #tpu.memory_space<vmem_shared>> -> memref<640x128xf32, #tpu.memory_space<vmem_shared>>
      tpu.wait_dma2 semaphore(%run_scoped3A_84 : memref<!tpu.dma_semaphore, #tpu.memory_space<semaphore_mem>>) src(%arg5 : memref<640x128xf32, #tpu.memory_space<hbm>>) dst(%dma_wait3A_88 : memref<640x128xf32, #tpu.memory_space<vmem_shared>>)
      tpu.yield
    }) : () -> ()
    %barrier3A = arith.constant 0 : index
    tpu.barrier barrier_id(%barrier3A)
    %mul3A_3 = arith.constant 80 : i32
    %mul3A_4 = arith.muli %add3A, %mul3A_3 : i32
    %add3A_5 = arith.constant 0 : i32
    %add3A_6 = arith.addi %mul3A_4, %add3A_5 : i32
    "tpu.region"() ({
      %run_scoped3A_84 = tpu.sem_alloc : memref<!tpu.dma_semaphore, #tpu.memory_space<semaphore_mem>>
      %dma_start3A_85 = arith.constant 0 : i32
      %dma_start3A_86 = tpu.memref_slice %arg3[%add3A_6, %dma_start3A_85] : memref<2560x128xi32, #tpu.memory_space<hbm>> -> memref<40x128xi32, #tpu.memory_space<hbm>>
      %dma_start3A_87 = arith.constant 0 : i32
      %dma_start3A_88 = tpu.memref_slice %arg3[%add3A_6, %dma_start3A_87] : memref<2560x128xi32, #tpu.memory_space<hbm>> -> memref<40x128xi32, #tpu.memory_space<hbm>>
      tpu.enqueue_dma source(%dma_start3A_88 : memref<40x128xi32, #tpu.memory_space<hbm>>) target(%arg7 : memref<40x128xi32, #tpu.memory_space<vmem>>) target_semaphore(%run_scoped3A_84 : memref<!tpu.dma_semaphore, #tpu.memory_space<semaphore_mem>>)
      %dma_wait3A_89 = arith.constant 0 : i32
      %dma_wait3A_90 = tpu.memref_slice %arg3[%add3A_6, %dma_wait3A_89] : memref<2560x128xi32, #tpu.memory_space<hbm>> -> memref<40x128xi32, #tpu.memory_space<hbm>>
      %dma_wait3A_91 = arith.constant 0 : i32
      %dma_wait3A_92 = tpu.memref_slice %arg3[%add3A_6, %dma_wait3A_91] : memref<2560x128xi32, #tpu.memory_space<hbm>> -> memref<40x128xi32, #tpu.memory_space<hbm>>
      tpu.wait_dma2 semaphore(%run_scoped3A_84 : memref<!tpu.dma_semaphore, #tpu.memory_space<semaphore_mem>>) src(%dma_wait3A_92 : memref<40x128xi32, #tpu.memory_space<hbm>>) dst(%arg7 : memref<40x128xi32, #tpu.memory_space<vmem>>)
      tpu.yield
    }) : () -> ()
    "tpu.region"() ({
      %run_scoped3A_84 = tpu.sem_alloc : memref<!tpu.dma_semaphore, #tpu.memory_space<semaphore_mem>>
      %dma_start3A_85 = arith.constant 0 : i32
      %dma_start3A_86 = tpu.memref_slice %arg4[%add3A_6, %dma_start3A_85] : memref<2560x128xi32, #tpu.memory_space<hbm>> -> memref<40x128xi32, #tpu.memory_space<hbm>>
      %dma_start3A_87 = arith.constant 0 : i32
      %dma_start3A_88 = tpu.memref_slice %arg4[%add3A_6, %dma_start3A_87] : memref<2560x128xi32, #tpu.memory_space<hbm>> -> memref<40x128xi32, #tpu.memory_space<hbm>>
      tpu.enqueue_dma source(%dma_start3A_88 : memref<40x128xi32, #tpu.memory_space<hbm>>) target(%arg8 : memref<40x128xi32, #tpu.memory_space<vmem>>) target_semaphore(%run_scoped3A_84 : memref<!tpu.dma_semaphore, #tpu.memory_space<semaphore_mem>>)
      %dma_wait3A_89 = arith.constant 0 : i32
      %dma_wait3A_90 = tpu.memref_slice %arg4[%add3A_6, %dma_wait3A_89] : memref<2560x128xi32, #tpu.memory_space<hbm>> -> memref<40x128xi32, #tpu.memory_space<hbm>>
      %dma_wait3A_91 = arith.constant 0 : i32
      %dma_wait3A_92 = tpu.memref_slice %arg4[%add3A_6, %dma_wait3A_91] : memref<2560x128xi32, #tpu.memory_space<hbm>> -> memref<40x128xi32, #tpu.memory_space<hbm>>
      tpu.wait_dma2 semaphore(%run_scoped3A_84 : memref<!tpu.dma_semaphore, #tpu.memory_space<semaphore_mem>>) src(%dma_wait3A_92 : memref<40x128xi32, #tpu.memory_space<hbm>>) dst(%arg8 : memref<40x128xi32, #tpu.memory_space<vmem>>)
      tpu.yield
    }) : () -> ()
    %dma_start3A = arith.constant 0 : i32
    %dma_start3A_7 = arith.constant 0 : i32
    %dma_start3A_8 = tpu.memref_slice %arg7[%dma_start3A, %dma_start3A_7] : memref<40x128xi32, #tpu.memory_space<vmem>> -> memref<1x128xi32, #tpu.memory_space<vmem>>
    %dma_start3A_9 = tpu.memref_squeeze %dma_start3A_8 : memref<1x128xi32, #tpu.memory_space<vmem>> -> memref<128xi32, #tpu.memory_space<vmem>>
    %dma_start3A_10 = arith.constant 0 : i32
    %dma_start3A_11 = arith.constant 0 : i32
    %dma_start3A_12 = tpu.memref_slice %arg2[%dma_start3A_10, %dma_start3A_11] : memref<10240x128xf32, #tpu.memory_space<hbm>> -> memref<10240x128xf32, #tpu.memory_space<hbm>>
    tpu.enqueue_indirect_dma source(%dma_start3A_12 : memref<10240x128xf32, #tpu.memory_space<hbm>>) target(%arg9 : memref<128x128xf32, #tpu.memory_space<vmem>>) offsets(%dma_start3A_9 : memref<128xi32, #tpu.memory_space<vmem>>) semaphore(%arg12 : memref<!tpu.dma_semaphore, #tpu.memory_space<semaphore_mem>>)
    %scan3A = arith.constant 0 : i32
    %scan3A_13 = arith.constant 0 : i32
    %scan3A_14 = arith.constant 19 : i32
    %scan3A_15 = arith.addi %scan3A_13, %scan3A_14 : i32
    %scan3A_16 = arith.constant 1 : i32
    scf.for %scan3A_84 = %scan3A_13 to %scan3A_15 step %scan3A_16  : i32 {
      %mul3A_85 = arith.constant 2 : i32
      %mul3A_86 = arith.muli %mul3A_85, %scan3A_84 : i32
      %add3A_87 = arith.constant 1 : i32
      %add3A_88 = arith.addi %mul3A_86, %add3A_87 : i32
      %dma_start3A_89 = arith.constant 0 : i32
      %dma_start3A_90 = tpu.memref_slice %arg7[%add3A_88, %dma_start3A_89] : memref<40x128xi32, #tpu.memory_space<vmem>> -> memref<1x128xi32, #tpu.memory_space<vmem>>
      %dma_start3A_91 = tpu.memref_squeeze %dma_start3A_90 : memref<1x128xi32, #tpu.memory_space<vmem>> -> memref<128xi32, #tpu.memory_space<vmem>>
      %dma_start3A_92 = arith.constant 0 : i32
      %dma_start3A_93 = arith.constant 0 : i32
      %dma_start3A_94 = tpu.memref_slice %arg2[%dma_start3A_92, %dma_start3A_93] : memref<10240x128xf32, #tpu.memory_space<hbm>> -> memref<10240x128xf32, #tpu.memory_space<hbm>>
      tpu.enqueue_indirect_dma source(%dma_start3A_94 : memref<10240x128xf32, #tpu.memory_space<hbm>>) target(%arg10 : memref<128x128xf32, #tpu.memory_space<vmem>>) offsets(%dma_start3A_91 : memref<128xi32, #tpu.memory_space<vmem>>) semaphore(%arg13 : memref<!tpu.dma_semaphore, #tpu.memory_space<semaphore_mem>>)
      %dma_wait3A_95 = arith.constant 0 : i32
      %dma_wait3A_96 = tpu.memref_slice %arg7[%mul3A_86, %dma_wait3A_95] : memref<40x128xi32, #tpu.memory_space<vmem>> -> memref<1x128xi32, #tpu.memory_space<vmem>>
      %dma_wait3A_97 = tpu.memref_squeeze %dma_wait3A_96 : memref<1x128xi32, #tpu.memory_space<vmem>> -> memref<128xi32, #tpu.memory_space<vmem>>
      %dma_wait3A_98 = arith.constant 0 : i32
      %dma_wait3A_99 = arith.constant 0 : i32
      %dma_wait3A_100 = tpu.memref_slice %arg2[%dma_wait3A_98, %dma_wait3A_99] : memref<10240x128xf32, #tpu.memory_space<hbm>> -> memref<10240x128xf32, #tpu.memory_space<hbm>>
      tpu.wait_indirect_dma semaphore(%arg12 : memref<!tpu.dma_semaphore, #tpu.memory_space<semaphore_mem>>) src(%dma_wait3A_100 : memref<10240x128xf32, #tpu.memory_space<hbm>>) dst(%arg9 : memref<128x128xf32, #tpu.memory_space<vmem>>)
      "tpu.region"() ({
        %run_scoped3A_119 = tpu.sem_alloc : memref<!tpu.dma_semaphore, #tpu.memory_space<semaphore_mem>>
        %dma_start3A_120 = arith.constant 0 : i32
        %dma_start3A_121 = tpu.memref_slice %arg8[%mul3A_86, %dma_start3A_120] : memref<40x128xi32, #tpu.memory_space<vmem>> -> memref<1x128xi32, #tpu.memory_space<vmem>>
        %dma_start3A_122 = tpu.memref_squeeze %dma_start3A_121 : memref<1x128xi32, #tpu.memory_space<vmem>> -> memref<128xi32, #tpu.memory_space<vmem>>
        %dma_start3A_123 = arith.constant 0 : i32
        %dma_start3A_124 = arith.constant 0 : i32
        %dma_start3A_125 = tpu.memref_slice %arg11[%dma_start3A_123, %dma_start3A_124] : memref<10240x128xf32, #tpu.memory_space<vmem_shared>> -> memref<10240x128xf32, #tpu.memory_space<vmem_shared>>
        tpu.enqueue_indirect_dma source(%arg9 : memref<128x128xf32, #tpu.memory_space<vmem>>) target(%dma_start3A_125 : memref<10240x128xf32, #tpu.memory_space<vmem_shared>>) offsets(%dma_start3A_122 : memref<128xi32, #tpu.memory_space<vmem>>) semaphore(%run_scoped3A_119 : memref<!tpu.dma_semaphore, #tpu.memory_space<semaphore_mem>>) {add = true}
        %dma_wait3A_126 = arith.constant 0 : i32
        %dma_wait3A_127 = tpu.memref_slice %arg8[%mul3A_86, %dma_wait3A_126] : memref<40x128xi32, #tpu.memory_space<vmem>> -> memref<1x128xi32, #tpu.memory_space<vmem>>
        %dma_wait3A_128 = tpu.memref_squeeze %dma_wait3A_127 : memref<1x128xi32, #tpu.memory_space<vmem>> -> memref<128xi32, #tpu.memory_space<vmem>>
        %dma_wait3A_129 = arith.constant 0 : i32
        %dma_wait3A_130 = arith.constant 0 : i32
        %dma_wait3A_131 = tpu.memref_slice %arg11[%dma_wait3A_129, %dma_wait3A_130] : memref<10240x128xf32, #tpu.memory_space<vmem_shared>> -> memref<10240x128xf32, #tpu.memory_space<vmem_shared>>
        tpu.wait_indirect_dma semaphore(%run_scoped3A_119 : memref<!tpu.dma_semaphore, #tpu.memory_space<semaphore_mem>>) src(%arg9 : memref<128x128xf32, #tpu.memory_space<vmem>>) dst(%dma_wait3A_131 : memref<10240x128xf32, #tpu.memory_space<vmem_shared>>)
        tpu.yield
      }) : () -> ()
      %add3A_101 = arith.constant 2 : i32
      %add3A_102 = arith.addi %mul3A_86, %add3A_101 : i32
      %dma_start3A_103 = arith.constant 0 : i32
      %dma_start3A_104 = tpu.memref_slice %arg7[%add3A_102, %dma_start3A_103] : memref<40x128xi32, #tpu.memory_space<vmem>> -> memref<1x128xi32, #tpu.memory_space<vmem>>
      %dma_start3A_105 = tpu.memref_squeeze %dma_start3A_104 : memref<1x128xi32, #tpu.memory_space<vmem>> -> memref<128xi32, #tpu.memory_space<vmem>>
      %dma_start3A_106 = arith.constant 0 : i32
      %dma_start3A_107 = arith.constant 0 : i32
      %dma_start3A_108 = tpu.memref_slice %arg2[%dma_start3A_106, %dma_start3A_107] : memref<10240x128xf32, #tpu.memory_space<hbm>> -> memref<10240x128xf32, #tpu.memory_space<hbm>>
      tpu.enqueue_indirect_dma source(%dma_start3A_108 : memref<10240x128xf32, #tpu.memory_space<hbm>>) target(%arg9 : memref<128x128xf32, #tpu.memory_space<vmem>>) offsets(%dma_start3A_105 : memref<128xi32, #tpu.memory_space<vmem>>) semaphore(%arg12 : memref<!tpu.dma_semaphore, #tpu.memory_space<semaphore_mem>>)
      %add3A_109 = arith.constant 1 : i32
      %add3A_110 = arith.addi %mul3A_86, %add3A_109 : i32
      %dma_wait3A_111 = arith.constant 0 : i32
      %dma_wait3A_112 = tpu.memref_slice %arg7[%add3A_110, %dma_wait3A_111] : memref<40x128xi32, #tpu.memory_space<vmem>> -> memref<1x128xi32, #tpu.memory_space<vmem>>
      %dma_wait3A_113 = tpu.memref_squeeze %dma_wait3A_112 : memref<1x128xi32, #tpu.memory_space<vmem>> -> memref<128xi32, #tpu.memory_space<vmem>>
      %dma_wait3A_114 = arith.constant 0 : i32
      %dma_wait3A_115 = arith.constant 0 : i32
      %dma_wait3A_116 = tpu.memref_slice %arg2[%dma_wait3A_114, %dma_wait3A_115] : memref<10240x128xf32, #tpu.memory_space<hbm>> -> memref<10240x128xf32, #tpu.memory_space<hbm>>
      tpu.wait_indirect_dma semaphore(%arg13 : memref<!tpu.dma_semaphore, #tpu.memory_space<semaphore_mem>>) src(%dma_wait3A_116 : memref<10240x128xf32, #tpu.memory_space<hbm>>) dst(%arg10 : memref<128x128xf32, #tpu.memory_space<vmem>>)
      %add3A_117 = arith.constant 1 : i32
      %add3A_118 = arith.addi %mul3A_86, %add3A_117 : i32
      "tpu.region"() ({
        %run_scoped3A_119 = tpu.sem_alloc : memref<!tpu.dma_semaphore, #tpu.memory_space<semaphore_mem>>
        %dma_start3A_120 = arith.constant 0 : i32
        %dma_start3A_121 = tpu.memref_slice %arg8[%add3A_118, %dma_start3A_120] : memref<40x128xi32, #tpu.memory_space<vmem>> -> memref<1x128xi32, #tpu.memory_space<vmem>>
        %dma_start3A_122 = tpu.memref_squeeze %dma_start3A_121 : memref<1x128xi32, #tpu.memory_space<vmem>> -> memref<128xi32, #tpu.memory_space<vmem>>
        %dma_start3A_123 = arith.constant 0 : i32
        %dma_start3A_124 = arith.constant 0 : i32
        %dma_start3A_125 = tpu.memref_slice %arg11[%dma_start3A_123, %dma_start3A_124] : memref<10240x128xf32, #tpu.memory_space<vmem_shared>> -> memref<10240x128xf32, #tpu.memory_space<vmem_shared>>
        tpu.enqueue_indirect_dma source(%arg10 : memref<128x128xf32, #tpu.memory_space<vmem>>) target(%dma_start3A_125 : memref<10240x128xf32, #tpu.memory_space<vmem_shared>>) offsets(%dma_start3A_122 : memref<128xi32, #tpu.memory_space<vmem>>) semaphore(%run_scoped3A_119 : memref<!tpu.dma_semaphore, #tpu.memory_space<semaphore_mem>>) {add = true}
        %dma_wait3A_126 = arith.constant 0 : i32
        %dma_wait3A_127 = tpu.memref_slice %arg8[%add3A_118, %dma_wait3A_126] : memref<40x128xi32, #tpu.memory_space<vmem>> -> memref<1x128xi32, #tpu.memory_space<vmem>>
        %dma_wait3A_128 = tpu.memref_squeeze %dma_wait3A_127 : memref<1x128xi32, #tpu.memory_space<vmem>> -> memref<128xi32, #tpu.memory_space<vmem>>
        %dma_wait3A_129 = arith.constant 0 : i32
        %dma_wait3A_130 = arith.constant 0 : i32
        %dma_wait3A_131 = tpu.memref_slice %arg11[%dma_wait3A_129, %dma_wait3A_130] : memref<10240x128xf32, #tpu.memory_space<vmem_shared>> -> memref<10240x128xf32, #tpu.memory_space<vmem_shared>>
        tpu.wait_indirect_dma semaphore(%run_scoped3A_119 : memref<!tpu.dma_semaphore, #tpu.memory_space<semaphore_mem>>) src(%arg10 : memref<128x128xf32, #tpu.memory_space<vmem>>) dst(%dma_wait3A_131 : memref<10240x128xf32, #tpu.memory_space<vmem_shared>>)
        tpu.yield
      }) : () -> ()
    }
    %scan3A_17 = arith.constant 19 : i32
    %dma_start3A_18 = arith.constant 39 : i32
    %dma_start3A_19 = arith.constant 0 : i32
    %dma_start3A_20 = tpu.memref_slice %arg7[%dma_start3A_18, %dma_start3A_19] : memref<40x128xi32, #tpu.memory_space<vmem>> -> memref<1x128xi32, #tpu.memory_space<vmem>>
    %dma_start3A_21 = tpu.memref_squeeze %dma_start3A_20 : memref<1x128xi32, #tpu.memory_space<vmem>> -> memref<128xi32, #tpu.memory_space<vmem>>
    %dma_start3A_22 = arith.constant 0 : i32
    %dma_start3A_23 = arith.constant 0 : i32
    %dma_start3A_24 = tpu.memref_slice %arg2[%dma_start3A_22, %dma_start3A_23] : memref<10240x128xf32, #tpu.memory_space<hbm>> -> memref<10240x128xf32, #tpu.memory_space<hbm>>
    tpu.enqueue_indirect_dma source(%dma_start3A_24 : memref<10240x128xf32, #tpu.memory_space<hbm>>) target(%arg10 : memref<128x128xf32, #tpu.memory_space<vmem>>) offsets(%dma_start3A_21 : memref<128xi32, #tpu.memory_space<vmem>>) semaphore(%arg13 : memref<!tpu.dma_semaphore, #tpu.memory_space<semaphore_mem>>)
    %dma_wait3A = arith.constant 38 : i32
    %dma_wait3A_25 = arith.constant 0 : i32
    %dma_wait3A_26 = tpu.memref_slice %arg7[%dma_wait3A, %dma_wait3A_25] : memref<40x128xi32, #tpu.memory_space<vmem>> -> memref<1x128xi32, #tpu.memory_space<vmem>>
    %dma_wait3A_27 = tpu.memref_squeeze %dma_wait3A_26 : memref<1x128xi32, #tpu.memory_space<vmem>> -> memref<128xi32, #tpu.memory_space<vmem>>
    %dma_wait3A_28 = arith.constant 0 : i32
    %dma_wait3A_29 = arith.constant 0 : i32
    %dma_wait3A_30 = tpu.memref_slice %arg2[%dma_wait3A_28, %dma_wait3A_29] : memref<10240x128xf32, #tpu.memory_space<hbm>> -> memref<10240x128xf32, #tpu.memory_space<hbm>>
    tpu.wait_indirect_dma semaphore(%arg12 : memref<!tpu.dma_semaphore, #tpu.memory_space<semaphore_mem>>) src(%dma_wait3A_30 : memref<10240x128xf32, #tpu.memory_space<hbm>>) dst(%arg9 : memref<128x128xf32, #tpu.memory_space<vmem>>)
    %run_scoped3A = arith.constant 38 : i32
    "tpu.region"() ({
      %run_scoped3A_84 = tpu.sem_alloc : memref<!tpu.dma_semaphore, #tpu.memory_space<semaphore_mem>>
      %dma_start3A_85 = arith.constant 0 : i32
      %dma_start3A_86 = tpu.memref_slice %arg8[%run_scoped3A, %dma_start3A_85] : memref<40x128xi32, #tpu.memory_space<vmem>> -> memref<1x128xi32, #tpu.memory_space<vmem>>
      %dma_start3A_87 = tpu.memref_squeeze %dma_start3A_86 : memref<1x128xi32, #tpu.memory_space<vmem>> -> memref<128xi32, #tpu.memory_space<vmem>>
      %dma_start3A_88 = arith.constant 0 : i32
      %dma_start3A_89 = arith.constant 0 : i32
      %dma_start3A_90 = tpu.memref_slice %arg11[%dma_start3A_88, %dma_start3A_89] : memref<10240x128xf32, #tpu.memory_space<vmem_shared>> -> memref<10240x128xf32, #tpu.memory_space<vmem_shared>>
      tpu.enqueue_indirect_dma source(%arg9 : memref<128x128xf32, #tpu.memory_space<vmem>>) target(%dma_start3A_90 : memref<10240x128xf32, #tpu.memory_space<vmem_shared>>) offsets(%dma_start3A_87 : memref<128xi32, #tpu.memory_space<vmem>>) semaphore(%run_scoped3A_84 : memref<!tpu.dma_semaphore, #tpu.memory_space<semaphore_mem>>) {add = true}
      %dma_wait3A_91 = arith.constant 0 : i32
      %dma_wait3A_92 = tpu.memref_slice %arg8[%run_scoped3A, %dma_wait3A_91] : memref<40x128xi32, #tpu.memory_space<vmem>> -> memref<1x128xi32, #tpu.memory_space<vmem>>
      %dma_wait3A_93 = tpu.memref_squeeze %dma_wait3A_92 : memref<1x128xi32, #tpu.memory_space<vmem>> -> memref<128xi32, #tpu.memory_space<vmem>>
      %dma_wait3A_94 = arith.constant 0 : i32
      %dma_wait3A_95 = arith.constant 0 : i32
      %dma_wait3A_96 = tpu.memref_slice %arg11[%dma_wait3A_94, %dma_wait3A_95] : memref<10240x128xf32, #tpu.memory_space<vmem_shared>> -> memref<10240x128xf32, #tpu.memory_space<vmem_shared>>
      tpu.wait_indirect_dma semaphore(%run_scoped3A_84 : memref<!tpu.dma_semaphore, #tpu.memory_space<semaphore_mem>>) src(%arg9 : memref<128x128xf32, #tpu.memory_space<vmem>>) dst(%dma_wait3A_96 : memref<10240x128xf32, #tpu.memory_space<vmem_shared>>)
      tpu.yield
    }) : () -> ()
    %dma_wait3A_31 = arith.constant 39 : i32
    %dma_wait3A_32 = arith.constant 0 : i32
    %dma_wait3A_33 = tpu.memref_slice %arg7[%dma_wait3A_31, %dma_wait3A_32] : memref<40x128xi32, #tpu.memory_space<vmem>> -> memref<1x128xi32, #tpu.memory_space<vmem>>
    %dma_wait3A_34 = tpu.memref_squeeze %dma_wait3A_33 : memref<1x128xi32, #tpu.memory_space<vmem>> -> memref<128xi32, #tpu.memory_space<vmem>>
    %dma_wait3A_35 = arith.constant 0 : i32
    %dma_wait3A_36 = arith.constant 0 : i32
    %dma_wait3A_37 = tpu.memref_slice %arg2[%dma_wait3A_35, %dma_wait3A_36] : memref<10240x128xf32, #tpu.memory_space<hbm>> -> memref<10240x128xf32, #tpu.memory_space<hbm>>
    tpu.wait_indirect_dma semaphore(%arg13 : memref<!tpu.dma_semaphore, #tpu.memory_space<semaphore_mem>>) src(%dma_wait3A_37 : memref<10240x128xf32, #tpu.memory_space<hbm>>) dst(%arg10 : memref<128x128xf32, #tpu.memory_space<vmem>>)
    %run_scoped3A_38 = arith.constant 39 : i32
    "tpu.region"() ({
      %run_scoped3A_84 = tpu.sem_alloc : memref<!tpu.dma_semaphore, #tpu.memory_space<semaphore_mem>>
      %dma_start3A_85 = arith.constant 0 : i32
      %dma_start3A_86 = tpu.memref_slice %arg8[%run_scoped3A_38, %dma_start3A_85] : memref<40x128xi32, #tpu.memory_space<vmem>> -> memref<1x128xi32, #tpu.memory_space<vmem>>
      %dma_start3A_87 = tpu.memref_squeeze %dma_start3A_86 : memref<1x128xi32, #tpu.memory_space<vmem>> -> memref<128xi32, #tpu.memory_space<vmem>>
      %dma_start3A_88 = arith.constant 0 : i32
      %dma_start3A_89 = arith.constant 0 : i32
      %dma_start3A_90 = tpu.memref_slice %arg11[%dma_start3A_88, %dma_start3A_89] : memref<10240x128xf32, #tpu.memory_space<vmem_shared>> -> memref<10240x128xf32, #tpu.memory_space<vmem_shared>>
      tpu.enqueue_indirect_dma source(%arg10 : memref<128x128xf32, #tpu.memory_space<vmem>>) target(%dma_start3A_90 : memref<10240x128xf32, #tpu.memory_space<vmem_shared>>) offsets(%dma_start3A_87 : memref<128xi32, #tpu.memory_space<vmem>>) semaphore(%run_scoped3A_84 : memref<!tpu.dma_semaphore, #tpu.memory_space<semaphore_mem>>) {add = true}
      %dma_wait3A_91 = arith.constant 0 : i32
      %dma_wait3A_92 = tpu.memref_slice %arg8[%run_scoped3A_38, %dma_wait3A_91] : memref<40x128xi32, #tpu.memory_space<vmem>> -> memref<1x128xi32, #tpu.memory_space<vmem>>
      %dma_wait3A_93 = tpu.memref_squeeze %dma_wait3A_92 : memref<1x128xi32, #tpu.memory_space<vmem>> -> memref<128xi32, #tpu.memory_space<vmem>>
      %dma_wait3A_94 = arith.constant 0 : i32
      %dma_wait3A_95 = arith.constant 0 : i32
      %dma_wait3A_96 = tpu.memref_slice %arg11[%dma_wait3A_94, %dma_wait3A_95] : memref<10240x128xf32, #tpu.memory_space<vmem_shared>> -> memref<10240x128xf32, #tpu.memory_space<vmem_shared>>
      tpu.wait_indirect_dma semaphore(%run_scoped3A_84 : memref<!tpu.dma_semaphore, #tpu.memory_space<semaphore_mem>>) src(%arg10 : memref<128x128xf32, #tpu.memory_space<vmem>>) dst(%dma_wait3A_96 : memref<10240x128xf32, #tpu.memory_space<vmem_shared>>)
      tpu.yield
    }) : () -> ()
    %mul3A_39 = arith.constant 80 : i32
    %mul3A_40 = arith.muli %add3A, %mul3A_39 : i32
    %add3A_41 = arith.constant 40 : i32
    %add3A_42 = arith.addi %mul3A_40, %add3A_41 : i32
    "tpu.region"() ({
      %run_scoped3A_84 = tpu.sem_alloc : memref<!tpu.dma_semaphore, #tpu.memory_space<semaphore_mem>>
      %dma_start3A_85 = arith.constant 0 : i32
      %dma_start3A_86 = tpu.memref_slice %arg3[%add3A_42, %dma_start3A_85] : memref<2560x128xi32, #tpu.memory_space<hbm>> -> memref<40x128xi32, #tpu.memory_space<hbm>>
      %dma_start3A_87 = arith.constant 0 : i32
      %dma_start3A_88 = tpu.memref_slice %arg3[%add3A_42, %dma_start3A_87] : memref<2560x128xi32, #tpu.memory_space<hbm>> -> memref<40x128xi32, #tpu.memory_space<hbm>>
      tpu.enqueue_dma source(%dma_start3A_88 : memref<40x128xi32, #tpu.memory_space<hbm>>) target(%arg7 : memref<40x128xi32, #tpu.memory_space<vmem>>) target_semaphore(%run_scoped3A_84 : memref<!tpu.dma_semaphore, #tpu.memory_space<semaphore_mem>>)
      %dma_wait3A_89 = arith.constant 0 : i32
      %dma_wait3A_90 = tpu.memref_slice %arg3[%add3A_42, %dma_wait3A_89] : memref<2560x128xi32, #tpu.memory_space<hbm>> -> memref<40x128xi32, #tpu.memory_space<hbm>>
      %dma_wait3A_91 = arith.constant 0 : i32
      %dma_wait3A_92 = tpu.memref_slice %arg3[%add3A_42, %dma_wait3A_91] : memref<2560x128xi32, #tpu.memory_space<hbm>> -> memref<40x128xi32, #tpu.memory_space<hbm>>
      tpu.wait_dma2 semaphore(%run_scoped3A_84 : memref<!tpu.dma_semaphore, #tpu.memory_space<semaphore_mem>>) src(%dma_wait3A_92 : memref<40x128xi32, #tpu.memory_space<hbm>>) dst(%arg7 : memref<40x128xi32, #tpu.memory_space<vmem>>)
      tpu.yield
    }) : () -> ()
    "tpu.region"() ({
      %run_scoped3A_84 = tpu.sem_alloc : memref<!tpu.dma_semaphore, #tpu.memory_space<semaphore_mem>>
      %dma_start3A_85 = arith.constant 0 : i32
      %dma_start3A_86 = tpu.memref_slice %arg4[%add3A_42, %dma_start3A_85] : memref<2560x128xi32, #tpu.memory_space<hbm>> -> memref<40x128xi32, #tpu.memory_space<hbm>>
      %dma_start3A_87 = arith.constant 0 : i32
      %dma_start3A_88 = tpu.memref_slice %arg4[%add3A_42, %dma_start3A_87] : memref<2560x128xi32, #tpu.memory_space<hbm>> -> memref<40x128xi32, #tpu.memory_space<hbm>>
      tpu.enqueue_dma source(%dma_start3A_88 : memref<40x128xi32, #tpu.memory_space<hbm>>) target(%arg8 : memref<40x128xi32, #tpu.memory_space<vmem>>) target_semaphore(%run_scoped3A_84 : memref<!tpu.dma_semaphore, #tpu.memory_space<semaphore_mem>>)
      %dma_wait3A_89 = arith.constant 0 : i32
      %dma_wait3A_90 = tpu.memref_slice %arg4[%add3A_42, %dma_wait3A_89] : memref<2560x128xi32, #tpu.memory_space<hbm>> -> memref<40x128xi32, #tpu.memory_space<hbm>>
      %dma_wait3A_91 = arith.constant 0 : i32
      %dma_wait3A_92 = tpu.memref_slice %arg4[%add3A_42, %dma_wait3A_91] : memref<2560x128xi32, #tpu.memory_space<hbm>> -> memref<40x128xi32, #tpu.memory_space<hbm>>
      tpu.wait_dma2 semaphore(%run_scoped3A_84 : memref<!tpu.dma_semaphore, #tpu.memory_space<semaphore_mem>>) src(%dma_wait3A_92 : memref<40x128xi32, #tpu.memory_space<hbm>>) dst(%arg8 : memref<40x128xi32, #tpu.memory_space<vmem>>)
      tpu.yield
    }) : () -> ()
    %dma_start3A_43 = arith.constant 0 : i32
    %dma_start3A_44 = arith.constant 0 : i32
    %dma_start3A_45 = tpu.memref_slice %arg7[%dma_start3A_43, %dma_start3A_44] : memref<40x128xi32, #tpu.memory_space<vmem>> -> memref<1x128xi32, #tpu.memory_space<vmem>>
    %dma_start3A_46 = tpu.memref_squeeze %dma_start3A_45 : memref<1x128xi32, #tpu.memory_space<vmem>> -> memref<128xi32, #tpu.memory_space<vmem>>
    %dma_start3A_47 = arith.constant 0 : i32
    %dma_start3A_48 = arith.constant 0 : i32
    %dma_start3A_49 = tpu.memref_slice %arg2[%dma_start3A_47, %dma_start3A_48] : memref<10240x128xf32, #tpu.memory_space<hbm>> -> memref<10240x128xf32, #tpu.memory_space<hbm>>
    tpu.enqueue_indirect_dma source(%dma_start3A_49 : memref<10240x128xf32, #tpu.memory_space<hbm>>) target(%arg9 : memref<128x128xf32, #tpu.memory_space<vmem>>) offsets(%dma_start3A_46 : memref<128xi32, #tpu.memory_space<vmem>>) semaphore(%arg12 : memref<!tpu.dma_semaphore, #tpu.memory_space<semaphore_mem>>)
    %scan3A_50 = arith.constant 0 : i32
    %scan3A_51 = arith.constant 0 : i32
    %scan3A_52 = arith.constant 19 : i32
    %scan3A_53 = arith.addi %scan3A_51, %scan3A_52 : i32
    %scan3A_54 = arith.constant 1 : i32
    scf.for %scan3A_84 = %scan3A_51 to %scan3A_53 step %scan3A_54  : i32 {
      %mul3A_85 = arith.constant 2 : i32
      %mul3A_86 = arith.muli %mul3A_85, %scan3A_84 : i32
      %add3A_87 = arith.constant 1 : i32
      %add3A_88 = arith.addi %mul3A_86, %add3A_87 : i32
      %dma_start3A_89 = arith.constant 0 : i32
      %dma_start3A_90 = tpu.memref_slice %arg7[%add3A_88, %dma_start3A_89] : memref<40x128xi32, #tpu.memory_space<vmem>> -> memref<1x128xi32, #tpu.memory_space<vmem>>
      %dma_start3A_91 = tpu.memref_squeeze %dma_start3A_90 : memref<1x128xi32, #tpu.memory_space<vmem>> -> memref<128xi32, #tpu.memory_space<vmem>>
      %dma_start3A_92 = arith.constant 0 : i32
      %dma_start3A_93 = arith.constant 0 : i32
      %dma_start3A_94 = tpu.memref_slice %arg2[%dma_start3A_92, %dma_start3A_93] : memref<10240x128xf32, #tpu.memory_space<hbm>> -> memref<10240x128xf32, #tpu.memory_space<hbm>>
      tpu.enqueue_indirect_dma source(%dma_start3A_94 : memref<10240x128xf32, #tpu.memory_space<hbm>>) target(%arg10 : memref<128x128xf32, #tpu.memory_space<vmem>>) offsets(%dma_start3A_91 : memref<128xi32, #tpu.memory_space<vmem>>) semaphore(%arg13 : memref<!tpu.dma_semaphore, #tpu.memory_space<semaphore_mem>>)
      %dma_wait3A_95 = arith.constant 0 : i32
      %dma_wait3A_96 = tpu.memref_slice %arg7[%mul3A_86, %dma_wait3A_95] : memref<40x128xi32, #tpu.memory_space<vmem>> -> memref<1x128xi32, #tpu.memory_space<vmem>>
      %dma_wait3A_97 = tpu.memref_squeeze %dma_wait3A_96 : memref<1x128xi32, #tpu.memory_space<vmem>> -> memref<128xi32, #tpu.memory_space<vmem>>
      %dma_wait3A_98 = arith.constant 0 : i32
      %dma_wait3A_99 = arith.constant 0 : i32
      %dma_wait3A_100 = tpu.memref_slice %arg2[%dma_wait3A_98, %dma_wait3A_99] : memref<10240x128xf32, #tpu.memory_space<hbm>> -> memref<10240x128xf32, #tpu.memory_space<hbm>>
      tpu.wait_indirect_dma semaphore(%arg12 : memref<!tpu.dma_semaphore, #tpu.memory_space<semaphore_mem>>) src(%dma_wait3A_100 : memref<10240x128xf32, #tpu.memory_space<hbm>>) dst(%arg9 : memref<128x128xf32, #tpu.memory_space<vmem>>)
      "tpu.region"() ({
        %run_scoped3A_119 = tpu.sem_alloc : memref<!tpu.dma_semaphore, #tpu.memory_space<semaphore_mem>>
        %dma_start3A_120 = arith.constant 0 : i32
        %dma_start3A_121 = tpu.memref_slice %arg8[%mul3A_86, %dma_start3A_120] : memref<40x128xi32, #tpu.memory_space<vmem>> -> memref<1x128xi32, #tpu.memory_space<vmem>>
        %dma_start3A_122 = tpu.memref_squeeze %dma_start3A_121 : memref<1x128xi32, #tpu.memory_space<vmem>> -> memref<128xi32, #tpu.memory_space<vmem>>
        %dma_start3A_123 = arith.constant 0 : i32
        %dma_start3A_124 = arith.constant 0 : i32
        %dma_start3A_125 = tpu.memref_slice %arg11[%dma_start3A_123, %dma_start3A_124] : memref<10240x128xf32, #tpu.memory_space<vmem_shared>> -> memref<10240x128xf32, #tpu.memory_space<vmem_shared>>
        tpu.enqueue_indirect_dma source(%arg9 : memref<128x128xf32, #tpu.memory_space<vmem>>) target(%dma_start3A_125 : memref<10240x128xf32, #tpu.memory_space<vmem_shared>>) offsets(%dma_start3A_122 : memref<128xi32, #tpu.memory_space<vmem>>) semaphore(%run_scoped3A_119 : memref<!tpu.dma_semaphore, #tpu.memory_space<semaphore_mem>>) {add = true}
        %dma_wait3A_126 = arith.constant 0 : i32
        %dma_wait3A_127 = tpu.memref_slice %arg8[%mul3A_86, %dma_wait3A_126] : memref<40x128xi32, #tpu.memory_space<vmem>> -> memref<1x128xi32, #tpu.memory_space<vmem>>
        %dma_wait3A_128 = tpu.memref_squeeze %dma_wait3A_127 : memref<1x128xi32, #tpu.memory_space<vmem>> -> memref<128xi32, #tpu.memory_space<vmem>>
        %dma_wait3A_129 = arith.constant 0 : i32
        %dma_wait3A_130 = arith.constant 0 : i32
        %dma_wait3A_131 = tpu.memref_slice %arg11[%dma_wait3A_129, %dma_wait3A_130] : memref<10240x128xf32, #tpu.memory_space<vmem_shared>> -> memref<10240x128xf32, #tpu.memory_space<vmem_shared>>
        tpu.wait_indirect_dma semaphore(%run_scoped3A_119 : memref<!tpu.dma_semaphore, #tpu.memory_space<semaphore_mem>>) src(%arg9 : memref<128x128xf32, #tpu.memory_space<vmem>>) dst(%dma_wait3A_131 : memref<10240x128xf32, #tpu.memory_space<vmem_shared>>)
        tpu.yield
      }) : () -> ()
      %add3A_101 = arith.constant 2 : i32
      %add3A_102 = arith.addi %mul3A_86, %add3A_101 : i32
      %dma_start3A_103 = arith.constant 0 : i32
      %dma_start3A_104 = tpu.memref_slice %arg7[%add3A_102, %dma_start3A_103] : memref<40x128xi32, #tpu.memory_space<vmem>> -> memref<1x128xi32, #tpu.memory_space<vmem>>
      %dma_start3A_105 = tpu.memref_squeeze %dma_start3A_104 : memref<1x128xi32, #tpu.memory_space<vmem>> -> memref<128xi32, #tpu.memory_space<vmem>>
      %dma_start3A_106 = arith.constant 0 : i32
      %dma_start3A_107 = arith.constant 0 : i32
      %dma_start3A_108 = tpu.memref_slice %arg2[%dma_start3A_106, %dma_start3A_107] : memref<10240x128xf32, #tpu.memory_space<hbm>> -> memref<10240x128xf32, #tpu.memory_space<hbm>>
      tpu.enqueue_indirect_dma source(%dma_start3A_108 : memref<10240x128xf32, #tpu.memory_space<hbm>>) target(%arg9 : memref<128x128xf32, #tpu.memory_space<vmem>>) offsets(%dma_start3A_105 : memref<128xi32, #tpu.memory_space<vmem>>) semaphore(%arg12 : memref<!tpu.dma_semaphore, #tpu.memory_space<semaphore_mem>>)
      %add3A_109 = arith.constant 1 : i32
      %add3A_110 = arith.addi %mul3A_86, %add3A_109 : i32
      %dma_wait3A_111 = arith.constant 0 : i32
      %dma_wait3A_112 = tpu.memref_slice %arg7[%add3A_110, %dma_wait3A_111] : memref<40x128xi32, #tpu.memory_space<vmem>> -> memref<1x128xi32, #tpu.memory_space<vmem>>
      %dma_wait3A_113 = tpu.memref_squeeze %dma_wait3A_112 : memref<1x128xi32, #tpu.memory_space<vmem>> -> memref<128xi32, #tpu.memory_space<vmem>>
      %dma_wait3A_114 = arith.constant 0 : i32
      %dma_wait3A_115 = arith.constant 0 : i32
      %dma_wait3A_116 = tpu.memref_slice %arg2[%dma_wait3A_114, %dma_wait3A_115] : memref<10240x128xf32, #tpu.memory_space<hbm>> -> memref<10240x128xf32, #tpu.memory_space<hbm>>
      tpu.wait_indirect_dma semaphore(%arg13 : memref<!tpu.dma_semaphore, #tpu.memory_space<semaphore_mem>>) src(%dma_wait3A_116 : memref<10240x128xf32, #tpu.memory_space<hbm>>) dst(%arg10 : memref<128x128xf32, #tpu.memory_space<vmem>>)
      %add3A_117 = arith.constant 1 : i32
      %add3A_118 = arith.addi %mul3A_86, %add3A_117 : i32
      "tpu.region"() ({
        %run_scoped3A_119 = tpu.sem_alloc : memref<!tpu.dma_semaphore, #tpu.memory_space<semaphore_mem>>
        %dma_start3A_120 = arith.constant 0 : i32
        %dma_start3A_121 = tpu.memref_slice %arg8[%add3A_118, %dma_start3A_120] : memref<40x128xi32, #tpu.memory_space<vmem>> -> memref<1x128xi32, #tpu.memory_space<vmem>>
        %dma_start3A_122 = tpu.memref_squeeze %dma_start3A_121 : memref<1x128xi32, #tpu.memory_space<vmem>> -> memref<128xi32, #tpu.memory_space<vmem>>
        %dma_start3A_123 = arith.constant 0 : i32
        %dma_start3A_124 = arith.constant 0 : i32
        %dma_start3A_125 = tpu.memref_slice %arg11[%dma_start3A_123, %dma_start3A_124] : memref<10240x128xf32, #tpu.memory_space<vmem_shared>> -> memref<10240x128xf32, #tpu.memory_space<vmem_shared>>
        tpu.enqueue_indirect_dma source(%arg10 : memref<128x128xf32, #tpu.memory_space<vmem>>) target(%dma_start3A_125 : memref<10240x128xf32, #tpu.memory_space<vmem_shared>>) offsets(%dma_start3A_122 : memref<128xi32, #tpu.memory_space<vmem>>) semaphore(%run_scoped3A_119 : memref<!tpu.dma_semaphore, #tpu.memory_space<semaphore_mem>>) {add = true}
        %dma_wait3A_126 = arith.constant 0 : i32
        %dma_wait3A_127 = tpu.memref_slice %arg8[%add3A_118, %dma_wait3A_126] : memref<40x128xi32, #tpu.memory_space<vmem>> -> memref<1x128xi32, #tpu.memory_space<vmem>>
        %dma_wait3A_128 = tpu.memref_squeeze %dma_wait3A_127 : memref<1x128xi32, #tpu.memory_space<vmem>> -> memref<128xi32, #tpu.memory_space<vmem>>
        %dma_wait3A_129 = arith.constant 0 : i32
        %dma_wait3A_130 = arith.constant 0 : i32
        %dma_wait3A_131 = tpu.memref_slice %arg11[%dma_wait3A_129, %dma_wait3A_130] : memref<10240x128xf32, #tpu.memory_space<vmem_shared>> -> memref<10240x128xf32, #tpu.memory_space<vmem_shared>>
        tpu.wait_indirect_dma semaphore(%run_scoped3A_119 : memref<!tpu.dma_semaphore, #tpu.memory_space<semaphore_mem>>) src(%arg10 : memref<128x128xf32, #tpu.memory_space<vmem>>) dst(%dma_wait3A_131 : memref<10240x128xf32, #tpu.memory_space<vmem_shared>>)
        tpu.yield
      }) : () -> ()
    }
    %scan3A_55 = arith.constant 19 : i32
    %dma_start3A_56 = arith.constant 39 : i32
    %dma_start3A_57 = arith.constant 0 : i32
    %dma_start3A_58 = tpu.memref_slice %arg7[%dma_start3A_56, %dma_start3A_57] : memref<40x128xi32, #tpu.memory_space<vmem>> -> memref<1x128xi32, #tpu.memory_space<vmem>>
    %dma_start3A_59 = tpu.memref_squeeze %dma_start3A_58 : memref<1x128xi32, #tpu.memory_space<vmem>> -> memref<128xi32, #tpu.memory_space<vmem>>
    %dma_start3A_60 = arith.constant 0 : i32
    %dma_start3A_61 = arith.constant 0 : i32
    %dma_start3A_62 = tpu.memref_slice %arg2[%dma_start3A_60, %dma_start3A_61] : memref<10240x128xf32, #tpu.memory_space<hbm>> -> memref<10240x128xf32, #tpu.memory_space<hbm>>
    tpu.enqueue_indirect_dma source(%dma_start3A_62 : memref<10240x128xf32, #tpu.memory_space<hbm>>) target(%arg10 : memref<128x128xf32, #tpu.memory_space<vmem>>) offsets(%dma_start3A_59 : memref<128xi32, #tpu.memory_space<vmem>>) semaphore(%arg13 : memref<!tpu.dma_semaphore, #tpu.memory_space<semaphore_mem>>)
    %dma_wait3A_63 = arith.constant 38 : i32
    %dma_wait3A_64 = arith.constant 0 : i32
    %dma_wait3A_65 = tpu.memref_slice %arg7[%dma_wait3A_63, %dma_wait3A_64] : memref<40x128xi32, #tpu.memory_space<vmem>> -> memref<1x128xi32, #tpu.memory_space<vmem>>
    %dma_wait3A_66 = tpu.memref_squeeze %dma_wait3A_65 : memref<1x128xi32, #tpu.memory_space<vmem>> -> memref<128xi32, #tpu.memory_space<vmem>>
    %dma_wait3A_67 = arith.constant 0 : i32
    %dma_wait3A_68 = arith.constant 0 : i32
    %dma_wait3A_69 = tpu.memref_slice %arg2[%dma_wait3A_67, %dma_wait3A_68] : memref<10240x128xf32, #tpu.memory_space<hbm>> -> memref<10240x128xf32, #tpu.memory_space<hbm>>
    tpu.wait_indirect_dma semaphore(%arg12 : memref<!tpu.dma_semaphore, #tpu.memory_space<semaphore_mem>>) src(%dma_wait3A_69 : memref<10240x128xf32, #tpu.memory_space<hbm>>) dst(%arg9 : memref<128x128xf32, #tpu.memory_space<vmem>>)
    %run_scoped3A_70 = arith.constant 38 : i32
    "tpu.region"() ({
      %run_scoped3A_84 = tpu.sem_alloc : memref<!tpu.dma_semaphore, #tpu.memory_space<semaphore_mem>>
      %dma_start3A_85 = arith.constant 0 : i32
      %dma_start3A_86 = tpu.memref_slice %arg8[%run_scoped3A_70, %dma_start3A_85] : memref<40x128xi32, #tpu.memory_space<vmem>> -> memref<1x128xi32, #tpu.memory_space<vmem>>
      %dma_start3A_87 = tpu.memref_squeeze %dma_start3A_86 : memref<1x128xi32, #tpu.memory_space<vmem>> -> memref<128xi32, #tpu.memory_space<vmem>>
      %dma_start3A_88 = arith.constant 0 : i32
      %dma_start3A_89 = arith.constant 0 : i32
      %dma_start3A_90 = tpu.memref_slice %arg11[%dma_start3A_88, %dma_start3A_89] : memref<10240x128xf32, #tpu.memory_space<vmem_shared>> -> memref<10240x128xf32, #tpu.memory_space<vmem_shared>>
      tpu.enqueue_indirect_dma source(%arg9 : memref<128x128xf32, #tpu.memory_space<vmem>>) target(%dma_start3A_90 : memref<10240x128xf32, #tpu.memory_space<vmem_shared>>) offsets(%dma_start3A_87 : memref<128xi32, #tpu.memory_space<vmem>>) semaphore(%run_scoped3A_84 : memref<!tpu.dma_semaphore, #tpu.memory_space<semaphore_mem>>) {add = true}
      %dma_wait3A_91 = arith.constant 0 : i32
      %dma_wait3A_92 = tpu.memref_slice %arg8[%run_scoped3A_70, %dma_wait3A_91] : memref<40x128xi32, #tpu.memory_space<vmem>> -> memref<1x128xi32, #tpu.memory_space<vmem>>
      %dma_wait3A_93 = tpu.memref_squeeze %dma_wait3A_92 : memref<1x128xi32, #tpu.memory_space<vmem>> -> memref<128xi32, #tpu.memory_space<vmem>>
      %dma_wait3A_94 = arith.constant 0 : i32
      %dma_wait3A_95 = arith.constant 0 : i32
      %dma_wait3A_96 = tpu.memref_slice %arg11[%dma_wait3A_94, %dma_wait3A_95] : memref<10240x128xf32, #tpu.memory_space<vmem_shared>> -> memref<10240x128xf32, #tpu.memory_space<vmem_shared>>
      tpu.wait_indirect_dma semaphore(%run_scoped3A_84 : memref<!tpu.dma_semaphore, #tpu.memory_space<semaphore_mem>>) src(%arg9 : memref<128x128xf32, #tpu.memory_space<vmem>>) dst(%dma_wait3A_96 : memref<10240x128xf32, #tpu.memory_space<vmem_shared>>)
      tpu.yield
    }) : () -> ()
    %dma_wait3A_71 = arith.constant 39 : i32
    %dma_wait3A_72 = arith.constant 0 : i32
    %dma_wait3A_73 = tpu.memref_slice %arg7[%dma_wait3A_71, %dma_wait3A_72] : memref<40x128xi32, #tpu.memory_space<vmem>> -> memref<1x128xi32, #tpu.memory_space<vmem>>
    %dma_wait3A_74 = tpu.memref_squeeze %dma_wait3A_73 : memref<1x128xi32, #tpu.memory_space<vmem>> -> memref<128xi32, #tpu.memory_space<vmem>>
    %dma_wait3A_75 = arith.constant 0 : i32
    %dma_wait3A_76 = arith.constant 0 : i32
    %dma_wait3A_77 = tpu.memref_slice %arg2[%dma_wait3A_75, %dma_wait3A_76] : memref<10240x128xf32, #tpu.memory_space<hbm>> -> memref<10240x128xf32, #tpu.memory_space<hbm>>
    tpu.wait_indirect_dma semaphore(%arg13 : memref<!tpu.dma_semaphore, #tpu.memory_space<semaphore_mem>>) src(%dma_wait3A_77 : memref<10240x128xf32, #tpu.memory_space<hbm>>) dst(%arg10 : memref<128x128xf32, #tpu.memory_space<vmem>>)
    %run_scoped3A_78 = arith.constant 39 : i32
    "tpu.region"() ({
      %run_scoped3A_84 = tpu.sem_alloc : memref<!tpu.dma_semaphore, #tpu.memory_space<semaphore_mem>>
      %dma_start3A_85 = arith.constant 0 : i32
      %dma_start3A_86 = tpu.memref_slice %arg8[%run_scoped3A_78, %dma_start3A_85] : memref<40x128xi32, #tpu.memory_space<vmem>> -> memref<1x128xi32, #tpu.memory_space<vmem>>
      %dma_start3A_87 = tpu.memref_squeeze %dma_start3A_86 : memref<1x128xi32, #tpu.memory_space<vmem>> -> memref<128xi32, #tpu.memory_space<vmem>>
      %dma_start3A_88 = arith.constant 0 : i32
      %dma_start3A_89 = arith.constant 0 : i32
      %dma_start3A_90 = tpu.memref_slice %arg11[%dma_start3A_88, %dma_start3A_89] : memref<10240x128xf32, #tpu.memory_space<vmem_shared>> -> memref<10240x128xf32, #tpu.memory_space<vmem_shared>>
      tpu.enqueue_indirect_dma source(%arg10 : memref<128x128xf32, #tpu.memory_space<vmem>>) target(%dma_start3A_90 : memref<10240x128xf32, #tpu.memory_space<vmem_shared>>) offsets(%dma_start3A_87 : memref<128xi32, #tpu.memory_space<vmem>>) semaphore(%run_scoped3A_84 : memref<!tpu.dma_semaphore, #tpu.memory_space<semaphore_mem>>) {add = true}
      %dma_wait3A_91 = arith.constant 0 : i32
      %dma_wait3A_92 = tpu.memref_slice %arg8[%run_scoped3A_78, %dma_wait3A_91] : memref<40x128xi32, #tpu.memory_space<vmem>> -> memref<1x128xi32, #tpu.memory_space<vmem>>
      %dma_wait3A_93 = tpu.memref_squeeze %dma_wait3A_92 : memref<1x128xi32, #tpu.memory_space<vmem>> -> memref<128xi32, #tpu.memory_space<vmem>>
      %dma_wait3A_94 = arith.constant 0 : i32
      %dma_wait3A_95 = arith.constant 0 : i32
      %dma_wait3A_96 = tpu.memref_slice %arg11[%dma_wait3A_94, %dma_wait3A_95] : memref<10240x128xf32, #tpu.memory_space<vmem_shared>> -> memref<10240x128xf32, #tpu.memory_space<vmem_shared>>
      tpu.wait_indirect_dma semaphore(%run_scoped3A_84 : memref<!tpu.dma_semaphore, #tpu.memory_space<semaphore_mem>>) src(%arg10 : memref<128x128xf32, #tpu.memory_space<vmem>>) dst(%dma_wait3A_96 : memref<10240x128xf32, #tpu.memory_space<vmem_shared>>)
      tpu.yield
    }) : () -> ()
    %barrier3A_79 = arith.constant 0 : index
    tpu.barrier barrier_id(%barrier3A_79)
    %mul3A_80 = arith.constant 640 : i32
    %mul3A_81 = arith.muli %arg1, %mul3A_80 : i32
    %mul3A_82 = arith.constant 640 : i32
    %mul3A_83 = arith.muli %arg1, %mul3A_82 : i32
    "tpu.region"() ({
      %run_scoped3A_84 = tpu.sem_alloc : memref<!tpu.dma_semaphore, #tpu.memory_space<semaphore_mem>>
      %dma_start3A_85 = arith.constant 0 : i32
      %dma_start3A_86 = tpu.memref_slice %arg6[%arg0, %mul3A_83, %dma_start3A_85] : memref<2x10240x128xf32, #tpu.memory_space<hbm>> -> memref<1x640x128xf32, #tpu.memory_space<hbm>>
      %dma_start3A_87 = tpu.memref_squeeze %dma_start3A_86 : memref<1x640x128xf32, #tpu.memory_space<hbm>> -> memref<640x128xf32, #tpu.memory_space<hbm>>
      %dma_start3A_88 = arith.constant 0 : i32
      %dma_start3A_89 = tpu.memref_slice %arg11[%mul3A_81, %dma_start3A_88] : memref<10240x128xf32, #tpu.memory_space<vmem_shared>> -> memref<640x128xf32, #tpu.memory_space<vmem_shared>>
      tpu.enqueue_dma source(%dma_start3A_89 : memref<640x128xf32, #tpu.memory_space<vmem_shared>>) target(%dma_start3A_87 : memref<640x128xf32, #tpu.memory_space<hbm>>) target_semaphore(%run_scoped3A_84 : memref<!tpu.dma_semaphore, #tpu.memory_space<semaphore_mem>>)
      %dma_wait3A_90 = arith.constant 0 : i32
      %dma_wait3A_91 = tpu.memref_slice %arg6[%arg0, %mul3A_83, %dma_wait3A_90] : memref<2x10240x128xf32, #tpu.memory_space<hbm>> -> memref<1x640x128xf32, #tpu.memory_space<hbm>>
      %dma_wait3A_92 = tpu.memref_squeeze %dma_wait3A_91 : memref<1x640x128xf32, #tpu.memory_space<hbm>> -> memref<640x128xf32, #tpu.memory_space<hbm>>
      %dma_wait3A_93 = arith.constant 0 : i32
      %dma_wait3A_94 = tpu.memref_slice %arg11[%mul3A_81, %dma_wait3A_93] : memref<10240x128xf32, #tpu.memory_space<vmem_shared>> -> memref<640x128xf32, #tpu.memory_space<vmem_shared>>
      tpu.wait_dma2 semaphore(%run_scoped3A_84 : memref<!tpu.dma_semaphore, #tpu.memory_space<semaphore_mem>>) src(%dma_wait3A_94 : memref<640x128xf32, #tpu.memory_space<vmem_shared>>) dst(%dma_wait3A_92 : memref<640x128xf32, #tpu.memory_space<hbm>>)
      tpu.yield
    }) : () -> ()
    return
  }
}

#map = affine_map<(d0, d1) -> (0, 0)>
#map1 = affine_map<(d0, d1) -> (0, 0, 0)>
module attributes {stable_mosaic.version = 14 : i64} {
  func.func @_degrees(%arg0: i32, %arg1: i32, %arg2: memref<2560x128xi32, #tpu.memory_space<hbm>>, %arg3: memref<2560x128xi32, #tpu.memory_space<hbm>>, %arg4: memref<640x128xf32, #tpu.memory_space<hbm>>, %arg5: memref<128x128xf32, #tpu.memory_space<hbm>>, %arg6: memref<128x128xf32, #tpu.memory_space<hbm>>, %arg7: memref<2x10240x128xf32, #tpu.memory_space<hbm>>, %arg8: memref<80x128xi32, #tpu.memory_space<vmem>>, %arg9: memref<80x128xi32, #tpu.memory_space<vmem>>, %arg10: memref<128x128xf32, #tpu.memory_space<vmem>>, %arg11: memref<10240x128xf32, #tpu.memory_space<vmem_shared>>) attributes {dimension_semantics = [#tpu.dimension_semantics<core_parallel>, #tpu.dimension_semantics<subcore_parallel>], iteration_bounds = array<i64: 2, 16>, scalar_prefetch = 0 : i64, scratch_operands = 4 : i64, tpu.core_type = #tpu.core_type<sc_vector_subcore>, window_params = [{transform_indices = #map}, {transform_indices = #map}, {transform_indices = #map}, {transform_indices = #map}, {transform_indices = #map}, {transform_indices = #map1}]} {
    %mul3A = arith.constant 16 : i32
    %mul3A_0 = arith.muli %arg0, %mul3A : i32
    %add3A = arith.addi %mul3A_0, %arg1 : i32
    %mul3A_1 = arith.constant 80 : i32
    %mul3A_2 = arith.muli %add3A, %mul3A_1 : i32
    "tpu.region"() ({
      %run_scoped3A = tpu.sem_alloc : memref<!tpu.dma_semaphore, #tpu.memory_space<semaphore_mem>>
      %dma_start3A = arith.constant 0 : i32
      %dma_start3A_23 = tpu.memref_slice %arg2[%mul3A_2, %dma_start3A] : memref<2560x128xi32, #tpu.memory_space<hbm>> -> memref<80x128xi32, #tpu.memory_space<hbm>>
      %dma_start3A_24 = arith.constant 0 : i32
      %dma_start3A_25 = tpu.memref_slice %arg2[%mul3A_2, %dma_start3A_24] : memref<2560x128xi32, #tpu.memory_space<hbm>> -> memref<80x128xi32, #tpu.memory_space<hbm>>
      tpu.enqueue_dma source(%dma_start3A_25 : memref<80x128xi32, #tpu.memory_space<hbm>>) target(%arg8 : memref<80x128xi32, #tpu.memory_space<vmem>>) target_semaphore(%run_scoped3A : memref<!tpu.dma_semaphore, #tpu.memory_space<semaphore_mem>>)
      %dma_wait3A = arith.constant 0 : i32
      %dma_wait3A_26 = tpu.memref_slice %arg2[%mul3A_2, %dma_wait3A] : memref<2560x128xi32, #tpu.memory_space<hbm>> -> memref<80x128xi32, #tpu.memory_space<hbm>>
      %dma_wait3A_27 = arith.constant 0 : i32
      %dma_wait3A_28 = tpu.memref_slice %arg2[%mul3A_2, %dma_wait3A_27] : memref<2560x128xi32, #tpu.memory_space<hbm>> -> memref<80x128xi32, #tpu.memory_space<hbm>>
      tpu.wait_dma2 semaphore(%run_scoped3A : memref<!tpu.dma_semaphore, #tpu.memory_space<semaphore_mem>>) src(%dma_wait3A_28 : memref<80x128xi32, #tpu.memory_space<hbm>>) dst(%arg8 : memref<80x128xi32, #tpu.memory_space<vmem>>)
      tpu.yield
    }) : () -> ()
    %mul3A_3 = arith.constant 80 : i32
    %mul3A_4 = arith.muli %add3A, %mul3A_3 : i32
    "tpu.region"() ({
      %run_scoped3A = tpu.sem_alloc : memref<!tpu.dma_semaphore, #tpu.memory_space<semaphore_mem>>
      %dma_start3A = arith.constant 0 : i32
      %dma_start3A_23 = tpu.memref_slice %arg3[%mul3A_4, %dma_start3A] : memref<2560x128xi32, #tpu.memory_space<hbm>> -> memref<80x128xi32, #tpu.memory_space<hbm>>
      %dma_start3A_24 = arith.constant 0 : i32
      %dma_start3A_25 = tpu.memref_slice %arg3[%mul3A_4, %dma_start3A_24] : memref<2560x128xi32, #tpu.memory_space<hbm>> -> memref<80x128xi32, #tpu.memory_space<hbm>>
      tpu.enqueue_dma source(%dma_start3A_25 : memref<80x128xi32, #tpu.memory_space<hbm>>) target(%arg9 : memref<80x128xi32, #tpu.memory_space<vmem>>) target_semaphore(%run_scoped3A : memref<!tpu.dma_semaphore, #tpu.memory_space<semaphore_mem>>)
      %dma_wait3A = arith.constant 0 : i32
      %dma_wait3A_26 = tpu.memref_slice %arg3[%mul3A_4, %dma_wait3A] : memref<2560x128xi32, #tpu.memory_space<hbm>> -> memref<80x128xi32, #tpu.memory_space<hbm>>
      %dma_wait3A_27 = arith.constant 0 : i32
      %dma_wait3A_28 = tpu.memref_slice %arg3[%mul3A_4, %dma_wait3A_27] : memref<2560x128xi32, #tpu.memory_space<hbm>> -> memref<80x128xi32, #tpu.memory_space<hbm>>
      tpu.wait_dma2 semaphore(%run_scoped3A : memref<!tpu.dma_semaphore, #tpu.memory_space<semaphore_mem>>) src(%dma_wait3A_28 : memref<80x128xi32, #tpu.memory_space<hbm>>) dst(%arg9 : memref<80x128xi32, #tpu.memory_space<vmem>>)
      tpu.yield
    }) : () -> ()
    "tpu.region"() ({
      %run_scoped3A = tpu.sem_alloc : memref<!tpu.dma_semaphore, #tpu.memory_space<semaphore_mem>>
      tpu.enqueue_dma source(%arg5 : memref<128x128xf32, #tpu.memory_space<hbm>>) target(%arg10 : memref<128x128xf32, #tpu.memory_space<vmem>>) target_semaphore(%run_scoped3A : memref<!tpu.dma_semaphore, #tpu.memory_space<semaphore_mem>>)
      tpu.wait_dma2 semaphore(%run_scoped3A : memref<!tpu.dma_semaphore, #tpu.memory_space<semaphore_mem>>) src(%arg5 : memref<128x128xf32, #tpu.memory_space<hbm>>) dst(%arg10 : memref<128x128xf32, #tpu.memory_space<vmem>>)
      tpu.yield
    }) : () -> ()
    %mul3A_5 = arith.constant 640 : i32
    %mul3A_6 = arith.muli %arg1, %mul3A_5 : i32
    "tpu.region"() ({
      %run_scoped3A = tpu.sem_alloc : memref<!tpu.dma_semaphore, #tpu.memory_space<semaphore_mem>>
      %dma_start3A = arith.constant 0 : i32
      %dma_start3A_23 = tpu.memref_slice %arg11[%mul3A_6, %dma_start3A] : memref<10240x128xf32, #tpu.memory_space<vmem_shared>> -> memref<640x128xf32, #tpu.memory_space<vmem_shared>>
      tpu.enqueue_dma source(%arg4 : memref<640x128xf32, #tpu.memory_space<hbm>>) target(%dma_start3A_23 : memref<640x128xf32, #tpu.memory_space<vmem_shared>>) target_semaphore(%run_scoped3A : memref<!tpu.dma_semaphore, #tpu.memory_space<semaphore_mem>>)
      %dma_wait3A = arith.constant 0 : i32
      %dma_wait3A_24 = tpu.memref_slice %arg11[%mul3A_6, %dma_wait3A] : memref<10240x128xf32, #tpu.memory_space<vmem_shared>> -> memref<640x128xf32, #tpu.memory_space<vmem_shared>>
      tpu.wait_dma2 semaphore(%run_scoped3A : memref<!tpu.dma_semaphore, #tpu.memory_space<semaphore_mem>>) src(%arg4 : memref<640x128xf32, #tpu.memory_space<hbm>>) dst(%dma_wait3A_24 : memref<640x128xf32, #tpu.memory_space<vmem_shared>>)
      tpu.yield
    }) : () -> ()
    %barrier3A = arith.constant 0 : index
    tpu.barrier barrier_id(%barrier3A)
    %scan3A = arith.constant 0 : i32
    %scan3A_7 = arith.constant 0 : i32
    %scan3A_8 = arith.constant 80 : i32
    %scan3A_9 = arith.addi %scan3A_7, %scan3A_8 : i32
    %scan3A_10 = arith.constant 1 : i32
    scf.for %scan3A_23 = %scan3A_7 to %scan3A_9 step %scan3A_10  : i32 {
      "tpu.region"() ({
        %run_scoped3A = tpu.sem_alloc : memref<!tpu.dma_semaphore, #tpu.memory_space<semaphore_mem>>
        %dma_start3A = arith.constant 0 : i32
        %dma_start3A_24 = tpu.memref_slice %arg8[%scan3A_23, %dma_start3A] : memref<80x128xi32, #tpu.memory_space<vmem>> -> memref<1x128xi32, #tpu.memory_space<vmem>>
        %dma_start3A_25 = tpu.memref_squeeze %dma_start3A_24 : memref<1x128xi32, #tpu.memory_space<vmem>> -> memref<128xi32, #tpu.memory_space<vmem>>
        %dma_start3A_26 = arith.constant 0 : i32
        %dma_start3A_27 = arith.constant 0 : i32
        %dma_start3A_28 = tpu.memref_slice %arg11[%dma_start3A_26, %dma_start3A_27] : memref<10240x128xf32, #tpu.memory_space<vmem_shared>> -> memref<10240x128xf32, #tpu.memory_space<vmem_shared>>
        tpu.enqueue_indirect_dma source(%arg10 : memref<128x128xf32, #tpu.memory_space<vmem>>) target(%dma_start3A_28 : memref<10240x128xf32, #tpu.memory_space<vmem_shared>>) offsets(%dma_start3A_25 : memref<128xi32, #tpu.memory_space<vmem>>) semaphore(%run_scoped3A : memref<!tpu.dma_semaphore, #tpu.memory_space<semaphore_mem>>) {add = true}
        %dma_wait3A = arith.constant 0 : i32
        %dma_wait3A_29 = tpu.memref_slice %arg8[%scan3A_23, %dma_wait3A] : memref<80x128xi32, #tpu.memory_space<vmem>> -> memref<1x128xi32, #tpu.memory_space<vmem>>
        %dma_wait3A_30 = tpu.memref_squeeze %dma_wait3A_29 : memref<1x128xi32, #tpu.memory_space<vmem>> -> memref<128xi32, #tpu.memory_space<vmem>>
        %dma_wait3A_31 = arith.constant 0 : i32
        %dma_wait3A_32 = arith.constant 0 : i32
        %dma_wait3A_33 = tpu.memref_slice %arg11[%dma_wait3A_31, %dma_wait3A_32] : memref<10240x128xf32, #tpu.memory_space<vmem_shared>> -> memref<10240x128xf32, #tpu.memory_space<vmem_shared>>
        tpu.wait_indirect_dma semaphore(%run_scoped3A : memref<!tpu.dma_semaphore, #tpu.memory_space<semaphore_mem>>) src(%arg10 : memref<128x128xf32, #tpu.memory_space<vmem>>) dst(%dma_wait3A_33 : memref<10240x128xf32, #tpu.memory_space<vmem_shared>>)
        tpu.yield
      }) : () -> ()
    }
    %scan3A_11 = arith.constant 80 : i32
    "tpu.region"() ({
      %run_scoped3A = tpu.sem_alloc : memref<!tpu.dma_semaphore, #tpu.memory_space<semaphore_mem>>
      tpu.enqueue_dma source(%arg6 : memref<128x128xf32, #tpu.memory_space<hbm>>) target(%arg10 : memref<128x128xf32, #tpu.memory_space<vmem>>) target_semaphore(%run_scoped3A : memref<!tpu.dma_semaphore, #tpu.memory_space<semaphore_mem>>)
      tpu.wait_dma2 semaphore(%run_scoped3A : memref<!tpu.dma_semaphore, #tpu.memory_space<semaphore_mem>>) src(%arg6 : memref<128x128xf32, #tpu.memory_space<hbm>>) dst(%arg10 : memref<128x128xf32, #tpu.memory_space<vmem>>)
      tpu.yield
    }) : () -> ()
    %scan3A_12 = arith.constant 0 : i32
    %scan3A_13 = arith.constant 0 : i32
    %scan3A_14 = arith.constant 80 : i32
    %scan3A_15 = arith.addi %scan3A_13, %scan3A_14 : i32
    %scan3A_16 = arith.constant 1 : i32
    scf.for %scan3A_23 = %scan3A_13 to %scan3A_15 step %scan3A_16  : i32 {
      "tpu.region"() ({
        %run_scoped3A = tpu.sem_alloc : memref<!tpu.dma_semaphore, #tpu.memory_space<semaphore_mem>>
        %dma_start3A = arith.constant 0 : i32
        %dma_start3A_24 = tpu.memref_slice %arg9[%scan3A_23, %dma_start3A] : memref<80x128xi32, #tpu.memory_space<vmem>> -> memref<1x128xi32, #tpu.memory_space<vmem>>
        %dma_start3A_25 = tpu.memref_squeeze %dma_start3A_24 : memref<1x128xi32, #tpu.memory_space<vmem>> -> memref<128xi32, #tpu.memory_space<vmem>>
        %dma_start3A_26 = arith.constant 0 : i32
        %dma_start3A_27 = arith.constant 0 : i32
        %dma_start3A_28 = tpu.memref_slice %arg11[%dma_start3A_26, %dma_start3A_27] : memref<10240x128xf32, #tpu.memory_space<vmem_shared>> -> memref<10240x128xf32, #tpu.memory_space<vmem_shared>>
        tpu.enqueue_indirect_dma source(%arg10 : memref<128x128xf32, #tpu.memory_space<vmem>>) target(%dma_start3A_28 : memref<10240x128xf32, #tpu.memory_space<vmem_shared>>) offsets(%dma_start3A_25 : memref<128xi32, #tpu.memory_space<vmem>>) semaphore(%run_scoped3A : memref<!tpu.dma_semaphore, #tpu.memory_space<semaphore_mem>>) {add = true}
        %dma_wait3A = arith.constant 0 : i32
        %dma_wait3A_29 = tpu.memref_slice %arg9[%scan3A_23, %dma_wait3A] : memref<80x128xi32, #tpu.memory_space<vmem>> -> memref<1x128xi32, #tpu.memory_space<vmem>>
        %dma_wait3A_30 = tpu.memref_squeeze %dma_wait3A_29 : memref<1x128xi32, #tpu.memory_space<vmem>> -> memref<128xi32, #tpu.memory_space<vmem>>
        %dma_wait3A_31 = arith.constant 0 : i32
        %dma_wait3A_32 = arith.constant 0 : i32
        %dma_wait3A_33 = tpu.memref_slice %arg11[%dma_wait3A_31, %dma_wait3A_32] : memref<10240x128xf32, #tpu.memory_space<vmem_shared>> -> memref<10240x128xf32, #tpu.memory_space<vmem_shared>>
        tpu.wait_indirect_dma semaphore(%run_scoped3A : memref<!tpu.dma_semaphore, #tpu.memory_space<semaphore_mem>>) src(%arg10 : memref<128x128xf32, #tpu.memory_space<vmem>>) dst(%dma_wait3A_33 : memref<10240x128xf32, #tpu.memory_space<vmem_shared>>)
        tpu.yield
      }) : () -> ()
    }
    %scan3A_17 = arith.constant 80 : i32
    %barrier3A_18 = arith.constant 0 : index
    tpu.barrier barrier_id(%barrier3A_18)
    %mul3A_19 = arith.constant 640 : i32
    %mul3A_20 = arith.muli %arg1, %mul3A_19 : i32
    %mul3A_21 = arith.constant 640 : i32
    %mul3A_22 = arith.muli %arg1, %mul3A_21 : i32
    "tpu.region"() ({
      %run_scoped3A = tpu.sem_alloc : memref<!tpu.dma_semaphore, #tpu.memory_space<semaphore_mem>>
      %dma_start3A = arith.constant 0 : i32
      %dma_start3A_23 = tpu.memref_slice %arg7[%arg0, %mul3A_22, %dma_start3A] : memref<2x10240x128xf32, #tpu.memory_space<hbm>> -> memref<1x640x128xf32, #tpu.memory_space<hbm>>
      %dma_start3A_24 = tpu.memref_squeeze %dma_start3A_23 : memref<1x640x128xf32, #tpu.memory_space<hbm>> -> memref<640x128xf32, #tpu.memory_space<hbm>>
      %dma_start3A_25 = arith.constant 0 : i32
      %dma_start3A_26 = tpu.memref_slice %arg11[%mul3A_20, %dma_start3A_25] : memref<10240x128xf32, #tpu.memory_space<vmem_shared>> -> memref<640x128xf32, #tpu.memory_space<vmem_shared>>
      tpu.enqueue_dma source(%dma_start3A_26 : memref<640x128xf32, #tpu.memory_space<vmem_shared>>) target(%dma_start3A_24 : memref<640x128xf32, #tpu.memory_space<hbm>>) target_semaphore(%run_scoped3A : memref<!tpu.dma_semaphore, #tpu.memory_space<semaphore_mem>>)
      %dma_wait3A = arith.constant 0 : i32
      %dma_wait3A_27 = tpu.memref_slice %arg7[%arg0, %mul3A_22, %dma_wait3A] : memref<2x10240x128xf32, #tpu.memory_space<hbm>> -> memref<1x640x128xf32, #tpu.memory_space<hbm>>
      %dma_wait3A_28 = tpu.memref_squeeze %dma_wait3A_27 : memref<1x640x128xf32, #tpu.memory_space<hbm>> -> memref<640x128xf32, #tpu.memory_space<hbm>>
      %dma_wait3A_29 = arith.constant 0 : i32
      %dma_wait3A_30 = tpu.memref_slice %arg11[%mul3A_20, %dma_wait3A_29] : memref<10240x128xf32, #tpu.memory_space<vmem_shared>> -> memref<640x128xf32, #tpu.memory_space<vmem_shared>>
      tpu.wait_dma2 semaphore(%run_scoped3A : memref<!tpu.dma_semaphore, #tpu.memory_space<semaphore_mem>>) src(%dma_wait3A_30 : memref<640x128xf32, #tpu.memory_space<vmem_shared>>) dst(%dma_wait3A_28 : memref<640x128xf32, #tpu.memory_space<hbm>>)
      tpu.yield
    }) : () -> ()
    return
  }
}

#map = affine_map<(d0, d1) -> (0, 0)>
#map1 = affine_map<(d0, d1) -> (0, 0, 0)>
module attributes {stable_mosaic.version = 14 : i64} {
  func.func @agg(%arg0: i32, %arg1: i32, %arg2: memref<10240x128xf32, #tpu.memory_space<hbm>>, %arg3: memref<2560x128xi32, #tpu.memory_space<hbm>>, %arg4: memref<2560x128xi32, #tpu.memory_space<hbm>>, %arg5: memref<640x128xf32, #tpu.memory_space<hbm>>, %arg6: memref<2x10240x128xf32, #tpu.memory_space<hbm>>, %arg7: memref<40x128xi32, #tpu.memory_space<vmem>>, %arg8: memref<40x128xi32, #tpu.memory_space<vmem>>, %arg9: memref<128x128xf32, #tpu.memory_space<vmem>>, %arg10: memref<128x128xf32, #tpu.memory_space<vmem>>, %arg11: memref<10240x128xf32, #tpu.memory_space<vmem_shared>>, %arg12: memref<!tpu.dma_semaphore, #tpu.memory_space<semaphore_mem>>, %arg13: memref<!tpu.dma_semaphore, #tpu.memory_space<semaphore_mem>>) attributes {dimension_semantics = [#tpu.dimension_semantics<core_parallel>, #tpu.dimension_semantics<subcore_parallel>], iteration_bounds = array<i64: 2, 16>, scalar_prefetch = 0 : i64, scratch_operands = 7 : i64, tpu.core_type = #tpu.core_type<sc_vector_subcore>, window_params = [{transform_indices = #map}, {transform_indices = #map}, {transform_indices = #map}, {transform_indices = #map}, {transform_indices = #map1}]} {
    %mul3A = arith.constant 16 : i32
    %mul3A_0 = arith.muli %arg0, %mul3A : i32
    %add3A = arith.addi %mul3A_0, %arg1 : i32
    %mul3A_1 = arith.constant 640 : i32
    %mul3A_2 = arith.muli %arg1, %mul3A_1 : i32
    "tpu.region"() ({
      %run_scoped3A_84 = tpu.sem_alloc : memref<!tpu.dma_semaphore, #tpu.memory_space<semaphore_mem>>
      %dma_start3A_85 = arith.constant 0 : i32
      %dma_start3A_86 = tpu.memref_slice %arg11[%mul3A_2, %dma_start3A_85] : memref<10240x128xf32, #tpu.memory_space<vmem_shared>> -> memref<640x128xf32, #tpu.memory_space<vmem_shared>>
      tpu.enqueue_dma source(%arg5 : memref<640x128xf32, #tpu.memory_space<hbm>>) target(%dma_start3A_86 : memref<640x128xf32, #tpu.memory_space<vmem_shared>>) target_semaphore(%run_scoped3A_84 : memref<!tpu.dma_semaphore, #tpu.memory_space<semaphore_mem>>)
      %dma_wait3A_87 = arith.constant 0 : i32
      %dma_wait3A_88 = tpu.memref_slice %arg11[%mul3A_2, %dma_wait3A_87] : memref<10240x128xf32, #tpu.memory_space<vmem_shared>> -> memref<640x128xf32, #tpu.memory_space<vmem_shared>>
      tpu.wait_dma2 semaphore(%run_scoped3A_84 : memref<!tpu.dma_semaphore, #tpu.memory_space<semaphore_mem>>) src(%arg5 : memref<640x128xf32, #tpu.memory_space<hbm>>) dst(%dma_wait3A_88 : memref<640x128xf32, #tpu.memory_space<vmem_shared>>)
      tpu.yield
    }) : () -> ()
    %barrier3A = arith.constant 0 : index
    tpu.barrier barrier_id(%barrier3A)
    %mul3A_3 = arith.constant 80 : i32
    %mul3A_4 = arith.muli %add3A, %mul3A_3 : i32
    %add3A_5 = arith.constant 0 : i32
    %add3A_6 = arith.addi %mul3A_4, %add3A_5 : i32
    "tpu.region"() ({
      %run_scoped3A_84 = tpu.sem_alloc : memref<!tpu.dma_semaphore, #tpu.memory_space<semaphore_mem>>
      %dma_start3A_85 = arith.constant 0 : i32
      %dma_start3A_86 = tpu.memref_slice %arg3[%add3A_6, %dma_start3A_85] : memref<2560x128xi32, #tpu.memory_space<hbm>> -> memref<40x128xi32, #tpu.memory_space<hbm>>
      %dma_start3A_87 = arith.constant 0 : i32
      %dma_start3A_88 = tpu.memref_slice %arg3[%add3A_6, %dma_start3A_87] : memref<2560x128xi32, #tpu.memory_space<hbm>> -> memref<40x128xi32, #tpu.memory_space<hbm>>
      tpu.enqueue_dma source(%dma_start3A_88 : memref<40x128xi32, #tpu.memory_space<hbm>>) target(%arg7 : memref<40x128xi32, #tpu.memory_space<vmem>>) target_semaphore(%run_scoped3A_84 : memref<!tpu.dma_semaphore, #tpu.memory_space<semaphore_mem>>)
      %dma_wait3A_89 = arith.constant 0 : i32
      %dma_wait3A_90 = tpu.memref_slice %arg3[%add3A_6, %dma_wait3A_89] : memref<2560x128xi32, #tpu.memory_space<hbm>> -> memref<40x128xi32, #tpu.memory_space<hbm>>
      %dma_wait3A_91 = arith.constant 0 : i32
      %dma_wait3A_92 = tpu.memref_slice %arg3[%add3A_6, %dma_wait3A_91] : memref<2560x128xi32, #tpu.memory_space<hbm>> -> memref<40x128xi32, #tpu.memory_space<hbm>>
      tpu.wait_dma2 semaphore(%run_scoped3A_84 : memref<!tpu.dma_semaphore, #tpu.memory_space<semaphore_mem>>) src(%dma_wait3A_92 : memref<40x128xi32, #tpu.memory_space<hbm>>) dst(%arg7 : memref<40x128xi32, #tpu.memory_space<vmem>>)
      tpu.yield
    }) : () -> ()
    "tpu.region"() ({
      %run_scoped3A_84 = tpu.sem_alloc : memref<!tpu.dma_semaphore, #tpu.memory_space<semaphore_mem>>
      %dma_start3A_85 = arith.constant 0 : i32
      %dma_start3A_86 = tpu.memref_slice %arg4[%add3A_6, %dma_start3A_85] : memref<2560x128xi32, #tpu.memory_space<hbm>> -> memref<40x128xi32, #tpu.memory_space<hbm>>
      %dma_start3A_87 = arith.constant 0 : i32
      %dma_start3A_88 = tpu.memref_slice %arg4[%add3A_6, %dma_start3A_87] : memref<2560x128xi32, #tpu.memory_space<hbm>> -> memref<40x128xi32, #tpu.memory_space<hbm>>
      tpu.enqueue_dma source(%dma_start3A_88 : memref<40x128xi32, #tpu.memory_space<hbm>>) target(%arg8 : memref<40x128xi32, #tpu.memory_space<vmem>>) target_semaphore(%run_scoped3A_84 : memref<!tpu.dma_semaphore, #tpu.memory_space<semaphore_mem>>)
      %dma_wait3A_89 = arith.constant 0 : i32
      %dma_wait3A_90 = tpu.memref_slice %arg4[%add3A_6, %dma_wait3A_89] : memref<2560x128xi32, #tpu.memory_space<hbm>> -> memref<40x128xi32, #tpu.memory_space<hbm>>
      %dma_wait3A_91 = arith.constant 0 : i32
      %dma_wait3A_92 = tpu.memref_slice %arg4[%add3A_6, %dma_wait3A_91] : memref<2560x128xi32, #tpu.memory_space<hbm>> -> memref<40x128xi32, #tpu.memory_space<hbm>>
      tpu.wait_dma2 semaphore(%run_scoped3A_84 : memref<!tpu.dma_semaphore, #tpu.memory_space<semaphore_mem>>) src(%dma_wait3A_92 : memref<40x128xi32, #tpu.memory_space<hbm>>) dst(%arg8 : memref<40x128xi32, #tpu.memory_space<vmem>>)
      tpu.yield
    }) : () -> ()
    %dma_start3A = arith.constant 0 : i32
    %dma_start3A_7 = arith.constant 0 : i32
    %dma_start3A_8 = tpu.memref_slice %arg7[%dma_start3A, %dma_start3A_7] : memref<40x128xi32, #tpu.memory_space<vmem>> -> memref<1x128xi32, #tpu.memory_space<vmem>>
    %dma_start3A_9 = tpu.memref_squeeze %dma_start3A_8 : memref<1x128xi32, #tpu.memory_space<vmem>> -> memref<128xi32, #tpu.memory_space<vmem>>
    %dma_start3A_10 = arith.constant 0 : i32
    %dma_start3A_11 = arith.constant 0 : i32
    %dma_start3A_12 = tpu.memref_slice %arg2[%dma_start3A_10, %dma_start3A_11] : memref<10240x128xf32, #tpu.memory_space<hbm>> -> memref<10240x128xf32, #tpu.memory_space<hbm>>
    tpu.enqueue_indirect_dma source(%dma_start3A_12 : memref<10240x128xf32, #tpu.memory_space<hbm>>) target(%arg9 : memref<128x128xf32, #tpu.memory_space<vmem>>) offsets(%dma_start3A_9 : memref<128xi32, #tpu.memory_space<vmem>>) semaphore(%arg12 : memref<!tpu.dma_semaphore, #tpu.memory_space<semaphore_mem>>)
    %scan3A = arith.constant 0 : i32
    %scan3A_13 = arith.constant 0 : i32
    %scan3A_14 = arith.constant 19 : i32
    %scan3A_15 = arith.addi %scan3A_13, %scan3A_14 : i32
    %scan3A_16 = arith.constant 1 : i32
    scf.for %scan3A_84 = %scan3A_13 to %scan3A_15 step %scan3A_16  : i32 {
      %mul3A_85 = arith.constant 2 : i32
      %mul3A_86 = arith.muli %mul3A_85, %scan3A_84 : i32
      %add3A_87 = arith.constant 1 : i32
      %add3A_88 = arith.addi %mul3A_86, %add3A_87 : i32
      %dma_start3A_89 = arith.constant 0 : i32
      %dma_start3A_90 = tpu.memref_slice %arg7[%add3A_88, %dma_start3A_89] : memref<40x128xi32, #tpu.memory_space<vmem>> -> memref<1x128xi32, #tpu.memory_space<vmem>>
      %dma_start3A_91 = tpu.memref_squeeze %dma_start3A_90 : memref<1x128xi32, #tpu.memory_space<vmem>> -> memref<128xi32, #tpu.memory_space<vmem>>
      %dma_start3A_92 = arith.constant 0 : i32
      %dma_start3A_93 = arith.constant 0 : i32
      %dma_start3A_94 = tpu.memref_slice %arg2[%dma_start3A_92, %dma_start3A_93] : memref<10240x128xf32, #tpu.memory_space<hbm>> -> memref<10240x128xf32, #tpu.memory_space<hbm>>
      tpu.enqueue_indirect_dma source(%dma_start3A_94 : memref<10240x128xf32, #tpu.memory_space<hbm>>) target(%arg10 : memref<128x128xf32, #tpu.memory_space<vmem>>) offsets(%dma_start3A_91 : memref<128xi32, #tpu.memory_space<vmem>>) semaphore(%arg13 : memref<!tpu.dma_semaphore, #tpu.memory_space<semaphore_mem>>)
      %dma_wait3A_95 = arith.constant 0 : i32
      %dma_wait3A_96 = tpu.memref_slice %arg7[%mul3A_86, %dma_wait3A_95] : memref<40x128xi32, #tpu.memory_space<vmem>> -> memref<1x128xi32, #tpu.memory_space<vmem>>
      %dma_wait3A_97 = tpu.memref_squeeze %dma_wait3A_96 : memref<1x128xi32, #tpu.memory_space<vmem>> -> memref<128xi32, #tpu.memory_space<vmem>>
      %dma_wait3A_98 = arith.constant 0 : i32
      %dma_wait3A_99 = arith.constant 0 : i32
      %dma_wait3A_100 = tpu.memref_slice %arg2[%dma_wait3A_98, %dma_wait3A_99] : memref<10240x128xf32, #tpu.memory_space<hbm>> -> memref<10240x128xf32, #tpu.memory_space<hbm>>
      tpu.wait_indirect_dma semaphore(%arg12 : memref<!tpu.dma_semaphore, #tpu.memory_space<semaphore_mem>>) src(%dma_wait3A_100 : memref<10240x128xf32, #tpu.memory_space<hbm>>) dst(%arg9 : memref<128x128xf32, #tpu.memory_space<vmem>>)
      "tpu.region"() ({
        %run_scoped3A_119 = tpu.sem_alloc : memref<!tpu.dma_semaphore, #tpu.memory_space<semaphore_mem>>
        %dma_start3A_120 = arith.constant 0 : i32
        %dma_start3A_121 = tpu.memref_slice %arg8[%mul3A_86, %dma_start3A_120] : memref<40x128xi32, #tpu.memory_space<vmem>> -> memref<1x128xi32, #tpu.memory_space<vmem>>
        %dma_start3A_122 = tpu.memref_squeeze %dma_start3A_121 : memref<1x128xi32, #tpu.memory_space<vmem>> -> memref<128xi32, #tpu.memory_space<vmem>>
        %dma_start3A_123 = arith.constant 0 : i32
        %dma_start3A_124 = arith.constant 0 : i32
        %dma_start3A_125 = tpu.memref_slice %arg11[%dma_start3A_123, %dma_start3A_124] : memref<10240x128xf32, #tpu.memory_space<vmem_shared>> -> memref<10240x128xf32, #tpu.memory_space<vmem_shared>>
        tpu.enqueue_indirect_dma source(%arg9 : memref<128x128xf32, #tpu.memory_space<vmem>>) target(%dma_start3A_125 : memref<10240x128xf32, #tpu.memory_space<vmem_shared>>) offsets(%dma_start3A_122 : memref<128xi32, #tpu.memory_space<vmem>>) semaphore(%run_scoped3A_119 : memref<!tpu.dma_semaphore, #tpu.memory_space<semaphore_mem>>) {add = true}
        %dma_wait3A_126 = arith.constant 0 : i32
        %dma_wait3A_127 = tpu.memref_slice %arg8[%mul3A_86, %dma_wait3A_126] : memref<40x128xi32, #tpu.memory_space<vmem>> -> memref<1x128xi32, #tpu.memory_space<vmem>>
        %dma_wait3A_128 = tpu.memref_squeeze %dma_wait3A_127 : memref<1x128xi32, #tpu.memory_space<vmem>> -> memref<128xi32, #tpu.memory_space<vmem>>
        %dma_wait3A_129 = arith.constant 0 : i32
        %dma_wait3A_130 = arith.constant 0 : i32
        %dma_wait3A_131 = tpu.memref_slice %arg11[%dma_wait3A_129, %dma_wait3A_130] : memref<10240x128xf32, #tpu.memory_space<vmem_shared>> -> memref<10240x128xf32, #tpu.memory_space<vmem_shared>>
        tpu.wait_indirect_dma semaphore(%run_scoped3A_119 : memref<!tpu.dma_semaphore, #tpu.memory_space<semaphore_mem>>) src(%arg9 : memref<128x128xf32, #tpu.memory_space<vmem>>) dst(%dma_wait3A_131 : memref<10240x128xf32, #tpu.memory_space<vmem_shared>>)
        tpu.yield
      }) : () -> ()
      %add3A_101 = arith.constant 2 : i32
      %add3A_102 = arith.addi %mul3A_86, %add3A_101 : i32
      %dma_start3A_103 = arith.constant 0 : i32
      %dma_start3A_104 = tpu.memref_slice %arg7[%add3A_102, %dma_start3A_103] : memref<40x128xi32, #tpu.memory_space<vmem>> -> memref<1x128xi32, #tpu.memory_space<vmem>>
      %dma_start3A_105 = tpu.memref_squeeze %dma_start3A_104 : memref<1x128xi32, #tpu.memory_space<vmem>> -> memref<128xi32, #tpu.memory_space<vmem>>
      %dma_start3A_106 = arith.constant 0 : i32
      %dma_start3A_107 = arith.constant 0 : i32
      %dma_start3A_108 = tpu.memref_slice %arg2[%dma_start3A_106, %dma_start3A_107] : memref<10240x128xf32, #tpu.memory_space<hbm>> -> memref<10240x128xf32, #tpu.memory_space<hbm>>
      tpu.enqueue_indirect_dma source(%dma_start3A_108 : memref<10240x128xf32, #tpu.memory_space<hbm>>) target(%arg9 : memref<128x128xf32, #tpu.memory_space<vmem>>) offsets(%dma_start3A_105 : memref<128xi32, #tpu.memory_space<vmem>>) semaphore(%arg12 : memref<!tpu.dma_semaphore, #tpu.memory_space<semaphore_mem>>)
      %add3A_109 = arith.constant 1 : i32
      %add3A_110 = arith.addi %mul3A_86, %add3A_109 : i32
      %dma_wait3A_111 = arith.constant 0 : i32
      %dma_wait3A_112 = tpu.memref_slice %arg7[%add3A_110, %dma_wait3A_111] : memref<40x128xi32, #tpu.memory_space<vmem>> -> memref<1x128xi32, #tpu.memory_space<vmem>>
      %dma_wait3A_113 = tpu.memref_squeeze %dma_wait3A_112 : memref<1x128xi32, #tpu.memory_space<vmem>> -> memref<128xi32, #tpu.memory_space<vmem>>
      %dma_wait3A_114 = arith.constant 0 : i32
      %dma_wait3A_115 = arith.constant 0 : i32
      %dma_wait3A_116 = tpu.memref_slice %arg2[%dma_wait3A_114, %dma_wait3A_115] : memref<10240x128xf32, #tpu.memory_space<hbm>> -> memref<10240x128xf32, #tpu.memory_space<hbm>>
      tpu.wait_indirect_dma semaphore(%arg13 : memref<!tpu.dma_semaphore, #tpu.memory_space<semaphore_mem>>) src(%dma_wait3A_116 : memref<10240x128xf32, #tpu.memory_space<hbm>>) dst(%arg10 : memref<128x128xf32, #tpu.memory_space<vmem>>)
      %add3A_117 = arith.constant 1 : i32
      %add3A_118 = arith.addi %mul3A_86, %add3A_117 : i32
      "tpu.region"() ({
        %run_scoped3A_119 = tpu.sem_alloc : memref<!tpu.dma_semaphore, #tpu.memory_space<semaphore_mem>>
        %dma_start3A_120 = arith.constant 0 : i32
        %dma_start3A_121 = tpu.memref_slice %arg8[%add3A_118, %dma_start3A_120] : memref<40x128xi32, #tpu.memory_space<vmem>> -> memref<1x128xi32, #tpu.memory_space<vmem>>
        %dma_start3A_122 = tpu.memref_squeeze %dma_start3A_121 : memref<1x128xi32, #tpu.memory_space<vmem>> -> memref<128xi32, #tpu.memory_space<vmem>>
        %dma_start3A_123 = arith.constant 0 : i32
        %dma_start3A_124 = arith.constant 0 : i32
        %dma_start3A_125 = tpu.memref_slice %arg11[%dma_start3A_123, %dma_start3A_124] : memref<10240x128xf32, #tpu.memory_space<vmem_shared>> -> memref<10240x128xf32, #tpu.memory_space<vmem_shared>>
        tpu.enqueue_indirect_dma source(%arg10 : memref<128x128xf32, #tpu.memory_space<vmem>>) target(%dma_start3A_125 : memref<10240x128xf32, #tpu.memory_space<vmem_shared>>) offsets(%dma_start3A_122 : memref<128xi32, #tpu.memory_space<vmem>>) semaphore(%run_scoped3A_119 : memref<!tpu.dma_semaphore, #tpu.memory_space<semaphore_mem>>) {add = true}
        %dma_wait3A_126 = arith.constant 0 : i32
        %dma_wait3A_127 = tpu.memref_slice %arg8[%add3A_118, %dma_wait3A_126] : memref<40x128xi32, #tpu.memory_space<vmem>> -> memref<1x128xi32, #tpu.memory_space<vmem>>
        %dma_wait3A_128 = tpu.memref_squeeze %dma_wait3A_127 : memref<1x128xi32, #tpu.memory_space<vmem>> -> memref<128xi32, #tpu.memory_space<vmem>>
        %dma_wait3A_129 = arith.constant 0 : i32
        %dma_wait3A_130 = arith.constant 0 : i32
        %dma_wait3A_131 = tpu.memref_slice %arg11[%dma_wait3A_129, %dma_wait3A_130] : memref<10240x128xf32, #tpu.memory_space<vmem_shared>> -> memref<10240x128xf32, #tpu.memory_space<vmem_shared>>
        tpu.wait_indirect_dma semaphore(%run_scoped3A_119 : memref<!tpu.dma_semaphore, #tpu.memory_space<semaphore_mem>>) src(%arg10 : memref<128x128xf32, #tpu.memory_space<vmem>>) dst(%dma_wait3A_131 : memref<10240x128xf32, #tpu.memory_space<vmem_shared>>)
        tpu.yield
      }) : () -> ()
    }
    %scan3A_17 = arith.constant 19 : i32
    %dma_start3A_18 = arith.constant 39 : i32
    %dma_start3A_19 = arith.constant 0 : i32
    %dma_start3A_20 = tpu.memref_slice %arg7[%dma_start3A_18, %dma_start3A_19] : memref<40x128xi32, #tpu.memory_space<vmem>> -> memref<1x128xi32, #tpu.memory_space<vmem>>
    %dma_start3A_21 = tpu.memref_squeeze %dma_start3A_20 : memref<1x128xi32, #tpu.memory_space<vmem>> -> memref<128xi32, #tpu.memory_space<vmem>>
    %dma_start3A_22 = arith.constant 0 : i32
    %dma_start3A_23 = arith.constant 0 : i32
    %dma_start3A_24 = tpu.memref_slice %arg2[%dma_start3A_22, %dma_start3A_23] : memref<10240x128xf32, #tpu.memory_space<hbm>> -> memref<10240x128xf32, #tpu.memory_space<hbm>>
    tpu.enqueue_indirect_dma source(%dma_start3A_24 : memref<10240x128xf32, #tpu.memory_space<hbm>>) target(%arg10 : memref<128x128xf32, #tpu.memory_space<vmem>>) offsets(%dma_start3A_21 : memref<128xi32, #tpu.memory_space<vmem>>) semaphore(%arg13 : memref<!tpu.dma_semaphore, #tpu.memory_space<semaphore_mem>>)
    %dma_wait3A = arith.constant 38 : i32
    %dma_wait3A_25 = arith.constant 0 : i32
    %dma_wait3A_26 = tpu.memref_slice %arg7[%dma_wait3A, %dma_wait3A_25] : memref<40x128xi32, #tpu.memory_space<vmem>> -> memref<1x128xi32, #tpu.memory_space<vmem>>
    %dma_wait3A_27 = tpu.memref_squeeze %dma_wait3A_26 : memref<1x128xi32, #tpu.memory_space<vmem>> -> memref<128xi32, #tpu.memory_space<vmem>>
    %dma_wait3A_28 = arith.constant 0 : i32
    %dma_wait3A_29 = arith.constant 0 : i32
    %dma_wait3A_30 = tpu.memref_slice %arg2[%dma_wait3A_28, %dma_wait3A_29] : memref<10240x128xf32, #tpu.memory_space<hbm>> -> memref<10240x128xf32, #tpu.memory_space<hbm>>
    tpu.wait_indirect_dma semaphore(%arg12 : memref<!tpu.dma_semaphore, #tpu.memory_space<semaphore_mem>>) src(%dma_wait3A_30 : memref<10240x128xf32, #tpu.memory_space<hbm>>) dst(%arg9 : memref<128x128xf32, #tpu.memory_space<vmem>>)
    %run_scoped3A = arith.constant 38 : i32
    "tpu.region"() ({
      %run_scoped3A_84 = tpu.sem_alloc : memref<!tpu.dma_semaphore, #tpu.memory_space<semaphore_mem>>
      %dma_start3A_85 = arith.constant 0 : i32
      %dma_start3A_86 = tpu.memref_slice %arg8[%run_scoped3A, %dma_start3A_85] : memref<40x128xi32, #tpu.memory_space<vmem>> -> memref<1x128xi32, #tpu.memory_space<vmem>>
      %dma_start3A_87 = tpu.memref_squeeze %dma_start3A_86 : memref<1x128xi32, #tpu.memory_space<vmem>> -> memref<128xi32, #tpu.memory_space<vmem>>
      %dma_start3A_88 = arith.constant 0 : i32
      %dma_start3A_89 = arith.constant 0 : i32
      %dma_start3A_90 = tpu.memref_slice %arg11[%dma_start3A_88, %dma_start3A_89] : memref<10240x128xf32, #tpu.memory_space<vmem_shared>> -> memref<10240x128xf32, #tpu.memory_space<vmem_shared>>
      tpu.enqueue_indirect_dma source(%arg9 : memref<128x128xf32, #tpu.memory_space<vmem>>) target(%dma_start3A_90 : memref<10240x128xf32, #tpu.memory_space<vmem_shared>>) offsets(%dma_start3A_87 : memref<128xi32, #tpu.memory_space<vmem>>) semaphore(%run_scoped3A_84 : memref<!tpu.dma_semaphore, #tpu.memory_space<semaphore_mem>>) {add = true}
      %dma_wait3A_91 = arith.constant 0 : i32
      %dma_wait3A_92 = tpu.memref_slice %arg8[%run_scoped3A, %dma_wait3A_91] : memref<40x128xi32, #tpu.memory_space<vmem>> -> memref<1x128xi32, #tpu.memory_space<vmem>>
      %dma_wait3A_93 = tpu.memref_squeeze %dma_wait3A_92 : memref<1x128xi32, #tpu.memory_space<vmem>> -> memref<128xi32, #tpu.memory_space<vmem>>
      %dma_wait3A_94 = arith.constant 0 : i32
      %dma_wait3A_95 = arith.constant 0 : i32
      %dma_wait3A_96 = tpu.memref_slice %arg11[%dma_wait3A_94, %dma_wait3A_95] : memref<10240x128xf32, #tpu.memory_space<vmem_shared>> -> memref<10240x128xf32, #tpu.memory_space<vmem_shared>>
      tpu.wait_indirect_dma semaphore(%run_scoped3A_84 : memref<!tpu.dma_semaphore, #tpu.memory_space<semaphore_mem>>) src(%arg9 : memref<128x128xf32, #tpu.memory_space<vmem>>) dst(%dma_wait3A_96 : memref<10240x128xf32, #tpu.memory_space<vmem_shared>>)
      tpu.yield
    }) : () -> ()
    %dma_wait3A_31 = arith.constant 39 : i32
    %dma_wait3A_32 = arith.constant 0 : i32
    %dma_wait3A_33 = tpu.memref_slice %arg7[%dma_wait3A_31, %dma_wait3A_32] : memref<40x128xi32, #tpu.memory_space<vmem>> -> memref<1x128xi32, #tpu.memory_space<vmem>>
    %dma_wait3A_34 = tpu.memref_squeeze %dma_wait3A_33 : memref<1x128xi32, #tpu.memory_space<vmem>> -> memref<128xi32, #tpu.memory_space<vmem>>
    %dma_wait3A_35 = arith.constant 0 : i32
    %dma_wait3A_36 = arith.constant 0 : i32
    %dma_wait3A_37 = tpu.memref_slice %arg2[%dma_wait3A_35, %dma_wait3A_36] : memref<10240x128xf32, #tpu.memory_space<hbm>> -> memref<10240x128xf32, #tpu.memory_space<hbm>>
    tpu.wait_indirect_dma semaphore(%arg13 : memref<!tpu.dma_semaphore, #tpu.memory_space<semaphore_mem>>) src(%dma_wait3A_37 : memref<10240x128xf32, #tpu.memory_space<hbm>>) dst(%arg10 : memref<128x128xf32, #tpu.memory_space<vmem>>)
    %run_scoped3A_38 = arith.constant 39 : i32
    "tpu.region"() ({
      %run_scoped3A_84 = tpu.sem_alloc : memref<!tpu.dma_semaphore, #tpu.memory_space<semaphore_mem>>
      %dma_start3A_85 = arith.constant 0 : i32
      %dma_start3A_86 = tpu.memref_slice %arg8[%run_scoped3A_38, %dma_start3A_85] : memref<40x128xi32, #tpu.memory_space<vmem>> -> memref<1x128xi32, #tpu.memory_space<vmem>>
      %dma_start3A_87 = tpu.memref_squeeze %dma_start3A_86 : memref<1x128xi32, #tpu.memory_space<vmem>> -> memref<128xi32, #tpu.memory_space<vmem>>
      %dma_start3A_88 = arith.constant 0 : i32
      %dma_start3A_89 = arith.constant 0 : i32
      %dma_start3A_90 = tpu.memref_slice %arg11[%dma_start3A_88, %dma_start3A_89] : memref<10240x128xf32, #tpu.memory_space<vmem_shared>> -> memref<10240x128xf32, #tpu.memory_space<vmem_shared>>
      tpu.enqueue_indirect_dma source(%arg10 : memref<128x128xf32, #tpu.memory_space<vmem>>) target(%dma_start3A_90 : memref<10240x128xf32, #tpu.memory_space<vmem_shared>>) offsets(%dma_start3A_87 : memref<128xi32, #tpu.memory_space<vmem>>) semaphore(%run_scoped3A_84 : memref<!tpu.dma_semaphore, #tpu.memory_space<semaphore_mem>>) {add = true}
      %dma_wait3A_91 = arith.constant 0 : i32
      %dma_wait3A_92 = tpu.memref_slice %arg8[%run_scoped3A_38, %dma_wait3A_91] : memref<40x128xi32, #tpu.memory_space<vmem>> -> memref<1x128xi32, #tpu.memory_space<vmem>>
      %dma_wait3A_93 = tpu.memref_squeeze %dma_wait3A_92 : memref<1x128xi32, #tpu.memory_space<vmem>> -> memref<128xi32, #tpu.memory_space<vmem>>
      %dma_wait3A_94 = arith.constant 0 : i32
      %dma_wait3A_95 = arith.constant 0 : i32
      %dma_wait3A_96 = tpu.memref_slice %arg11[%dma_wait3A_94, %dma_wait3A_95] : memref<10240x128xf32, #tpu.memory_space<vmem_shared>> -> memref<10240x128xf32, #tpu.memory_space<vmem_shared>>
      tpu.wait_indirect_dma semaphore(%run_scoped3A_84 : memref<!tpu.dma_semaphore, #tpu.memory_space<semaphore_mem>>) src(%arg10 : memref<128x128xf32, #tpu.memory_space<vmem>>) dst(%dma_wait3A_96 : memref<10240x128xf32, #tpu.memory_space<vmem_shared>>)
      tpu.yield
    }) : () -> ()
    %mul3A_39 = arith.constant 80 : i32
    %mul3A_40 = arith.muli %add3A, %mul3A_39 : i32
    %add3A_41 = arith.constant 40 : i32
    %add3A_42 = arith.addi %mul3A_40, %add3A_41 : i32
    "tpu.region"() ({
      %run_scoped3A_84 = tpu.sem_alloc : memref<!tpu.dma_semaphore, #tpu.memory_space<semaphore_mem>>
      %dma_start3A_85 = arith.constant 0 : i32
      %dma_start3A_86 = tpu.memref_slice %arg3[%add3A_42, %dma_start3A_85] : memref<2560x128xi32, #tpu.memory_space<hbm>> -> memref<40x128xi32, #tpu.memory_space<hbm>>
      %dma_start3A_87 = arith.constant 0 : i32
      %dma_start3A_88 = tpu.memref_slice %arg3[%add3A_42, %dma_start3A_87] : memref<2560x128xi32, #tpu.memory_space<hbm>> -> memref<40x128xi32, #tpu.memory_space<hbm>>
      tpu.enqueue_dma source(%dma_start3A_88 : memref<40x128xi32, #tpu.memory_space<hbm>>) target(%arg7 : memref<40x128xi32, #tpu.memory_space<vmem>>) target_semaphore(%run_scoped3A_84 : memref<!tpu.dma_semaphore, #tpu.memory_space<semaphore_mem>>)
      %dma_wait3A_89 = arith.constant 0 : i32
      %dma_wait3A_90 = tpu.memref_slice %arg3[%add3A_42, %dma_wait3A_89] : memref<2560x128xi32, #tpu.memory_space<hbm>> -> memref<40x128xi32, #tpu.memory_space<hbm>>
      %dma_wait3A_91 = arith.constant 0 : i32
      %dma_wait3A_92 = tpu.memref_slice %arg3[%add3A_42, %dma_wait3A_91] : memref<2560x128xi32, #tpu.memory_space<hbm>> -> memref<40x128xi32, #tpu.memory_space<hbm>>
      tpu.wait_dma2 semaphore(%run_scoped3A_84 : memref<!tpu.dma_semaphore, #tpu.memory_space<semaphore_mem>>) src(%dma_wait3A_92 : memref<40x128xi32, #tpu.memory_space<hbm>>) dst(%arg7 : memref<40x128xi32, #tpu.memory_space<vmem>>)
      tpu.yield
    }) : () -> ()
    "tpu.region"() ({
      %run_scoped3A_84 = tpu.sem_alloc : memref<!tpu.dma_semaphore, #tpu.memory_space<semaphore_mem>>
      %dma_start3A_85 = arith.constant 0 : i32
      %dma_start3A_86 = tpu.memref_slice %arg4[%add3A_42, %dma_start3A_85] : memref<2560x128xi32, #tpu.memory_space<hbm>> -> memref<40x128xi32, #tpu.memory_space<hbm>>
      %dma_start3A_87 = arith.constant 0 : i32
      %dma_start3A_88 = tpu.memref_slice %arg4[%add3A_42, %dma_start3A_87] : memref<2560x128xi32, #tpu.memory_space<hbm>> -> memref<40x128xi32, #tpu.memory_space<hbm>>
      tpu.enqueue_dma source(%dma_start3A_88 : memref<40x128xi32, #tpu.memory_space<hbm>>) target(%arg8 : memref<40x128xi32, #tpu.memory_space<vmem>>) target_semaphore(%run_scoped3A_84 : memref<!tpu.dma_semaphore, #tpu.memory_space<semaphore_mem>>)
      %dma_wait3A_89 = arith.constant 0 : i32
      %dma_wait3A_90 = tpu.memref_slice %arg4[%add3A_42, %dma_wait3A_89] : memref<2560x128xi32, #tpu.memory_space<hbm>> -> memref<40x128xi32, #tpu.memory_space<hbm>>
      %dma_wait3A_91 = arith.constant 0 : i32
      %dma_wait3A_92 = tpu.memref_slice %arg4[%add3A_42, %dma_wait3A_91] : memref<2560x128xi32, #tpu.memory_space<hbm>> -> memref<40x128xi32, #tpu.memory_space<hbm>>
      tpu.wait_dma2 semaphore(%run_scoped3A_84 : memref<!tpu.dma_semaphore, #tpu.memory_space<semaphore_mem>>) src(%dma_wait3A_92 : memref<40x128xi32, #tpu.memory_space<hbm>>) dst(%arg8 : memref<40x128xi32, #tpu.memory_space<vmem>>)
      tpu.yield
    }) : () -> ()
    %dma_start3A_43 = arith.constant 0 : i32
    %dma_start3A_44 = arith.constant 0 : i32
    %dma_start3A_45 = tpu.memref_slice %arg7[%dma_start3A_43, %dma_start3A_44] : memref<40x128xi32, #tpu.memory_space<vmem>> -> memref<1x128xi32, #tpu.memory_space<vmem>>
    %dma_start3A_46 = tpu.memref_squeeze %dma_start3A_45 : memref<1x128xi32, #tpu.memory_space<vmem>> -> memref<128xi32, #tpu.memory_space<vmem>>
    %dma_start3A_47 = arith.constant 0 : i32
    %dma_start3A_48 = arith.constant 0 : i32
    %dma_start3A_49 = tpu.memref_slice %arg2[%dma_start3A_47, %dma_start3A_48] : memref<10240x128xf32, #tpu.memory_space<hbm>> -> memref<10240x128xf32, #tpu.memory_space<hbm>>
    tpu.enqueue_indirect_dma source(%dma_start3A_49 : memref<10240x128xf32, #tpu.memory_space<hbm>>) target(%arg9 : memref<128x128xf32, #tpu.memory_space<vmem>>) offsets(%dma_start3A_46 : memref<128xi32, #tpu.memory_space<vmem>>) semaphore(%arg12 : memref<!tpu.dma_semaphore, #tpu.memory_space<semaphore_mem>>)
    %scan3A_50 = arith.constant 0 : i32
    %scan3A_51 = arith.constant 0 : i32
    %scan3A_52 = arith.constant 19 : i32
    %scan3A_53 = arith.addi %scan3A_51, %scan3A_52 : i32
    %scan3A_54 = arith.constant 1 : i32
    scf.for %scan3A_84 = %scan3A_51 to %scan3A_53 step %scan3A_54  : i32 {
      %mul3A_85 = arith.constant 2 : i32
      %mul3A_86 = arith.muli %mul3A_85, %scan3A_84 : i32
      %add3A_87 = arith.constant 1 : i32
      %add3A_88 = arith.addi %mul3A_86, %add3A_87 : i32
      %dma_start3A_89 = arith.constant 0 : i32
      %dma_start3A_90 = tpu.memref_slice %arg7[%add3A_88, %dma_start3A_89] : memref<40x128xi32, #tpu.memory_space<vmem>> -> memref<1x128xi32, #tpu.memory_space<vmem>>
      %dma_start3A_91 = tpu.memref_squeeze %dma_start3A_90 : memref<1x128xi32, #tpu.memory_space<vmem>> -> memref<128xi32, #tpu.memory_space<vmem>>
      %dma_start3A_92 = arith.constant 0 : i32
      %dma_start3A_93 = arith.constant 0 : i32
      %dma_start3A_94 = tpu.memref_slice %arg2[%dma_start3A_92, %dma_start3A_93] : memref<10240x128xf32, #tpu.memory_space<hbm>> -> memref<10240x128xf32, #tpu.memory_space<hbm>>
      tpu.enqueue_indirect_dma source(%dma_start3A_94 : memref<10240x128xf32, #tpu.memory_space<hbm>>) target(%arg10 : memref<128x128xf32, #tpu.memory_space<vmem>>) offsets(%dma_start3A_91 : memref<128xi32, #tpu.memory_space<vmem>>) semaphore(%arg13 : memref<!tpu.dma_semaphore, #tpu.memory_space<semaphore_mem>>)
      %dma_wait3A_95 = arith.constant 0 : i32
      %dma_wait3A_96 = tpu.memref_slice %arg7[%mul3A_86, %dma_wait3A_95] : memref<40x128xi32, #tpu.memory_space<vmem>> -> memref<1x128xi32, #tpu.memory_space<vmem>>
      %dma_wait3A_97 = tpu.memref_squeeze %dma_wait3A_96 : memref<1x128xi32, #tpu.memory_space<vmem>> -> memref<128xi32, #tpu.memory_space<vmem>>
      %dma_wait3A_98 = arith.constant 0 : i32
      %dma_wait3A_99 = arith.constant 0 : i32
      %dma_wait3A_100 = tpu.memref_slice %arg2[%dma_wait3A_98, %dma_wait3A_99] : memref<10240x128xf32, #tpu.memory_space<hbm>> -> memref<10240x128xf32, #tpu.memory_space<hbm>>
      tpu.wait_indirect_dma semaphore(%arg12 : memref<!tpu.dma_semaphore, #tpu.memory_space<semaphore_mem>>) src(%dma_wait3A_100 : memref<10240x128xf32, #tpu.memory_space<hbm>>) dst(%arg9 : memref<128x128xf32, #tpu.memory_space<vmem>>)
      "tpu.region"() ({
        %run_scoped3A_119 = tpu.sem_alloc : memref<!tpu.dma_semaphore, #tpu.memory_space<semaphore_mem>>
        %dma_start3A_120 = arith.constant 0 : i32
        %dma_start3A_121 = tpu.memref_slice %arg8[%mul3A_86, %dma_start3A_120] : memref<40x128xi32, #tpu.memory_space<vmem>> -> memref<1x128xi32, #tpu.memory_space<vmem>>
        %dma_start3A_122 = tpu.memref_squeeze %dma_start3A_121 : memref<1x128xi32, #tpu.memory_space<vmem>> -> memref<128xi32, #tpu.memory_space<vmem>>
        %dma_start3A_123 = arith.constant 0 : i32
        %dma_start3A_124 = arith.constant 0 : i32
        %dma_start3A_125 = tpu.memref_slice %arg11[%dma_start3A_123, %dma_start3A_124] : memref<10240x128xf32, #tpu.memory_space<vmem_shared>> -> memref<10240x128xf32, #tpu.memory_space<vmem_shared>>
        tpu.enqueue_indirect_dma source(%arg9 : memref<128x128xf32, #tpu.memory_space<vmem>>) target(%dma_start3A_125 : memref<10240x128xf32, #tpu.memory_space<vmem_shared>>) offsets(%dma_start3A_122 : memref<128xi32, #tpu.memory_space<vmem>>) semaphore(%run_scoped3A_119 : memref<!tpu.dma_semaphore, #tpu.memory_space<semaphore_mem>>) {add = true}
        %dma_wait3A_126 = arith.constant 0 : i32
        %dma_wait3A_127 = tpu.memref_slice %arg8[%mul3A_86, %dma_wait3A_126] : memref<40x128xi32, #tpu.memory_space<vmem>> -> memref<1x128xi32, #tpu.memory_space<vmem>>
        %dma_wait3A_128 = tpu.memref_squeeze %dma_wait3A_127 : memref<1x128xi32, #tpu.memory_space<vmem>> -> memref<128xi32, #tpu.memory_space<vmem>>
        %dma_wait3A_129 = arith.constant 0 : i32
        %dma_wait3A_130 = arith.constant 0 : i32
        %dma_wait3A_131 = tpu.memref_slice %arg11[%dma_wait3A_129, %dma_wait3A_130] : memref<10240x128xf32, #tpu.memory_space<vmem_shared>> -> memref<10240x128xf32, #tpu.memory_space<vmem_shared>>
        tpu.wait_indirect_dma semaphore(%run_scoped3A_119 : memref<!tpu.dma_semaphore, #tpu.memory_space<semaphore_mem>>) src(%arg9 : memref<128x128xf32, #tpu.memory_space<vmem>>) dst(%dma_wait3A_131 : memref<10240x128xf32, #tpu.memory_space<vmem_shared>>)
        tpu.yield
      }) : () -> ()
      %add3A_101 = arith.constant 2 : i32
      %add3A_102 = arith.addi %mul3A_86, %add3A_101 : i32
      %dma_start3A_103 = arith.constant 0 : i32
      %dma_start3A_104 = tpu.memref_slice %arg7[%add3A_102, %dma_start3A_103] : memref<40x128xi32, #tpu.memory_space<vmem>> -> memref<1x128xi32, #tpu.memory_space<vmem>>
      %dma_start3A_105 = tpu.memref_squeeze %dma_start3A_104 : memref<1x128xi32, #tpu.memory_space<vmem>> -> memref<128xi32, #tpu.memory_space<vmem>>
      %dma_start3A_106 = arith.constant 0 : i32
      %dma_start3A_107 = arith.constant 0 : i32
      %dma_start3A_108 = tpu.memref_slice %arg2[%dma_start3A_106, %dma_start3A_107] : memref<10240x128xf32, #tpu.memory_space<hbm>> -> memref<10240x128xf32, #tpu.memory_space<hbm>>
      tpu.enqueue_indirect_dma source(%dma_start3A_108 : memref<10240x128xf32, #tpu.memory_space<hbm>>) target(%arg9 : memref<128x128xf32, #tpu.memory_space<vmem>>) offsets(%dma_start3A_105 : memref<128xi32, #tpu.memory_space<vmem>>) semaphore(%arg12 : memref<!tpu.dma_semaphore, #tpu.memory_space<semaphore_mem>>)
      %add3A_109 = arith.constant 1 : i32
      %add3A_110 = arith.addi %mul3A_86, %add3A_109 : i32
      %dma_wait3A_111 = arith.constant 0 : i32
      %dma_wait3A_112 = tpu.memref_slice %arg7[%add3A_110, %dma_wait3A_111] : memref<40x128xi32, #tpu.memory_space<vmem>> -> memref<1x128xi32, #tpu.memory_space<vmem>>
      %dma_wait3A_113 = tpu.memref_squeeze %dma_wait3A_112 : memref<1x128xi32, #tpu.memory_space<vmem>> -> memref<128xi32, #tpu.memory_space<vmem>>
      %dma_wait3A_114 = arith.constant 0 : i32
      %dma_wait3A_115 = arith.constant 0 : i32
      %dma_wait3A_116 = tpu.memref_slice %arg2[%dma_wait3A_114, %dma_wait3A_115] : memref<10240x128xf32, #tpu.memory_space<hbm>> -> memref<10240x128xf32, #tpu.memory_space<hbm>>
      tpu.wait_indirect_dma semaphore(%arg13 : memref<!tpu.dma_semaphore, #tpu.memory_space<semaphore_mem>>) src(%dma_wait3A_116 : memref<10240x128xf32, #tpu.memory_space<hbm>>) dst(%arg10 : memref<128x128xf32, #tpu.memory_space<vmem>>)
      %add3A_117 = arith.constant 1 : i32
      %add3A_118 = arith.addi %mul3A_86, %add3A_117 : i32
      "tpu.region"() ({
        %run_scoped3A_119 = tpu.sem_alloc : memref<!tpu.dma_semaphore, #tpu.memory_space<semaphore_mem>>
        %dma_start3A_120 = arith.constant 0 : i32
        %dma_start3A_121 = tpu.memref_slice %arg8[%add3A_118, %dma_start3A_120] : memref<40x128xi32, #tpu.memory_space<vmem>> -> memref<1x128xi32, #tpu.memory_space<vmem>>
        %dma_start3A_122 = tpu.memref_squeeze %dma_start3A_121 : memref<1x128xi32, #tpu.memory_space<vmem>> -> memref<128xi32, #tpu.memory_space<vmem>>
        %dma_start3A_123 = arith.constant 0 : i32
        %dma_start3A_124 = arith.constant 0 : i32
        %dma_start3A_125 = tpu.memref_slice %arg11[%dma_start3A_123, %dma_start3A_124] : memref<10240x128xf32, #tpu.memory_space<vmem_shared>> -> memref<10240x128xf32, #tpu.memory_space<vmem_shared>>
        tpu.enqueue_indirect_dma source(%arg10 : memref<128x128xf32, #tpu.memory_space<vmem>>) target(%dma_start3A_125 : memref<10240x128xf32, #tpu.memory_space<vmem_shared>>) offsets(%dma_start3A_122 : memref<128xi32, #tpu.memory_space<vmem>>) semaphore(%run_scoped3A_119 : memref<!tpu.dma_semaphore, #tpu.memory_space<semaphore_mem>>) {add = true}
        %dma_wait3A_126 = arith.constant 0 : i32
        %dma_wait3A_127 = tpu.memref_slice %arg8[%add3A_118, %dma_wait3A_126] : memref<40x128xi32, #tpu.memory_space<vmem>> -> memref<1x128xi32, #tpu.memory_space<vmem>>
        %dma_wait3A_128 = tpu.memref_squeeze %dma_wait3A_127 : memref<1x128xi32, #tpu.memory_space<vmem>> -> memref<128xi32, #tpu.memory_space<vmem>>
        %dma_wait3A_129 = arith.constant 0 : i32
        %dma_wait3A_130 = arith.constant 0 : i32
        %dma_wait3A_131 = tpu.memref_slice %arg11[%dma_wait3A_129, %dma_wait3A_130] : memref<10240x128xf32, #tpu.memory_space<vmem_shared>> -> memref<10240x128xf32, #tpu.memory_space<vmem_shared>>
        tpu.wait_indirect_dma semaphore(%run_scoped3A_119 : memref<!tpu.dma_semaphore, #tpu.memory_space<semaphore_mem>>) src(%arg10 : memref<128x128xf32, #tpu.memory_space<vmem>>) dst(%dma_wait3A_131 : memref<10240x128xf32, #tpu.memory_space<vmem_shared>>)
        tpu.yield
      }) : () -> ()
    }
    %scan3A_55 = arith.constant 19 : i32
    %dma_start3A_56 = arith.constant 39 : i32
    %dma_start3A_57 = arith.constant 0 : i32
    %dma_start3A_58 = tpu.memref_slice %arg7[%dma_start3A_56, %dma_start3A_57] : memref<40x128xi32, #tpu.memory_space<vmem>> -> memref<1x128xi32, #tpu.memory_space<vmem>>
    %dma_start3A_59 = tpu.memref_squeeze %dma_start3A_58 : memref<1x128xi32, #tpu.memory_space<vmem>> -> memref<128xi32, #tpu.memory_space<vmem>>
    %dma_start3A_60 = arith.constant 0 : i32
    %dma_start3A_61 = arith.constant 0 : i32
    %dma_start3A_62 = tpu.memref_slice %arg2[%dma_start3A_60, %dma_start3A_61] : memref<10240x128xf32, #tpu.memory_space<hbm>> -> memref<10240x128xf32, #tpu.memory_space<hbm>>
    tpu.enqueue_indirect_dma source(%dma_start3A_62 : memref<10240x128xf32, #tpu.memory_space<hbm>>) target(%arg10 : memref<128x128xf32, #tpu.memory_space<vmem>>) offsets(%dma_start3A_59 : memref<128xi32, #tpu.memory_space<vmem>>) semaphore(%arg13 : memref<!tpu.dma_semaphore, #tpu.memory_space<semaphore_mem>>)
    %dma_wait3A_63 = arith.constant 38 : i32
    %dma_wait3A_64 = arith.constant 0 : i32
    %dma_wait3A_65 = tpu.memref_slice %arg7[%dma_wait3A_63, %dma_wait3A_64] : memref<40x128xi32, #tpu.memory_space<vmem>> -> memref<1x128xi32, #tpu.memory_space<vmem>>
    %dma_wait3A_66 = tpu.memref_squeeze %dma_wait3A_65 : memref<1x128xi32, #tpu.memory_space<vmem>> -> memref<128xi32, #tpu.memory_space<vmem>>
    %dma_wait3A_67 = arith.constant 0 : i32
    %dma_wait3A_68 = arith.constant 0 : i32
    %dma_wait3A_69 = tpu.memref_slice %arg2[%dma_wait3A_67, %dma_wait3A_68] : memref<10240x128xf32, #tpu.memory_space<hbm>> -> memref<10240x128xf32, #tpu.memory_space<hbm>>
    tpu.wait_indirect_dma semaphore(%arg12 : memref<!tpu.dma_semaphore, #tpu.memory_space<semaphore_mem>>) src(%dma_wait3A_69 : memref<10240x128xf32, #tpu.memory_space<hbm>>) dst(%arg9 : memref<128x128xf32, #tpu.memory_space<vmem>>)
    %run_scoped3A_70 = arith.constant 38 : i32
    "tpu.region"() ({
      %run_scoped3A_84 = tpu.sem_alloc : memref<!tpu.dma_semaphore, #tpu.memory_space<semaphore_mem>>
      %dma_start3A_85 = arith.constant 0 : i32
      %dma_start3A_86 = tpu.memref_slice %arg8[%run_scoped3A_70, %dma_start3A_85] : memref<40x128xi32, #tpu.memory_space<vmem>> -> memref<1x128xi32, #tpu.memory_space<vmem>>
      %dma_start3A_87 = tpu.memref_squeeze %dma_start3A_86 : memref<1x128xi32, #tpu.memory_space<vmem>> -> memref<128xi32, #tpu.memory_space<vmem>>
      %dma_start3A_88 = arith.constant 0 : i32
      %dma_start3A_89 = arith.constant 0 : i32
      %dma_start3A_90 = tpu.memref_slice %arg11[%dma_start3A_88, %dma_start3A_89] : memref<10240x128xf32, #tpu.memory_space<vmem_shared>> -> memref<10240x128xf32, #tpu.memory_space<vmem_shared>>
      tpu.enqueue_indirect_dma source(%arg9 : memref<128x128xf32, #tpu.memory_space<vmem>>) target(%dma_start3A_90 : memref<10240x128xf32, #tpu.memory_space<vmem_shared>>) offsets(%dma_start3A_87 : memref<128xi32, #tpu.memory_space<vmem>>) semaphore(%run_scoped3A_84 : memref<!tpu.dma_semaphore, #tpu.memory_space<semaphore_mem>>) {add = true}
      %dma_wait3A_91 = arith.constant 0 : i32
      %dma_wait3A_92 = tpu.memref_slice %arg8[%run_scoped3A_70, %dma_wait3A_91] : memref<40x128xi32, #tpu.memory_space<vmem>> -> memref<1x128xi32, #tpu.memory_space<vmem>>
      %dma_wait3A_93 = tpu.memref_squeeze %dma_wait3A_92 : memref<1x128xi32, #tpu.memory_space<vmem>> -> memref<128xi32, #tpu.memory_space<vmem>>
      %dma_wait3A_94 = arith.constant 0 : i32
      %dma_wait3A_95 = arith.constant 0 : i32
      %dma_wait3A_96 = tpu.memref_slice %arg11[%dma_wait3A_94, %dma_wait3A_95] : memref<10240x128xf32, #tpu.memory_space<vmem_shared>> -> memref<10240x128xf32, #tpu.memory_space<vmem_shared>>
      tpu.wait_indirect_dma semaphore(%run_scoped3A_84 : memref<!tpu.dma_semaphore, #tpu.memory_space<semaphore_mem>>) src(%arg9 : memref<128x128xf32, #tpu.memory_space<vmem>>) dst(%dma_wait3A_96 : memref<10240x128xf32, #tpu.memory_space<vmem_shared>>)
      tpu.yield
    }) : () -> ()
    %dma_wait3A_71 = arith.constant 39 : i32
    %dma_wait3A_72 = arith.constant 0 : i32
    %dma_wait3A_73 = tpu.memref_slice %arg7[%dma_wait3A_71, %dma_wait3A_72] : memref<40x128xi32, #tpu.memory_space<vmem>> -> memref<1x128xi32, #tpu.memory_space<vmem>>
    %dma_wait3A_74 = tpu.memref_squeeze %dma_wait3A_73 : memref<1x128xi32, #tpu.memory_space<vmem>> -> memref<128xi32, #tpu.memory_space<vmem>>
    %dma_wait3A_75 = arith.constant 0 : i32
    %dma_wait3A_76 = arith.constant 0 : i32
    %dma_wait3A_77 = tpu.memref_slice %arg2[%dma_wait3A_75, %dma_wait3A_76] : memref<10240x128xf32, #tpu.memory_space<hbm>> -> memref<10240x128xf32, #tpu.memory_space<hbm>>
    tpu.wait_indirect_dma semaphore(%arg13 : memref<!tpu.dma_semaphore, #tpu.memory_space<semaphore_mem>>) src(%dma_wait3A_77 : memref<10240x128xf32, #tpu.memory_space<hbm>>) dst(%arg10 : memref<128x128xf32, #tpu.memory_space<vmem>>)
    %run_scoped3A_78 = arith.constant 39 : i32
    "tpu.region"() ({
      %run_scoped3A_84 = tpu.sem_alloc : memref<!tpu.dma_semaphore, #tpu.memory_space<semaphore_mem>>
      %dma_start3A_85 = arith.constant 0 : i32
      %dma_start3A_86 = tpu.memref_slice %arg8[%run_scoped3A_78, %dma_start3A_85] : memref<40x128xi32, #tpu.memory_space<vmem>> -> memref<1x128xi32, #tpu.memory_space<vmem>>
      %dma_start3A_87 = tpu.memref_squeeze %dma_start3A_86 : memref<1x128xi32, #tpu.memory_space<vmem>> -> memref<128xi32, #tpu.memory_space<vmem>>
      %dma_start3A_88 = arith.constant 0 : i32
      %dma_start3A_89 = arith.constant 0 : i32
      %dma_start3A_90 = tpu.memref_slice %arg11[%dma_start3A_88, %dma_start3A_89] : memref<10240x128xf32, #tpu.memory_space<vmem_shared>> -> memref<10240x128xf32, #tpu.memory_space<vmem_shared>>
      tpu.enqueue_indirect_dma source(%arg10 : memref<128x128xf32, #tpu.memory_space<vmem>>) target(%dma_start3A_90 : memref<10240x128xf32, #tpu.memory_space<vmem_shared>>) offsets(%dma_start3A_87 : memref<128xi32, #tpu.memory_space<vmem>>) semaphore(%run_scoped3A_84 : memref<!tpu.dma_semaphore, #tpu.memory_space<semaphore_mem>>) {add = true}
      %dma_wait3A_91 = arith.constant 0 : i32
      %dma_wait3A_92 = tpu.memref_slice %arg8[%run_scoped3A_78, %dma_wait3A_91] : memref<40x128xi32, #tpu.memory_space<vmem>> -> memref<1x128xi32, #tpu.memory_space<vmem>>
      %dma_wait3A_93 = tpu.memref_squeeze %dma_wait3A_92 : memref<1x128xi32, #tpu.memory_space<vmem>> -> memref<128xi32, #tpu.memory_space<vmem>>
      %dma_wait3A_94 = arith.constant 0 : i32
      %dma_wait3A_95 = arith.constant 0 : i32
      %dma_wait3A_96 = tpu.memref_slice %arg11[%dma_wait3A_94, %dma_wait3A_95] : memref<10240x128xf32, #tpu.memory_space<vmem_shared>> -> memref<10240x128xf32, #tpu.memory_space<vmem_shared>>
      tpu.wait_indirect_dma semaphore(%run_scoped3A_84 : memref<!tpu.dma_semaphore, #tpu.memory_space<semaphore_mem>>) src(%arg10 : memref<128x128xf32, #tpu.memory_space<vmem>>) dst(%dma_wait3A_96 : memref<10240x128xf32, #tpu.memory_space<vmem_shared>>)
      tpu.yield
    }) : () -> ()
    %barrier3A_79 = arith.constant 0 : index
    tpu.barrier barrier_id(%barrier3A_79)
    %mul3A_80 = arith.constant 640 : i32
    %mul3A_81 = arith.muli %arg1, %mul3A_80 : i32
    %mul3A_82 = arith.constant 640 : i32
    %mul3A_83 = arith.muli %arg1, %mul3A_82 : i32
    "tpu.region"() ({
      %run_scoped3A_84 = tpu.sem_alloc : memref<!tpu.dma_semaphore, #tpu.memory_space<semaphore_mem>>
      %dma_start3A_85 = arith.constant 0 : i32
      %dma_start3A_86 = tpu.memref_slice %arg6[%arg0, %mul3A_83, %dma_start3A_85] : memref<2x10240x128xf32, #tpu.memory_space<hbm>> -> memref<1x640x128xf32, #tpu.memory_space<hbm>>
      %dma_start3A_87 = tpu.memref_squeeze %dma_start3A_86 : memref<1x640x128xf32, #tpu.memory_space<hbm>> -> memref<640x128xf32, #tpu.memory_space<hbm>>
      %dma_start3A_88 = arith.constant 0 : i32
      %dma_start3A_89 = tpu.memref_slice %arg11[%mul3A_81, %dma_start3A_88] : memref<10240x128xf32, #tpu.memory_space<vmem_shared>> -> memref<640x128xf32, #tpu.memory_space<vmem_shared>>
      tpu.enqueue_dma source(%dma_start3A_89 : memref<640x128xf32, #tpu.memory_space<vmem_shared>>) target(%dma_start3A_87 : memref<640x128xf32, #tpu.memory_space<hbm>>) target_semaphore(%run_scoped3A_84 : memref<!tpu.dma_semaphore, #tpu.memory_space<semaphore_mem>>)
      %dma_wait3A_90 = arith.constant 0 : i32
      %dma_wait3A_91 = tpu.memref_slice %arg6[%arg0, %mul3A_83, %dma_wait3A_90] : memref<2x10240x128xf32, #tpu.memory_space<hbm>> -> memref<1x640x128xf32, #tpu.memory_space<hbm>>
      %dma_wait3A_92 = tpu.memref_squeeze %dma_wait3A_91 : memref<1x640x128xf32, #tpu.memory_space<hbm>> -> memref<640x128xf32, #tpu.memory_space<hbm>>
      %dma_wait3A_93 = arith.constant 0 : i32
      %dma_wait3A_94 = tpu.memref_slice %arg11[%mul3A_81, %dma_wait3A_93] : memref<10240x128xf32, #tpu.memory_space<vmem_shared>> -> memref<640x128xf32, #tpu.memory_space<vmem_shared>>
      tpu.wait_dma2 semaphore(%run_scoped3A_84 : memref<!tpu.dma_semaphore, #tpu.memory_space<semaphore_mem>>) src(%dma_wait3A_94 : memref<640x128xf32, #tpu.memory_space<vmem_shared>>) dst(%dma_wait3A_92 : memref<640x128xf32, #tpu.memory_space<hbm>>)
      tpu.yield
    }) : () -> ()
    return
  }
}

module attributes {stable_mosaic.version = 14 : i64} {
  func.func @body(%arg0: i32, %arg1: memref<2048x128xf32, #tpu.memory_space<vmem>>, %arg2: memref<1x2048x128xf32, #tpu.memory_space<vmem>>, %arg3: memref<1x2048x128xf32, #tpu.memory_space<vmem>>, %arg4: memref<2048x128xf32, #tpu.memory_space<vmem>>, %arg5: memref<2048x1xf32, #tpu.memory_space<vmem>>, %arg6: memref<2048x1xf32, #tpu.memory_space<vmem>>) attributes {dimension_semantics = [#tpu.dimension_semantics<arbitrary>], iteration_bounds = array<i64: 5>, scalar_prefetch = 0 : i64, scratch_operands = 0 : i64, tpu.core_type = #tpu.core_type<tc>, window_params = [{transform_indices = @transform_0, window_bounds = array<i64: 2048, 128>}, {transform_indices = @transform_1, window_bounds = array<i64: 1, 2048, 128>}, {transform_indices = @transform_2, window_bounds = array<i64: 1, 2048, 128>}, {transform_indices = @transform_3, window_bounds = array<i64: 2048, 128>}, {transform_indices = @transform_4, window_bounds = array<i64: 2048, 1>}, {transform_indices = @transform_5, window_bounds = array<i64: 2048, 1>}]} {
    %mul3A = arith.constant 2048 : i32
    %mul3A_0 = arith.muli %arg0, %mul3A : i32
    %iota3A = tpu.iota {dimensions = array<i32: 0>} : vector<2048x1xi32>
    %add3A = vector.broadcast %mul3A_0 : i32 to vector<2048x1xi32>
    %add3A_1 = arith.addi %add3A, %iota3A : vector<2048x1xi32>
    %lt3A = arith.constant 7680 : i32
    %lt3A_2 = vector.broadcast %lt3A : i32 to vector<2048x1xi32>
    %lt3A_3 = arith.cmpi slt, %add3A_1, %lt3A_2 : vector<2048x1xi32>
    %convert_element_type3A = arith.extui %lt3A_3 : vector<2048x1xi1> to vector<2048x1xi32>
    %convert_element_type3A_4 = arith.sitofp %convert_element_type3A : vector<2048x1xi32> to vector<2048x1xf32>
    %get3A = arith.constant 0 : index
    %get3A_5 = arith.constant 0 : index
    %get3A_6 = arith.constant 0 : index
    %get3A_7 = vector.load %arg2[%get3A, %get3A_5, %get3A_6] : memref<1x2048x128xf32, #tpu.memory_space<vmem>>, vector<1x2048x1xf32>
    %get3A_8 = vector.shape_cast %get3A_7 : vector<1x2048x1xf32> to vector<2048x1xf32>
    %get3A_9 = arith.constant 0 : index
    %get3A_10 = arith.constant 0 : index
    %get3A_11 = arith.constant 0 : index
    %get3A_12 = vector.load %arg3[%get3A_9, %get3A_10, %get3A_11] : memref<1x2048x128xf32, #tpu.memory_space<vmem>>, vector<1x2048x1xf32>
    %get3A_13 = vector.shape_cast %get3A_12 : vector<1x2048x1xf32> to vector<2048x1xf32>
    %add3A_14 = arith.addf %get3A_8, %get3A_13 : vector<2048x1xf32>
    %sub3A = arith.subf %add3A_14, %convert_element_type3A_4 : vector<2048x1xf32>
    %get3A_15 = arith.constant 0 : index
    %get3A_16 = arith.constant 0 : index
    %get3A_17 = arith.constant 64 : index
    %get3A_18 = vector.load %arg2[%get3A_15, %get3A_16, %get3A_17] : memref<1x2048x128xf32, #tpu.memory_space<vmem>>, vector<1x2048x1xf32>
    %get3A_19 = vector.shape_cast %get3A_18 : vector<1x2048x1xf32> to vector<2048x1xf32>
    %get3A_20 = arith.constant 0 : index
    %get3A_21 = arith.constant 0 : index
    %get3A_22 = arith.constant 64 : index
    %get3A_23 = vector.load %arg3[%get3A_20, %get3A_21, %get3A_22] : memref<1x2048x128xf32, #tpu.memory_space<vmem>>, vector<1x2048x1xf32>
    %get3A_24 = vector.shape_cast %get3A_23 : vector<1x2048x1xf32> to vector<2048x1xf32>
    %add3A_25 = arith.addf %get3A_19, %get3A_24 : vector<2048x1xf32>
    %gt3A = arith.constant 0.000000e+00 : f32
    %gt3A_26 = vector.broadcast %gt3A : f32 to vector<2048x1xf32>
    %gt3A_27 = arith.cmpf ogt, %sub3A, %gt3A_26 : vector<2048x1xf32>
    %rsqrt3A = math.rsqrt %sub3A : vector<2048x1xf32>
    %jit3A = arith.constant 0.000000e+00 : f32
    %broadcast_in_dim3A = vector.broadcast %jit3A : f32 to vector<2048x1xf32>
    %select_n3A = arith.select %gt3A_27, %rsqrt3A, %broadcast_in_dim3A : vector<2048x1xi1>, vector<2048x1xf32>
    %gt3A_28 = arith.constant 0.000000e+00 : f32
    %gt3A_29 = vector.broadcast %gt3A_28 : f32 to vector<2048x1xf32>
    %gt3A_30 = arith.cmpf ogt, %add3A_25, %gt3A_29 : vector<2048x1xf32>
    %rsqrt3A_31 = math.rsqrt %add3A_25 : vector<2048x1xf32>
    %jit3A_32 = arith.constant 0.000000e+00 : f32
    %broadcast_in_dim3A_33 = vector.broadcast %jit3A_32 : f32 to vector<2048x1xf32>
    %select_n3A_34 = arith.select %gt3A_30, %rsqrt3A_31, %broadcast_in_dim3A_33 : vector<2048x1xi1>, vector<2048x1xf32>
    %get3A_35 = arith.constant 0 : index
    %get3A_36 = arith.constant 0 : index
    %get3A_37 = vector.load %arg1[%get3A_35, %get3A_36] : memref<2048x128xf32, #tpu.memory_space<vmem>>, vector<2048x128xf32>
    %mul3A_38 = vector.broadcast %select_n3A : vector<2048x1xf32> to vector<2048x128xf32>
    %mul3A_39 = arith.mulf %get3A_37, %mul3A_38 : vector<2048x128xf32>
    %swap3A = arith.constant 0 : index
    %swap3A_40 = arith.constant 0 : index
    %swap3A_41 = vector.load %arg4[%swap3A, %swap3A_40] : memref<2048x128xf32, #tpu.memory_space<vmem>>, vector<2048x128xf32>
    tpu.vector_store %arg4[%swap3A, %swap3A_40], %mul3A_39 {strides = array<i32>} : memref<2048x128xf32, #tpu.memory_space<vmem>>, vector<2048x128xf32>,
    %swap3A_42 = arith.constant 0 : index
    %swap3A_43 = arith.constant 0 : index
    %swap3A_44 = vector.load %arg5[%swap3A_42, %swap3A_43] : memref<2048x1xf32, #tpu.memory_space<vmem>>, vector<2048x1xf32>
    tpu.vector_store %arg5[%swap3A_42, %swap3A_43], %select_n3A {strides = array<i32>} : memref<2048x1xf32, #tpu.memory_space<vmem>>, vector<2048x1xf32>,
    %swap3A_45 = arith.constant 0 : index
    %swap3A_46 = arith.constant 0 : index
    %swap3A_47 = vector.load %arg6[%swap3A_45, %swap3A_46] : memref<2048x1xf32, #tpu.memory_space<vmem>>, vector<2048x1xf32>
    tpu.vector_store %arg6[%swap3A_45, %swap3A_46], %select_n3A_34 {strides = array<i32>} : memref<2048x1xf32, #tpu.memory_space<vmem>>, vector<2048x1xf32>,
    return
  }
  func.func @transform_0(%arg0: i32) -> (i32, i32) {
    %c0_i32 = arith.constant 0 : i32
    %c0_i32_0 = arith.constant 0 : i32
    return %arg0, %c0_i32 : i32, i32
  }
  func.func @transform_1(%arg0: i32) -> (i32, i32, i32) {
    %c0_i32 = arith.constant 0 : i32
    %c0_i32_0 = arith.constant 0 : i32
    %c0_i32_1 = arith.constant 0 : i32
    return %c0_i32, %arg0, %c0_i32_0 : i32, i32, i32
  }
  func.func @transform_2(%arg0: i32) -> (i32, i32, i32) {
    %c1_i32 = arith.constant 1 : i32
    %c0_i32 = arith.constant 0 : i32
    %c0_i32_0 = arith.constant 0 : i32
    return %c1_i32, %arg0, %c0_i32 : i32, i32, i32
  }
  func.func @transform_3(%arg0: i32) -> (i32, i32) {
    %c0_i32 = arith.constant 0 : i32
    %c0_i32_0 = arith.constant 0 : i32
    return %arg0, %c0_i32 : i32, i32
  }
  func.func @transform_4(%arg0: i32) -> (i32, i32) {
    %c0_i32 = arith.constant 0 : i32
    %c0_i32_0 = arith.constant 0 : i32
    return %arg0, %c0_i32 : i32, i32
  }
  func.func @transform_5(%arg0: i32) -> (i32, i32) {
    %c0_i32 = arith.constant 0 : i32
    %c0_i32_0 = arith.constant 0 : i32
    return %arg0, %c0_i32 : i32, i32
  }
}

module attributes {stable_mosaic.version = 14 : i64} {
  func.func @body(%arg0: i32, %arg1: memref<1x2048x128xf32, #tpu.memory_space<vmem>>, %arg2: memref<1x2048x128xf32, #tpu.memory_space<vmem>>, %arg3: memref<2048x1xf32, #tpu.memory_space<vmem>>, %arg4: memref<2048x1xf32, #tpu.memory_space<vmem>>, %arg5: memref<128x128xf32, #tpu.memory_space<vmem>>, %arg6: memref<1x128xf32, #tpu.memory_space<vmem>>, %arg7: memref<2048x128xf32, #tpu.memory_space<vmem>>) attributes {dimension_semantics = [#tpu.dimension_semantics<arbitrary>], iteration_bounds = array<i64: 5>, scalar_prefetch = 0 : i64, scratch_operands = 0 : i64, tpu.core_type = #tpu.core_type<tc>, window_params = [{transform_indices = @transform_0, window_bounds = array<i64: 1, 2048, 128>}, {transform_indices = @transform_1, window_bounds = array<i64: 1, 2048, 128>}, {transform_indices = @transform_2, window_bounds = array<i64: 2048, 1>}, {transform_indices = @transform_3, window_bounds = array<i64: 2048, 1>}, {pipeline_mode = #tpu.pipeline_mode<synchronous>, transform_indices = @transform_4, window_bounds = array<i64: 128, 128>}, {pipeline_mode = #tpu.pipeline_mode<synchronous>, transform_indices = @transform_5, window_bounds = array<i64: 1, 128>}, {transform_indices = @transform_6, window_bounds = array<i64: 2048, 128>}]} {
    %get3A = arith.constant 0 : index
    %get3A_0 = arith.constant 0 : index
    %get3A_1 = arith.constant 0 : index
    %get3A_2 = vector.load %arg1[%get3A, %get3A_0, %get3A_1] : memref<1x2048x128xf32, #tpu.memory_space<vmem>>, vector<1x2048x128xf32>
    %get3A_3 = vector.shape_cast %get3A_2 : vector<1x2048x128xf32> to vector<2048x128xf32>
    %get3A_4 = arith.constant 0 : index
    %get3A_5 = arith.constant 0 : index
    %get3A_6 = arith.constant 0 : index
    %get3A_7 = vector.load %arg2[%get3A_4, %get3A_5, %get3A_6] : memref<1x2048x128xf32, #tpu.memory_space<vmem>>, vector<1x2048x128xf32>
    %get3A_8 = vector.shape_cast %get3A_7 : vector<1x2048x128xf32> to vector<2048x128xf32>
    %add3A = arith.addf %get3A_3, %get3A_8 : vector<2048x128xf32>
    %get3A_9 = arith.constant 0 : index
    %get3A_10 = arith.constant 0 : index
    %get3A_11 = vector.load %arg3[%get3A_9, %get3A_10] : memref<2048x1xf32, #tpu.memory_space<vmem>>, vector<2048x1xf32>
    %mul3A = vector.broadcast %get3A_11 : vector<2048x1xf32> to vector<2048x128xf32>
    %mul3A_12 = arith.mulf %add3A, %mul3A : vector<2048x128xf32>
    %get3A_13 = arith.constant 0 : index
    %get3A_14 = arith.constant 0 : index
    %get3A_15 = vector.load %arg5[%get3A_13, %get3A_14] : memref<128x128xf32, #tpu.memory_space<vmem>>, vector<128x128xf32>
    %dot_general3A = arith.constant dense<0.000000e+00> : vector<2048x128xf32>
    %dot_general3A_16 = tpu.matmul %mul3A_12, %get3A_15, %dot_general3A {dimension_numbers = #tpu.dot_dimension_numbers<[1], [0], [0], [1], [0, 0, 1, 1], [], []>, transpose_lhs_hint = false} : vector<2048x128xf32>, vector<128x128xf32>, vector<2048x128xf32> -> vector<2048x128xf32>
    %get3A_17 = arith.constant 0 : index
    %get3A_18 = arith.constant 0 : index
    %get3A_19 = vector.load %arg6[%get3A_17, %get3A_18] : memref<1x128xf32, #tpu.memory_space<vmem>>, vector<1x128xf32>
    %add3A_20 = vector.broadcast %get3A_19 : vector<1x128xf32> to vector<2048x128xf32>
    %add3A_21 = arith.addf %dot_general3A_16, %add3A_20 : vector<2048x128xf32>
    %max3A = arith.constant 0.000000e+00 : f32
    %max3A_22 = vector.broadcast %max3A : f32 to vector<2048x128xf32>
    %max3A_23 = arith.maximumf %add3A_21, %max3A_22 : vector<2048x128xf32>
    %get3A_24 = arith.constant 0 : index
    %get3A_25 = arith.constant 0 : index
    %get3A_26 = vector.load %arg4[%get3A_24, %get3A_25] : memref<2048x1xf32, #tpu.memory_space<vmem>>, vector<2048x1xf32>
    %mul3A_27 = vector.broadcast %get3A_26 : vector<2048x1xf32> to vector<2048x128xf32>
    %mul3A_28 = arith.mulf %max3A_23, %mul3A_27 : vector<2048x128xf32>
    %swap3A = arith.constant 0 : index
    %swap3A_29 = arith.constant 0 : index
    %swap3A_30 = vector.load %arg7[%swap3A, %swap3A_29] : memref<2048x128xf32, #tpu.memory_space<vmem>>, vector<2048x128xf32>
    tpu.vector_store %arg7[%swap3A, %swap3A_29], %mul3A_28 {strides = array<i32>} : memref<2048x128xf32, #tpu.memory_space<vmem>>, vector<2048x128xf32>,
    return
  }
  func.func @transform_0(%arg0: i32) -> (i32, i32, i32) {
    %c0_i32 = arith.constant 0 : i32
    %c0_i32_0 = arith.constant 0 : i32
    %c0_i32_1 = arith.constant 0 : i32
    return %c0_i32, %arg0, %c0_i32_0 : i32, i32, i32
  }
  func.func @transform_1(%arg0: i32) -> (i32, i32, i32) {
    %c1_i32 = arith.constant 1 : i32
    %c0_i32 = arith.constant 0 : i32
    %c0_i32_0 = arith.constant 0 : i32
    return %c1_i32, %arg0, %c0_i32 : i32, i32, i32
  }
  func.func @transform_2(%arg0: i32) -> (i32, i32) {
    %c0_i32 = arith.constant 0 : i32
    %c0_i32_0 = arith.constant 0 : i32
    return %arg0, %c0_i32 : i32, i32
  }
  func.func @transform_3(%arg0: i32) -> (i32, i32) {
    %c0_i32 = arith.constant 0 : i32
    %c0_i32_0 = arith.constant 0 : i32
    return %arg0, %c0_i32 : i32, i32
  }
  func.func @transform_4(%arg0: i32) -> (i32, i32) {
    %c0_i32 = arith.constant 0 : i32
    %c0_i32_0 = arith.constant 0 : i32
    %c0_i32_1 = arith.constant 0 : i32
    return %c0_i32, %c0_i32_0 : i32, i32
  }
  func.func @transform_5(%arg0: i32) -> (i32, i32) {
    %c0_i32 = arith.constant 0 : i32
    %c0_i32_0 = arith.constant 0 : i32
    %c0_i32_1 = arith.constant 0 : i32
    return %c0_i32, %c0_i32_0 : i32, i32
  }
  func.func @transform_6(%arg0: i32) -> (i32, i32) {
    %c0_i32 = arith.constant 0 : i32
    %c0_i32_0 = arith.constant 0 : i32
    return %arg0, %c0_i32 : i32, i32
  }
}

module attributes {stable_mosaic.version = 14 : i64} {
  func.func @body(%arg0: i32, %arg1: memref<1x2048x128xf32, #tpu.memory_space<vmem>>, %arg2: memref<1x2048x128xf32, #tpu.memory_space<vmem>>, %arg3: memref<2048x1xf32, #tpu.memory_space<vmem>>, %arg4: memref<128x64xf32, #tpu.memory_space<vmem>>, %arg5: memref<1x64xf32, #tpu.memory_space<vmem>>, %arg6: memref<2048x64xf32, #tpu.memory_space<vmem>>) attributes {dimension_semantics = [#tpu.dimension_semantics<arbitrary>], iteration_bounds = array<i64: 5>, scalar_prefetch = 0 : i64, scratch_operands = 0 : i64, tpu.core_type = #tpu.core_type<tc>, window_params = [{transform_indices = @transform_0, window_bounds = array<i64: 1, 2048, 128>}, {transform_indices = @transform_1, window_bounds = array<i64: 1, 2048, 128>}, {transform_indices = @transform_2, window_bounds = array<i64: 2048, 1>}, {pipeline_mode = #tpu.pipeline_mode<synchronous>, transform_indices = @transform_3, window_bounds = array<i64: 128, 64>}, {pipeline_mode = #tpu.pipeline_mode<synchronous>, transform_indices = @transform_4, window_bounds = array<i64: 1, 64>}, {transform_indices = @transform_5, window_bounds = array<i64: 2048, 64>}]} {
    %get3A = arith.constant 0 : index
    %get3A_0 = arith.constant 0 : index
    %get3A_1 = arith.constant 0 : index
    %get3A_2 = vector.load %arg1[%get3A, %get3A_0, %get3A_1] : memref<1x2048x128xf32, #tpu.memory_space<vmem>>, vector<1x2048x128xf32>
    %get3A_3 = vector.shape_cast %get3A_2 : vector<1x2048x128xf32> to vector<2048x128xf32>
    %get3A_4 = arith.constant 0 : index
    %get3A_5 = arith.constant 0 : index
    %get3A_6 = arith.constant 0 : index
    %get3A_7 = vector.load %arg2[%get3A_4, %get3A_5, %get3A_6] : memref<1x2048x128xf32, #tpu.memory_space<vmem>>, vector<1x2048x128xf32>
    %get3A_8 = vector.shape_cast %get3A_7 : vector<1x2048x128xf32> to vector<2048x128xf32>
    %add3A = arith.addf %get3A_3, %get3A_8 : vector<2048x128xf32>
    %get3A_9 = arith.constant 0 : index
    %get3A_10 = arith.constant 0 : index
    %get3A_11 = vector.load %arg3[%get3A_9, %get3A_10] : memref<2048x1xf32, #tpu.memory_space<vmem>>, vector<2048x1xf32>
    %mul3A = vector.broadcast %get3A_11 : vector<2048x1xf32> to vector<2048x128xf32>
    %mul3A_12 = arith.mulf %add3A, %mul3A : vector<2048x128xf32>
    %get3A_13 = arith.constant 0 : index
    %get3A_14 = arith.constant 0 : index
    %get3A_15 = vector.load %arg4[%get3A_13, %get3A_14] : memref<128x64xf32, #tpu.memory_space<vmem>>, vector<128x64xf32>
    %dot_general3A = arith.constant dense<0.000000e+00> : vector<2048x64xf32>
    %dot_general3A_16 = tpu.matmul %mul3A_12, %get3A_15, %dot_general3A {dimension_numbers = #tpu.dot_dimension_numbers<[1], [0], [0], [1], [0, 0, 1, 1], [], []>, transpose_lhs_hint = false} : vector<2048x128xf32>, vector<128x64xf32>, vector<2048x64xf32> -> vector<2048x64xf32>
    %get3A_17 = arith.constant 0 : index
    %get3A_18 = arith.constant 0 : index
    %get3A_19 = vector.load %arg5[%get3A_17, %get3A_18] : memref<1x64xf32, #tpu.memory_space<vmem>>, vector<1x64xf32>
    %add3A_20 = vector.broadcast %get3A_19 : vector<1x64xf32> to vector<2048x64xf32>
    %add3A_21 = arith.addf %dot_general3A_16, %add3A_20 : vector<2048x64xf32>
    %swap3A = arith.constant 0 : index
    %swap3A_22 = arith.constant 0 : index
    %swap3A_23 = vector.load %arg6[%swap3A, %swap3A_22] : memref<2048x64xf32, #tpu.memory_space<vmem>>, vector<2048x64xf32>
    tpu.vector_store %arg6[%swap3A, %swap3A_22], %add3A_21 {strides = array<i32>} : memref<2048x64xf32, #tpu.memory_space<vmem>>, vector<2048x64xf32>,
    return
  }
  func.func @transform_0(%arg0: i32) -> (i32, i32, i32) {
    %c0_i32 = arith.constant 0 : i32
    %c0_i32_0 = arith.constant 0 : i32
    %c0_i32_1 = arith.constant 0 : i32
    return %c0_i32, %arg0, %c0_i32_0 : i32, i32, i32
  }
  func.func @transform_1(%arg0: i32) -> (i32, i32, i32) {
    %c1_i32 = arith.constant 1 : i32
    %c0_i32 = arith.constant 0 : i32
    %c0_i32_0 = arith.constant 0 : i32
    return %c1_i32, %arg0, %c0_i32 : i32, i32, i32
  }
  func.func @transform_2(%arg0: i32) -> (i32, i32) {
    %c0_i32 = arith.constant 0 : i32
    %c0_i32_0 = arith.constant 0 : i32
    return %arg0, %c0_i32 : i32, i32
  }
  func.func @transform_3(%arg0: i32) -> (i32, i32) {
    %c0_i32 = arith.constant 0 : i32
    %c0_i32_0 = arith.constant 0 : i32
    %c0_i32_1 = arith.constant 0 : i32
    return %c0_i32, %c0_i32_0 : i32, i32
  }
  func.func @transform_4(%arg0: i32) -> (i32, i32) {
    %c0_i32 = arith.constant 0 : i32
    %c0_i32_0 = arith.constant 0 : i32
    %c0_i32_1 = arith.constant 0 : i32
    return %c0_i32, %c0_i32_0 : i32, i32
  }
  func.func @transform_5(%arg0: i32) -> (i32, i32) {
    %c0_i32 = arith.constant 0 : i32
    %c0_i32_0 = arith.constant 0 : i32
    return %arg0, %c0_i32 : i32, i32
  }
}

</mosaic_0001>

<sc_bundles>
// kernel: kernel.10.cloned.1.call-start
scs
__scs_entry_jumppad:
0x0: {  	(pc) =	sbr.rel $0x88, $3  }
0x1: {  	(tag) =	ssettag $0x0;
	lr =	simm.s32 $0x1  }
0x2: {  	[smem:$0x3F99] =	sst lr;
	_ =	strace $0xD0000000  }
0x3: {  	_ = 	snop  }
0x4: {  	_ = 	snop  }
0x5: {  	_ = 	snop  }
0x6: {  	_ = 	snop  }
0x7: {  	_ = 	snop  }
__scs_overlays_trampoline_lowered:
0x8: {  	[smem:$0x3FA8] =	sst s0  }
0x9: {  	[smem:$0x3FA9] =	sst s1  }
0xa: {  	[smem:$0x3FAA] =	sst s2  }
0xb: {  	[smem:$0x3FAB] =	sst s3  }
0xc: {  	[smem:$0x3FAC] =	sst s4  }
0xd: {  	[smem:$0x3FAD] =	sst s5  }
0xe: {  	[smem:$0x3FAE] =	sst s6  }
0xf: {  	[smem:$0x3FAF] =	sst s7  }
0x10: {  	[smem:$0x3FB0] =	sst s8  }
0x11: {  	[smem:$0x3FB1] =	sst s9;
	s0 =	simm.s32 @!p0 $0x0  }
0x12: {  	s1 =	sld [smem:$0x3F97];
	s0 =	simm.s32 @p0 $0x1  }
0x13: {  	[smem:$0x3FB2] =	sst s0;
	s0 =	simm.s32 @!p1 $0x0  }
0x14: {  	s2 =	sld [smem:$0x3F96];
	s0 =	simm.s32 @p1 $0x1  }
0x15: {  	[smem:$0x3FB3] =	sst s0;
	s0 =	simm.s32 @!p2 $0x0  }
0x16: {  	s3 =	sld [smem:$0x3FDB];
	s0 =	simm.s32 @p2 $0x1  }
0x17: {  	s4 =	simm.s32 $0x1BF5;
	[smem:$0x3FB5] =	sst s0  }
0x18: {  	s0 =	sld [smem:$0x3F98];
	_ =	swait.ge [sflag:s4], $0x0  }
0x19: {  	s7 =	sld [smem:$0x3F99]  }
0x1a: {  	s8 =	sadd.s32 $0xFFFFE003, lr  }
0x1b: {  	s9 =	sadd.s32 $0xFFFFFEF7, lr;
	s5 =	simm.s32 $0xFFFFFFFF;
	p2 =	slt.u32 s8, $0xFFFFF086  }
0x1c: {  	p1 =	slt.u32 s9, $0xF7A;
	s5 =	simm.s32 @!p2 $0x0  }
0x1d: {  	s5 =	simm.s32 @p1 $0x1;
	p0 =	seq.s32 s7, s2  }
0x1e: {  	s7 =	smul.u32 @!p0 $0xF7A, s2;
	p2 =	seq.s32 @!p0 s5, $0x0  }
0x1f: {  	s9 =	smul.u32 $0xF7A, s1;
	s8 =	simm.s32 @!p0 $0x1BF5;
	p2 =	por !p2, p0  }
0x20: {  	[sflag:s8] =	ssyncset.s32 @!p0 $0xFFFFF086;
	s6 =	sadd.s32 @!p0 s3, s7;
	s7 =	simm.s32 @!p0 $0x108  }
0x21: {  	s3 =	sadd.s32 s3, s9;
	s6 =	sadd.s32 @!p0 $0x88, s6;
	s7 =	simm.s32 @p2 $0x1082  }
0x22: {  	[simem:s7], [sflag:s8] =	dma.local @!p0 [hbm:s6], $0xF7A  }
0x23: {  	s9 =	sor.u32 $0xD0000000, s2;
	s6 =	simm.s32 $0x108;
	_ =	swait.ge @!p0 [sflag:s8], $0x0  }
0x24: {  	s3 =	sadd.s32 $0x88, s3;
	s6 =	simm.s32 @!p1 $0x1082;
	[sflag:s4] =	ssyncset.s32 $0xFFFFF086  }
0x25: {  	[simem:s6], [sflag:s4] =	dma.local [hbm:s3], $0xF7A  }
0x26: {  	[smem:$0x3F99] =	sst s1;
	(tag) =	ssettag s2;
	_ =	strace s9  }
0x27: {  	s1 =	sld [smem:$0x3FA9]  }
0x28: {  	s2 =	sld [smem:$0x3FAA]  }
0x29: {  	s4 =	sld [smem:$0x3FAC]  }
0x2a: {  	p0 =	seq.s32 s5, $0x0;
	s5 =	sld [smem:$0x3FAD]  }
0x2b: {  	s6 =	sld [smem:$0x3FAE]  }
0x2c: {  	s7 =	sld [smem:$0x3FAF]  }
0x2d: {  	s3 =	simm.s32 $0x108;
	s8 =	sld [smem:$0x3FB0]  }
0x2e: {  	s3 =	simm.s32 @!p0 $0x1082;
	s9 =	sld [smem:$0x3FB1]  }
0x2f: {  	lr =	sadd.s32 s0, s3;
	s0 =	sld [smem:$0x3FA8]  }
0x30: {  	s3 =	sld [smem:$0x3FAB]  }
0x31: {  	[smem:$0x3FB4] =	sst s10  }
0x32: {  	s10 =	sld [smem:$0x3FB2];
	_ =	sdelay $0x3  }
0x33: {  	p0 =	seq.s32 s10, $0x1;
	s10 =	sld [smem:$0x3FB4];
	_ =	sdelay $0x3  }
0x34: {  	[smem:$0x3FB4] =	sst s10  }
0x35: {  	s10 =	sld [smem:$0x3FB3];
	_ =	sdelay $0x3  }
0x36: {  	p1 =	seq.s32 s10, $0x1;
	s10 =	sld [smem:$0x3FB4];
	_ =	sdelay $0x3  }
0x37: {  	[smem:$0x3FB4] =	sst s10  }
0x38: {  	s10 =	sld [smem:$0x3FB5]  }
0x39: {  	_ = 	snop;
	(pc) =	sbr.ind lr, $3  }
0x3a: {  	_ = 	snop  }
0x3b: {  	_ = 	snop  }
0x3c: {  	p2 =	seq.s32 s10, $0x1;
	s10 =	sld [smem:$0x3FB4]  }
0x3d: {  	_ =	shalt  }
0x3e: {  	_ =	shalt  }
0x3f: {  	_ =	shalt  }
0x40: {  	_ =	shalt  }
0x41: {  	_ =	shalt  }
0x42: {  	_ =	shalt  }
0x43: {  	_ =	shalt  }
0x44: {  	_ =	shalt  }
0x45: {  	_ =	shalt  }
0x46: {  	_ =	shalt  }
0x47: {  	_ =	shalt  }
0x48: {  	_ =	shalt  }
0x49: {  	_ =	shalt  }
0x4a: {  	_ =	shalt  }
0x4b: {  	_ =	shalt  }
0x4c: {  	_ =	shalt  }
0x4d: {  	_ =	shalt  }
0x4e: {  	_ =	shalt  }
0x4f: {  	_ =	shalt  }
0x50: {  	_ =	shalt  }
0x51: {  	_ =	shalt  }
0x52: {  	_ =	shalt  }
0x53: {  	_ =	shalt  }
0x54: {  	_ =	shalt  }
0x55: {  	_ =	shalt  }
0x56: {  	_ =	shalt  }
0x57: {  	_ =	shalt  }
0x58: {  	_ =	shalt  }
0x59: {  	_ =	shalt  }
0x5a: {  	_ =	shalt  }
0x5b: {  	_ =	shalt  }
0x5c: {  	_ =	shalt  }
0x5d: {  	_ =	shalt  }
0x5e: {  	_ =	shalt  }
0x5f: {  	_ =	shalt  }
0x60: {  	_ =	shalt  }
0x61: {  	_ =	shalt  }
0x62: {  	_ =	shalt  }
0x63: {  	_ =	shalt  }
0x64: {  	_ =	shalt  }
0x65: {  	_ =	shalt  }
0x66: {  	_ =	shalt  }
0x67: {  	_ =	shalt  }
0x68: {  	_ =	shalt  }
0x69: {  	_ =	shalt  }
0x6a: {  	_ =	shalt  }
0x6b: {  	_ =	shalt  }
0x6c: {  	_ =	shalt  }
0x6d: {  	_ =	shalt  }
0x6e: {  	_ =	shalt  }
0x6f: {  	_ =	shalt  }
0x70: {  	_ =	shalt  }
0x71: {  	_ =	shalt  }
0x72: {  	_ =	shalt  }
0x73: {  	_ =	shalt  }
0x74: {  	_ =	shalt  }
0x75: {  	_ =	shalt  }
0x76: {  	_ =	shalt  }
0x77: {  	_ =	shalt  }
0x78: {  	_ =	shalt  }
0x79: {  	_ =	shalt  }
0x7a: {  	_ =	shalt  }
0x7b: {  	_ =	shalt  }
0x7c: {  	_ =	shalt  }
0x7d: {  	_ =	shalt  }
0x7e: {  	_ =	shalt  }
0x7f: {  	_ =	shalt  }
0x80: {  	_ =	shalt  }
0x81: {  	_ =	shalt  }
0x82: {  	_ =	shalt  }
0x83: {  	_ =	shalt  }
0x84: {  	_ =	shalt  }
0x85: {  	_ =	shalt  }
0x86: {  	_ =	shalt  }
0x87: {  	_ =	shalt  }
.Lfunc_end0:
.L_simem_size_0:
called_computation_lowered:
.L_overlay_start_0:
0x88: {  	s2 =	sld [smem:$0x3FD9]  }
0x89: {  	s3 =	sld [smem:$0x3FFE];
	_ =	sdelay $0x1  }
0x8a: {  	s1 =	srdreg.scid  }
0x8b: {  	s0 =	sand.u32 $0x1, s1  }
0x8c: {  	s17 =	sshll.u32 s0, $0xA;
	s2 =	sadd.s32 s3, s2  }
0x8d: {  	s2 =	sadd.s32 s2, s17  }
0x8e: {  	[smem:$0x3FC0] =	sst s2  }
0x8f: {  	_ = 	snop  }
0x90: {  	s2 =	sld [smem:$0x3FD0];
	(tm) =	ssettm $0x1  }
0x91: {  	s18 =	sld [smem:$0x3FFB];
	_ =	sdelay $0x3  }
0x92: {  	_ =	strace s18  }
0x93: {  	s3 =	sld [smem:$0x3FFC];
	_ =	sdelay $0x3  }
0x94: {  	_ =	strace s3  }
0x95: {  	s3 =	sld [smem:$0x3FFD];
	_ =	sdelay $0x3  }
0x96: {  	_ =	strace s3  }
0x97: {  	_ =	strace $0x8FFFFFFF  }
0x98: {  	s19 =	sld [smem:$0x3FDB];
	_ =	sdelay $0x1  }
0x99: {  	s4 =	simm.s32 $_scs_section_size  }
0x9a: {  	s5 =	simm.s32 $_size__tile_overlayer_lowered;
	s6 =	simm.s32 $_tile_overlayer_lowered  }
0x9b: {  	s22 =	simm.s32 $0x1BFF;
	s21 =	sshll.u32 s6, $0x1;
	s3 =	sadd.s32 s4, s19  }
0x9c: {  	s7 =	simm.s32 $0x0;
	s20 =	sshll.u32 s5, $0x1;
	s5 =	sadd.s32 s21, s3  }
0x9d: {  	[timem:s7], [sflag:s22] =	dma.local [hbm:s5], s20  }
0x9e: {  	_ =	swait.ge [sflag:s22], s20  }
0x9f: {  	s4 =	ssub.s32 $0x0, s20;
	[sflag:s22] =	ssyncset.done $0x0  }
0xa0: {  	[sflag:s22] =	ssyncadd.s32 s4;
	_ =	sdelay $0x1  }
0xa1: {  	s23 =	simm.s32 $0x1B8B  }
0xa2: {  	_ =	swait.ge [sflag:s23], $0x1  }
0xa3: {  	[sflag:s23] =	ssyncset.done $0x0  }
0xa4: {  	s25 =	simm.s32 $0x1B8E;
	s24 =	sld [smem:$0x3FFE];
	[sflag:s23] =	ssyncadd.s32 $0xFFFFFFFF  }
0xa5: {  	s26 =	simm.s32 $execute0_lowered;
	[smem:$0x3FD2] =	sst s25  }
0xa6: {  	s5 =	sshll.u32 s26, $0x1;
	_ =	strace $0x80000046;
	[dreg:$0x1] =	wrdreg $0xFFFFFFFF  }
0xa7: {  	s28 =	simm.s32 $_size_execute0_lowered;
	s3 =	sadd.s32 s3, s5;
	[dreg:$0x0] =	wrdreg $0x0  }
0xa8: {  	s5 =	sshll.u32 s28, $0x1;
	[dreg:$0x2] =	wrdreg s3  }
0xa9: {  	[dreg:$0x3] =	wrdreg s5  }
0xaa: {  	[dreg:$0x4] =	wrdreg $0xC0  }
0xab: {  	_ =	task [dreg:s7], $0x5FFFF  }
0xac: {  	[dreg:$0x1] =	wrdreg $0xFFFFFFFF  }
0xad: {  	[dreg:$0x0] =	wrdreg $0x60  }
0xae: {  	[dreg:$0x2] =	wrdreg s2  }
0xaf: {  	[dreg:$0x3] =	wrdreg s24  }
0xb0: {  	[dreg:$0x4] =	wrdreg $0x90000  }
0xb1: {  	[dreg:$0x5] =	wrdreg $0x9  }
0xb2: {  	_ =	task.clear_ibuf [dreg:s7], $0x6FFFF;
	_ =	strace $0x90000046  }
0xb3: {  	s29 =	simm.s32 $0x9;
	_ =	strace $0x80000048  }
0xb4: {  	_ =	swait.ge [sflag:s29], $0x1  }
0xb5: {  	[sflag:s29] =	ssyncadd.s32 $0xFFFFFFFF  }
0xb6: {  	_ =	strace $0x90000048  }
0xb7: {  	_ =	sfence  }
0xb8: {  	s30 =	sld [smem:$0x0];
	_ =	sdelay $0x2  }
0xb9: {  	s31 =	sshll.u32 s1, $0xD;
	s1 =	sshrl.u32 s1, $0x2  }
0xba: {  	s3 =	sand.u32 $0x4000, s31;
	s1 =	sadd.s32 s1, s30  }
0xbb: {  	s0 =	sor.u32 s3, s0;
	s1 =	sshll.u32 s1, $0x11  }
0xbc: {  	s0 =	sor.u32 s1, s0  }
0xbd: {  	s0 =	sadd.s32 $0x8F2B, s0  }
0xbe: {  	[sflag:s0] =	ssyncadd.remote.s32 $0x1  }
0xbf: {  	_ =	sfence.sel $0xFFFF  }
0xc0: {  	[dreg:$0x0] =	wrdreg $0xFFFFFFFF;
	(pc) =	sbr.abs _section_cstart, $3  }
0xc1: {  	[dreg:$0x1] =	wrdreg $0xFFFFFFFF  }
0xc2: {  	_ =	task.clear_ibuf [dreg:s7], $0x2FFFF;
	_ =	strace $0x9FFFFFFF  }
0xc3: {  	(tm) =	ssettm $0x7FFFFFFF  }
tec
execute0_lowered:
.L_overlay_start_1:
0x0: {  	(tag) =	ssettag $0x1  }
0x1: {  	s7 =	rddreg [dreg:$0x0]  }
0x2: {  	s8 =	rddreg [dreg:$0x1]  }
0x3: {  	s0 =	srdreg.scid;
	s2 =	rddreg [dreg:$0x2]  }
0x4: {  	s3 =	simm.s32 $0x0;
	s16 =	simm.s32 $0x80;
	s17 =	simm.s32 $0x0  }
0x5: {  	s6 =	sand.u32 $0x1, s0;
	s0 =	stileid.u32;
	[smem:$0x7FF] =	sst s3  }
0x6: {  	s4 =	sadd.s32 $0xD800, s8;
	s5 =	sadd.s32 $0xD000, s8;
	s10 =	smul.u32 $0x140000, s6  }
0x7: {  	s1 =	sshll.u32 s6, $0x4;
	s11 =	smul.u32 $0x14000, s0;
	s29 =	ssub.s32 $0x2, s6  }
0x8: {  	s13 =	smul.u32 $0x50000, s0;
	s6 =	sadd.s32 $0xC800, s8;
	s14 =	sshll.u32 s0, $0x6  }
0x9: {  	s1 =	sor.u32 s0, s1;
	s30 =	sshrl.u32 s29, $0x1;
	s14 =	sor.u32 $0x1C01, s14  }
0xa: {  	s9 =	smul.u32 $0x500, s1;
	s1 =	rddreg [dreg:$0x3];
	_ =	strace $0x80000047  }
0xb: {  	s10 =	sadd.s32 s11, s10;
	s11 =	ssub.s32 s29, s30;
	s31 =	sshrl.u32 s13, $0x2  }
0xc: {  	s13 =	simm.s32 $0x5000;
	s10 =	sshrl.u32 s10, $0x3;
	s15 =	sadd.s32 s31, s2  }
0xd: {  	s12 =	sadd.s32 s9, s8;
	s10 =	sadd.s32 s10, s8;
	s7 =	sadd.s32 s7, s9  }
0xe: {  	s15 =	sshrl.u32 s15, $0x3;
	s8 =	sadd.s32 $0x2800, s12;
	s9 =	sadd.s32 $0x10000, s10  }
0xf: {  	s10 =	smax.u32 s11, $0x1;
	s11 =	simm.s32 $0x1;
	s12 =	simm.s32 $0x2800  }
.LBB2_1:
0x10: {  	[tilespmem:s3], [sflag:$0x1] =	stream.linear.gather [hbm4b:s7+s3], $0x2800, $0x38;
	[tilespmem:$0x1D000] =	vst v63  }
0x11: {  	_ =	swait.ge [sflag:s11], $0x2800  }
0x12: {  	[sflag:s11] =	ssyncset.done $0x0  }
0x13: {  	[sflag:s11] =	ssyncadd.s32 $0xFFFFD800  }
0x14: {  	[tilespmem:s12], [sflag:$0x1] =	stream.linear.gather [hbm4b:s8+s3], $0x2800, $0x38;
	[tilespmem:$0x1D000] =	vst v63  }
0x15: {  	_ =	swait.ge [sflag:s11], $0x2800  }
0x16: {  	[sflag:s11] =	ssyncset.done $0x0  }
0x17: {  	[sflag:s11] =	ssyncadd.s32 $0xFFFFD800  }
0x18: {  	[tilespmem:s13], [sflag:$0x1] =	stream.linear.gather [hbm4b:s5+s3], $0x4000, $0x38;
	[tilespmem:$0x1D000] =	vst v63  }
0x19: {  	_ =	swait.ge [sflag:s11], $0x4000  }
0x1a: {  	[sflag:s11] =	ssyncset.done $0x0  }
0x1b: {  	[sflag:s11] =	ssyncadd.s32 $0xFFFFC000  }
0x1c: {  	[spmem:s15], [sflag:s14] =	dma.local [hbm:s4], $0x2800  }
0x1d: {  	_ =	swait.ge [sflag:s11], $0x2800  }
0x1e: {  	[sflag:s11] =	ssyncset.done $0x0  }
0x1f: {  	[sflag:s11] =	ssyncadd.s32 $0xFFFFD800  }
0x20: {  	s18 =	simm.s32 $0x0;
	[bflag:$0x0] =	sbarrier.arrive $0xFFFF  }
0x21: {  	[spmem:s2] =	stream.indirect.scatter.add.f32 [tilespmem:s13], [sflag:$0x1], $0x80, s18, s16, $0xb8;
	[tilespmem:$0x1D000] =	vst v63  }
0x22: {  	_ =	swait.ge [sflag:s11], $0x4000  }
0x23: {  	s18 =	simm.s32 $0x200;
	[sflag:s11] =	ssyncset.done $0x0  }
.LBB2_2:
0x24: {  	s19 =	sshra.s32 s18, $0x2;
	[sflag:s11] =	ssyncadd.s32 $0xFFFFC000;
	p0 =	sne.s32 s18, $0x9E00  }
0x25: {  	[spmem:s2] =	stream.indirect.scatter.add.f32 [tilespmem:s13], [sflag:$0x1], $0x80, s19, s16, $0xb8;
	[tilespmem:$0x1D000] =	vst v63  }
.Ltmp0:
0x26: {  	_ = 	snop;
	(pc) =	sbr.rel @p0 .LBB2_2-.Ltmp0, $4  }
0x27: {  	_ = 	snop  }
0x28: {  	s18 =	sadd.s32 $0x200, s18  }
0x29: {  	_ =	swait.ge [sflag:s11], $0x4000  }
0x2a: {  	[sflag:s11] =	ssyncset.done $0x0  }
0x2b: {  	[sflag:s11] =	ssyncadd.s32 $0xFFFFC000;
	s18 =	simm.s32 $0x0  }
0x2c: {  	[tilespmem:s13], [sflag:$0x1] =	stream.linear.gather [hbm4b:s6+s18], $0x4000, $0x38;
	[tilespmem:$0x1D000] =	vst v63  }
0x2d: {  	_ =	swait.ge [sflag:s11], $0x4000  }
0x2e: {  	[sflag:s11] =	ssyncset.done $0x0  }
0x2f: {  	s31 =	simm.s32 $0x2800;
	[sflag:s11] =	ssyncadd.s32 $0xFFFFC000  }
0x30: {  	[spmem:s2] =	stream.indirect.scatter.add.f32 [tilespmem:s13], [sflag:$0x1], $0x80, s31, s16, $0xb8;
	[tilespmem:$0x1D000] =	vst v63  }
0x31: {  	s18 =	simm.s32 $0x200;
	_ =	swait.ge [sflag:s11], $0x4000  }
.LBB2_4:
0x32: {  	s19 =	sshra.s32 s18, $0x2;
	[sflag:s11] =	ssyncset.done $0x0;
	p0 =	sne.s32 s18, $0x9E00  }
.Ltmp1:
0x33: {  	s19 =	sadd.s32 $0x2800, s19;
	[sflag:s11] =	ssyncadd.s32 $0xFFFFC000;
	(pc) =	sbr.rel @p0 .LBB2_4-.Ltmp1, $3  }
0x34: {  	[spmem:s2] =	stream.indirect.scatter.add.f32 [tilespmem:s13], [sflag:$0x1], $0x80, s19, s16, $0xb8;
	[tilespmem:$0x1D000] =	vst v63  }
0x35: {  	s18 =	sadd.s32 $0x200, s18;
	_ =	sdelay $0x1  }
0x36: {  	_ =	swait.ge [sflag:s11], $0x4000  }
0x37: {  	[sflag:s11] =	ssyncset.done $0x0;
	s17 =	sadd.s32 $0x1, s17  }
0x38: {  	[sflag:s11] =	ssyncadd.s32 $0xFFFFC000;
	p0 =	sne.s32 s17, s10  }
.Ltmp2:
0x39: {  	[bflag:$0x0] =	sbarrier.arrive $0xFFFF;
	(pc) =	sbr.rel @p0 .LBB2_1-.Ltmp2, $4  }
0x3a: {  	[hbm:s9], [sflag:s14] =	dma.local [spmem:s15], $0x2800  }
0x3b: {  	_ =	swait.ge [sflag:s11], $0x2800  }
0x3c: {  	[sflag:s11] =	ssyncset.done $0x0  }
0x3d: {  	[sflag:s11] =	ssyncadd.s32 $0xFFFFD800  }
0x3e: {  	_ =	sfence.sel $0x180000  }
0x3f: {  	[bflag:$0x0] =	sbarrier.arrive $0xFFFF  }
0x40: {  	p0 =	sne.s32 s0, $0x0;
	_ =	strace $0x90000047  }
0x41: {  	s0 =	sadd.s32 @!p0 $0x100000, s1;
	[bflag:$0x2] =	sbarrier.arrive $0xFFFF  }
0x42: {  	[sflag:s0] =	ssyncadd.tile.s32 @!p0 $0x1;
	_ =	shalt  }
.Lfunc_end2:
_tile_overlayer_lowered:
.L_overlay_start_2:
0x43: {  	(tag) =	ssettag $0x2  }
0x44: {  	s0 =	rddreg [dreg:$0x0];
	s2 =	stileid.u32  }
0x45: {  	s1 =	rddreg [dreg:$0x1];
	p0 =	sne.s32 s2, $0x0  }
0x46: {  	s3 =	rddreg [dreg:$0x2];
	[bflag:$0x3] =	sbarrier.arrive $0xFFFF;
	s2 =	simm.s32 @!p0 $0x1C01  }
0x47: {  	[timem:s3], [sflag:s2] =	dma.local @!p0 [hbm:s0], s1  }
0x48: {  	s0 =	simm.s32 @!p0 $0x1  }
0x49: {  	_ =	swait.ge @!p0 [sflag:s0], s1  }
0x4a: {  	s1 =	ssub.s32 @!p0 $0x0, s1;
	[sflag:s0] =	ssyncset.done @!p0 $0x0  }
0x4b: {  	[sflag:s0] =	ssyncadd.s32 @!p0 s1  }
0x4c: {  	[bflag:$0x3] =	sbarrier.arrive $0xFFFF  }
0x4d: {  	_ =	shalt  }

// kernel: kernel.13.cloned.1.call-start
scs
__scs_entry_jumppad:
0x0: {  	(pc) =	sbr.rel $0x88, $3  }
0x1: {  	(tag) =	ssettag $0x0;
	lr =	simm.s32 $0x1  }
0x2: {  	[smem:$0x3F99] =	sst lr;
	_ =	strace $0xD0000000  }
0x3: {  	_ = 	snop  }
0x4: {  	_ = 	snop  }
0x5: {  	_ = 	snop  }
0x6: {  	_ = 	snop  }
0x7: {  	_ = 	snop  }
__scs_overlays_trampoline_lowered:
0x8: {  	[smem:$0x3FA8] =	sst s0  }
0x9: {  	[smem:$0x3FA9] =	sst s1  }
0xa: {  	[smem:$0x3FAA] =	sst s2  }
0xb: {  	[smem:$0x3FAB] =	sst s3  }
0xc: {  	[smem:$0x3FAC] =	sst s4  }
0xd: {  	[smem:$0x3FAD] =	sst s5  }
0xe: {  	[smem:$0x3FAE] =	sst s6  }
0xf: {  	[smem:$0x3FAF] =	sst s7  }
0x10: {  	[smem:$0x3FB0] =	sst s8  }
0x11: {  	[smem:$0x3FB1] =	sst s9;
	s0 =	simm.s32 @!p0 $0x0  }
0x12: {  	s1 =	sld [smem:$0x3F97];
	s0 =	simm.s32 @p0 $0x1  }
0x13: {  	[smem:$0x3FB2] =	sst s0;
	s0 =	simm.s32 @!p1 $0x0  }
0x14: {  	s2 =	sld [smem:$0x3F96];
	s0 =	simm.s32 @p1 $0x1  }
0x15: {  	[smem:$0x3FB3] =	sst s0;
	s0 =	simm.s32 @!p2 $0x0  }
0x16: {  	s3 =	sld [smem:$0x3FDB];
	s0 =	simm.s32 @p2 $0x1  }
0x17: {  	s4 =	simm.s32 $0x1BF5;
	[smem:$0x3FB5] =	sst s0  }
0x18: {  	s0 =	sld [smem:$0x3F98];
	_ =	swait.ge [sflag:s4], $0x0  }
0x19: {  	s7 =	sld [smem:$0x3F99]  }
0x1a: {  	s8 =	sadd.s32 $0xFFFFE003, lr  }
0x1b: {  	s9 =	sadd.s32 $0xFFFFFEF7, lr;
	s5 =	simm.s32 $0xFFFFFFFF;
	p2 =	slt.u32 s8, $0xFFFFF086  }
0x1c: {  	p1 =	slt.u32 s9, $0xF7A;
	s5 =	simm.s32 @!p2 $0x0  }
0x1d: {  	s5 =	simm.s32 @p1 $0x1;
	p0 =	seq.s32 s7, s2  }
0x1e: {  	s7 =	smul.u32 @!p0 $0xF7A, s2;
	p2 =	seq.s32 @!p0 s5, $0x0  }
0x1f: {  	s9 =	smul.u32 $0xF7A, s1;
	s8 =	simm.s32 @!p0 $0x1BF5;
	p2 =	por !p2, p0  }
0x20: {  	[sflag:s8] =	ssyncset.s32 @!p0 $0xFFFFF086;
	s6 =	sadd.s32 @!p0 s3, s7;
	s7 =	simm.s32 @!p0 $0x108  }
0x21: {  	s3 =	sadd.s32 s3, s9;
	s6 =	sadd.s32 @!p0 $0x88, s6;
	s7 =	simm.s32 @p2 $0x1082  }
0x22: {  	[simem:s7], [sflag:s8] =	dma.local @!p0 [hbm:s6], $0xF7A  }
0x23: {  	s9 =	sor.u32 $0xD0000000, s2;
	s6 =	simm.s32 $0x108;
	_ =	swait.ge @!p0 [sflag:s8], $0x0  }
0x24: {  	s3 =	sadd.s32 $0x88, s3;
	s6 =	simm.s32 @!p1 $0x1082;
	[sflag:s4] =	ssyncset.s32 $0xFFFFF086  }
0x25: {  	[simem:s6], [sflag:s4] =	dma.local [hbm:s3], $0xF7A  }
0x26: {  	[smem:$0x3F99] =	sst s1;
	(tag) =	ssettag s2;
	_ =	strace s9  }
0x27: {  	s1 =	sld [smem:$0x3FA9]  }
0x28: {  	s2 =	sld [smem:$0x3FAA]  }
0x29: {  	s4 =	sld [smem:$0x3FAC]  }
0x2a: {  	p0 =	seq.s32 s5, $0x0;
	s5 =	sld [smem:$0x3FAD]  }
0x2b: {  	s6 =	sld [smem:$0x3FAE]  }
0x2c: {  	s7 =	sld [smem:$0x3FAF]  }
0x2d: {  	s3 =	simm.s32 $0x108;
	s8 =	sld [smem:$0x3FB0]  }
0x2e: {  	s3 =	simm.s32 @!p0 $0x1082;
	s9 =	sld [smem:$0x3FB1]  }
0x2f: {  	lr =	sadd.s32 s0, s3;
	s0 =	sld [smem:$0x3FA8]  }
0x30: {  	s3 =	sld [smem:$0x3FAB]  }
0x31: {  	[smem:$0x3FB4] =	sst s10  }
0x32: {  	s10 =	sld [smem:$0x3FB2];
	_ =	sdelay $0x3  }
0x33: {  	p0 =	seq.s32 s10, $0x1;
	s10 =	sld [smem:$0x3FB4];
	_ =	sdelay $0x3  }
0x34: {  	[smem:$0x3FB4] =	sst s10  }
0x35: {  	s10 =	sld [smem:$0x3FB3];
	_ =	sdelay $0x3  }
0x36: {  	p1 =	seq.s32 s10, $0x1;
	s10 =	sld [smem:$0x3FB4];
	_ =	sdelay $0x3  }
0x37: {  	[smem:$0x3FB4] =	sst s10  }
0x38: {  	s10 =	sld [smem:$0x3FB5]  }
0x39: {  	_ = 	snop;
	(pc) =	sbr.ind lr, $3  }
0x3a: {  	_ = 	snop  }
0x3b: {  	_ = 	snop  }
0x3c: {  	p2 =	seq.s32 s10, $0x1;
	s10 =	sld [smem:$0x3FB4]  }
0x3d: {  	_ =	shalt  }
0x3e: {  	_ =	shalt  }
0x3f: {  	_ =	shalt  }
0x40: {  	_ =	shalt  }
0x41: {  	_ =	shalt  }
0x42: {  	_ =	shalt  }
0x43: {  	_ =	shalt  }
0x44: {  	_ =	shalt  }
0x45: {  	_ =	shalt  }
0x46: {  	_ =	shalt  }
0x47: {  	_ =	shalt  }
0x48: {  	_ =	shalt  }
0x49: {  	_ =	shalt  }
0x4a: {  	_ =	shalt  }
0x4b: {  	_ =	shalt  }
0x4c: {  	_ =	shalt  }
0x4d: {  	_ =	shalt  }
0x4e: {  	_ =	shalt  }
0x4f: {  	_ =	shalt  }
0x50: {  	_ =	shalt  }
0x51: {  	_ =	shalt  }
0x52: {  	_ =	shalt  }
0x53: {  	_ =	shalt  }
0x54: {  	_ =	shalt  }
0x55: {  	_ =	shalt  }
0x56: {  	_ =	shalt  }
0x57: {  	_ =	shalt  }
0x58: {  	_ =	shalt  }
0x59: {  	_ =	shalt  }
0x5a: {  	_ =	shalt  }
0x5b: {  	_ =	shalt  }
0x5c: {  	_ =	shalt  }
0x5d: {  	_ =	shalt  }
0x5e: {  	_ =	shalt  }
0x5f: {  	_ =	shalt  }
0x60: {  	_ =	shalt  }
0x61: {  	_ =	shalt  }
0x62: {  	_ =	shalt  }
0x63: {  	_ =	shalt  }
0x64: {  	_ =	shalt  }
0x65: {  	_ =	shalt  }
0x66: {  	_ =	shalt  }
0x67: {  	_ =	shalt  }
0x68: {  	_ =	shalt  }
0x69: {  	_ =	shalt  }
0x6a: {  	_ =	shalt  }
0x6b: {  	_ =	shalt  }
0x6c: {  	_ =	shalt  }
0x6d: {  	_ =	shalt  }
0x6e: {  	_ =	shalt  }
0x6f: {  	_ =	shalt  }
0x70: {  	_ =	shalt  }
0x71: {  	_ =	shalt  }
0x72: {  	_ =	shalt  }
0x73: {  	_ =	shalt  }
0x74: {  	_ =	shalt  }
0x75: {  	_ =	shalt  }
0x76: {  	_ =	shalt  }
0x77: {  	_ =	shalt  }
0x78: {  	_ =	shalt  }
0x79: {  	_ =	shalt  }
0x7a: {  	_ =	shalt  }
0x7b: {  	_ =	shalt  }
0x7c: {  	_ =	shalt  }
0x7d: {  	_ =	shalt  }
0x7e: {  	_ =	shalt  }
0x7f: {  	_ =	shalt  }
0x80: {  	_ =	shalt  }
0x81: {  	_ =	shalt  }
0x82: {  	_ =	shalt  }
0x83: {  	_ =	shalt  }
0x84: {  	_ =	shalt  }
0x85: {  	_ =	shalt  }
0x86: {  	_ =	shalt  }
0x87: {  	_ =	shalt  }
.Lfunc_end0:
.L_simem_size_0:
called_computation.1_lowered:
.L_overlay_start_0:
0x88: {  	s2 =	sld [smem:$0x3FD9]  }
0x89: {  	s3 =	sld [smem:$0x3FFE];
	_ =	sdelay $0x1  }
0x8a: {  	s1 =	srdreg.scid  }
0x8b: {  	s0 =	sand.u32 $0x1, s1  }
0x8c: {  	s17 =	sshll.u32 s0, $0xA;
	s2 =	sadd.s32 s3, s2  }
0x8d: {  	s2 =	sadd.s32 s2, s17  }
0x8e: {  	[smem:$0x3FC0] =	sst s2  }
0x8f: {  	_ = 	snop  }
0x90: {  	s2 =	sld [smem:$0x3FD0];
	(tm) =	ssettm $0x1  }
0x91: {  	s18 =	sld [smem:$0x3FFB];
	_ =	sdelay $0x3  }
0x92: {  	_ =	strace s18  }
0x93: {  	s3 =	sld [smem:$0x3FFC];
	_ =	sdelay $0x3  }
0x94: {  	_ =	strace s3  }
0x95: {  	s3 =	sld [smem:$0x3FFD];
	_ =	sdelay $0x3  }
0x96: {  	_ =	strace s3  }
0x97: {  	_ =	strace $0x8FFFFFFF  }
0x98: {  	s19 =	sld [smem:$0x3FDB];
	_ =	sdelay $0x1  }
0x99: {  	s4 =	simm.s32 $_scs_section_size  }
0x9a: {  	s5 =	simm.s32 $_size__tile_overlayer_lowered;
	s6 =	simm.s32 $_tile_overlayer_lowered  }
0x9b: {  	s22 =	simm.s32 $0x1BFF;
	s21 =	sshll.u32 s6, $0x1;
	s3 =	sadd.s32 s4, s19  }
0x9c: {  	s7 =	simm.s32 $0x0;
	s20 =	sshll.u32 s5, $0x1;
	s5 =	sadd.s32 s21, s3  }
0x9d: {  	[timem:s7], [sflag:s22] =	dma.local [hbm:s5], s20  }
0x9e: {  	_ =	swait.ge [sflag:s22], s20  }
0x9f: {  	s4 =	ssub.s32 $0x0, s20;
	[sflag:s22] =	ssyncset.done $0x0  }
0xa0: {  	[sflag:s22] =	ssyncadd.s32 s4;
	_ =	sdelay $0x1  }
0xa1: {  	s23 =	simm.s32 $0x1B8B  }
0xa2: {  	_ =	swait.ge [sflag:s23], $0x1  }
0xa3: {  	[sflag:s23] =	ssyncset.done $0x0  }
0xa4: {  	s25 =	simm.s32 $0x1B8E;
	s24 =	sld [smem:$0x3FFE];
	[sflag:s23] =	ssyncadd.s32 $0xFFFFFFFF  }
0xa5: {  	s26 =	simm.s32 $execute0_lowered;
	[smem:$0x3FD2] =	sst s25  }
0xa6: {  	s5 =	sshll.u32 s26, $0x1;
	_ =	strace $0x80000049;
	[dreg:$0x1] =	wrdreg $0xFFFFFFFF  }
0xa7: {  	s28 =	simm.s32 $_size_execute0_lowered;
	s3 =	sadd.s32 s3, s5;
	[dreg:$0x0] =	wrdreg $0x0  }
0xa8: {  	s5 =	sshll.u32 s28, $0x1;
	[dreg:$0x2] =	wrdreg s3  }
0xa9: {  	[dreg:$0x3] =	wrdreg s5  }
0xaa: {  	[dreg:$0x4] =	wrdreg $0xC0  }
0xab: {  	_ =	task [dreg:s7], $0x5FFFF  }
0xac: {  	[dreg:$0x1] =	wrdreg $0xFFFFFFFF  }
0xad: {  	[dreg:$0x0] =	wrdreg $0x60  }
0xae: {  	[dreg:$0x2] =	wrdreg s24  }
0xaf: {  	[dreg:$0x3] =	wrdreg s2  }
0xb0: {  	[dreg:$0x4] =	wrdreg $0xA8000  }
0xb1: {  	[dreg:$0x5] =	wrdreg $0x9  }
0xb2: {  	_ =	task.clear_ibuf [dreg:s7], $0x6FFFF;
	_ =	strace $0x90000049  }
0xb3: {  	s29 =	simm.s32 $0x9;
	_ =	strace $0x8000004B  }
0xb4: {  	_ =	swait.ge [sflag:s29], $0x1  }
0xb5: {  	[sflag:s29] =	ssyncadd.s32 $0xFFFFFFFF  }
0xb6: {  	_ =	strace $0x9000004B  }
0xb7: {  	_ =	sfence  }
0xb8: {  	s30 =	sld [smem:$0x0];
	_ =	sdelay $0x2  }
0xb9: {  	s31 =	sshll.u32 s1, $0xD;
	s1 =	sshrl.u32 s1, $0x2  }
0xba: {  	s3 =	sand.u32 $0x4000, s31;
	s1 =	sadd.s32 s1, s30  }
0xbb: {  	s0 =	sor.u32 s3, s0;
	s1 =	sshll.u32 s1, $0x11  }
0xbc: {  	s0 =	sor.u32 s1, s0  }
0xbd: {  	s0 =	sadd.s32 $0x8F2B, s0  }
0xbe: {  	[sflag:s0] =	ssyncadd.remote.s32 $0x1  }
0xbf: {  	_ =	sfence.sel $0xFFFF  }
0xc0: {  	[dreg:$0x0] =	wrdreg $0xFFFFFFFF;
	(pc) =	sbr.abs _section_cstart, $3  }
0xc1: {  	[dreg:$0x1] =	wrdreg $0xFFFFFFFF  }
0xc2: {  	_ =	task.clear_ibuf [dreg:s7], $0x2FFFF;
	_ =	strace $0x9FFFFFFF  }
0xc3: {  	(tm) =	ssettm $0x7FFFFFFF  }
tec
execute0_lowered:
.L_overlay_start_1:
0x0: {  	(tag) =	ssettag $0x1  }
0x1: {  	s6 =	rddreg [dreg:$0x0]  }
0x2: {  	s9 =	rddreg [dreg:$0x1]  }
0x3: {  	s1 =	rddreg [dreg:$0x2]  }
0x4: {  	s2 =	srdreg.scid;
	s0 =	rddreg [dreg:$0x3]  }
0x5: {  	s3 =	simm.s32 $0x0;
	s16 =	simm.s32 $0x80;
	s17 =	simm.s32 $0x2800  }
0x6: {  	s18 =	simm.s32 $0x6800;
	s19 =	simm.s32 $0x1;
	s20 =	simm.s32 $0x2  }
0x7: {  	s21 =	simm.s32 $0x1380;
	s22 =	simm.s32 $0x2700;
	s23 =	simm.s32 $0x2780  }
0x8: {  	s24 =	simm.s32 $0x0;
	s7 =	sand.u32 $0x1, s2;
	s2 =	stileid.u32  }
0x9: {  	[smem:$0x7FF] =	sst s3;
	s4 =	sadd.s32 $0x10000, s6;
	s8 =	smul.u32 $0x140000, s7  }
0xa: {  	s11 =	sadd.s32 $0x2800, s6;
	s5 =	sadd.s32 $0xD800, s6;
	s10 =	smul.u32 $0x14000, s2  }
0xb: {  	_ =	strace $0x8000004A;
	s25 =	sshll.u32 s7, $0x4;
	s7 =	ssub.s32 $0x2, s7  }
0xc: {  	s12 =	smul.u32 $0x50000, s2;
	s28 =	sshll.u32 s2, $0x6;
	s13 =	sshrl.u32 s7, $0x1  }
0xd: {  	s8 =	sadd.s32 s10, s8;
	s10 =	sor.u32 s2, s25;
	s13 =	ssub.s32 s7, s13  }
0xe: {  	s26 =	sshrl.u32 s12, $0x2;
	s8 =	sshrl.u32 s8, $0x3;
	s14 =	smul.u32 $0x2800, s10  }
0xf: {  	s29 =	smul.u32 $0x500, s10;
	s31 =	sadd.s32 s26, s1;
	s12 =	smax.u32 s13, $0x1  }
0x10: {  	s15 =	sadd.s32 s8, s6;
	s6 =	sor.u32 $0x1C03, s28;
	s30 =	sshrl.u32 s14, $0x3  }
0x11: {  	s13 =	sshrl.u32 s31, $0x3;
	s7 =	sadd.s32 s9, s29;
	s10 =	sadd.s32 $0x280, s30  }
0x12: {  	s8 =	sadd.s32 s11, s29;
	s14 =	simm.s32 $0x3;
	s9 =	sadd.s32 s9, s10  }
0x13: {  	s10 =	sadd.s32 s11, s10;
	s11 =	sadd.s32 $0x38000, s15;
	s15 =	simm.s32 $0x1400  }
.LBB2_1:
0x14: {  	[spmem:s13], [sflag:s6] =	dma.local [hbm:s5], $0x2800  }
0x15: {  	_ =	swait.ge [sflag:s14], $0x2800  }
0x16: {  	[sflag:s14] =	ssyncset.done $0x0  }
0x17: {  	[sflag:s14] =	ssyncadd.s32 $0xFFFFD800  }
0x18: {  	[bflag:$0x0] =	sbarrier.arrive $0xFFFF  }
0x19: {  	[tilespmem:s3], [sflag:$0x3] =	stream.linear.gather [hbm4b:s7+s3], $0x1400, $0x38;
	[tilespmem:$0x1E800] =	vst v63  }
0x1a: {  	_ =	swait.ge [sflag:s14], $0x1400  }
0x1b: {  	[sflag:s14] =	ssyncset.done $0x0  }
0x1c: {  	[sflag:s14] =	ssyncadd.s32 $0xFFFFEC00  }
0x1d: {  	[tilespmem:s15], [sflag:$0x3] =	stream.linear.gather [hbm4b:s8+s3], $0x1400, $0x38;
	[tilespmem:$0x1E800] =	vst v63  }
0x1e: {  	_ =	swait.ge [sflag:s14], $0x1400  }
0x1f: {  	[sflag:s14] =	ssyncset.done $0x0  }
0x20: {  	[sflag:s14] =	ssyncadd.s32 $0xFFFFEC00  }
0x21: {  	[tilespmem:s17], [sflag:$0x1] =	stream.indirect.gather [hbm4b:s4+s16], $0x80, s3, s16, $0xb8;
	[tilespmem:$0x1E800] =	vst v63  }
0x22: {  	s25 =	simm.s32 $0x80  }
0x23: {  	[tilespmem:s18], [sflag:$0x2] =	stream.indirect.gather [hbm4b:s4+s16], $0x80, s25, s16, $0xb8;
	[tilespmem:$0x1E800] =	vst v63  }
0x24: {  	_ =	swait.ge [sflag:s19], $0x4000  }
0x25: {  	[sflag:s19] =	ssyncset.done $0x0  }
0x26: {  	s29 =	simm.s32 $0x1400;
	[sflag:s19] =	ssyncadd.s32 $0xFFFFC000  }
0x27: {  	[spmem:s1] =	stream.indirect.scatter.add.f32 [tilespmem:s17], [sflag:$0x3], $0x80, s29, s16, $0xb8;
	[tilespmem:$0x1E800] =	vst v63  }
0x28: {  	_ =	swait.ge [sflag:s14], $0x4000  }
0x29: {  	[sflag:s14] =	ssyncset.done $0x0  }
0x2a: {  	s30 =	simm.s32 $0x100;
	[sflag:s14] =	ssyncadd.s32 $0xFFFFC000  }
0x2b: {  	[tilespmem:s17], [sflag:$0x1] =	stream.indirect.gather [hbm4b:s4+s16], $0x80, s30, s16, $0xb8;
	[tilespmem:$0x1E800] =	vst v63  }
0x2c: {  	_ =	swait.ge [sflag:s20], $0x4000  }
0x2d: {  	[sflag:s20] =	ssyncset.done $0x0  }
0x2e: {  	s31 =	simm.s32 $0x1480;
	[sflag:s20] =	ssyncadd.s32 $0xFFFFC000  }
0x2f: {  	[spmem:s1] =	stream.indirect.scatter.add.f32 [tilespmem:s18], [sflag:$0x3], $0x80, s31, s16, $0xb8;
	[tilespmem:$0x1E800] =	vst v63  }
0x30: {  	_ =	swait.ge [sflag:s14], $0x4000  }
0x31: {  	s26 =	simm.s32 $0x800;
	s25 =	simm.s32 $0x100;
	[sflag:s14] =	ssyncset.done $0x0  }
.LBB2_2:
0x32: {  	s28 =	sadd.s32 $0x80, s25  }
0x33: {  	[sflag:s14] =	ssyncadd.s32 $0xFFFFC000;
	s29 =	smov.u32 s26;
	s30 =	sadd.s32 $0x400, s26  }
0x34: {  	[tilespmem:s18], [sflag:$0x2] =	stream.indirect.gather [hbm4b:s4+s16], $0x80, s28, s16, $0xb8;
	[tilespmem:$0x1E800] =	vst v63  }
0x35: {  	p0 =	sne.s32 s26, $0x4800;
	_ =	swait.ge [sflag:s19], $0x4000  }
0x36: {  	[sflag:s19] =	ssyncset.done $0x0  }
0x37: {  	s26 =	sadd.s32 $0x1400, s25;
	[sflag:s19] =	ssyncadd.s32 $0xFFFFC000  }
0x38: {  	[spmem:s1] =	stream.indirect.scatter.add.f32 [tilespmem:s17], [sflag:$0x3], $0x80, s26, s16, $0xb8;
	[tilespmem:$0x1E800] =	vst v63  }
0x39: {  	_ =	swait.ge [sflag:s14], $0x4000  }
0x3a: {  	[sflag:s14] =	ssyncset.done $0x0  }
0x3b: {  	s26 =	sadd.s32 $0x100, s25;
	[sflag:s14] =	ssyncadd.s32 $0xFFFFC000  }
0x3c: {  	[tilespmem:s17], [sflag:$0x1] =	stream.indirect.gather [hbm4b:s4+s16], $0x80, s26, s16, $0xb8;
	[tilespmem:$0x1E800] =	vst v63  }
0x3d: {  	_ =	swait.ge [sflag:s20], $0x4000  }
.Ltmp0:
0x3e: {  	[sflag:s20] =	ssyncset.done $0x0;
	(pc) =	sbr.rel @p0 .LBB2_2-.Ltmp0, $4  }
0x3f: {  	s25 =	sadd.s32 $0x1480, s25;
	[sflag:s20] =	ssyncadd.s32 $0xFFFFC000  }
0x40: {  	[spmem:s1] =	stream.indirect.scatter.add.f32 [tilespmem:s18], [sflag:$0x3], $0x80, s25, s16, $0xb8;
	[tilespmem:$0x1E800] =	vst v63  }
0x41: {  	_ =	swait.ge [sflag:s14], $0x4000  }
0x42: {  	s26 =	smov.u32 s30;
	s25 =	sshra.s32 s29, $0x2;
	[sflag:s14] =	ssyncset.done $0x0  }
0x43: {  	s26 =	sadd.s32 $0x80, s25;
	[sflag:s14] =	ssyncadd.s32 $0xFFFFC000  }
0x44: {  	[tilespmem:s18], [sflag:$0x2] =	stream.indirect.gather [hbm4b:s4+s16], $0x80, s26, s16, $0xb8;
	[tilespmem:$0x1E800] =	vst v63  }
0x45: {  	_ =	swait.ge [sflag:s19], $0x4000  }
0x46: {  	[sflag:s19] =	ssyncset.done $0x0  }
0x47: {  	s29 =	sadd.s32 $0x1400, s25;
	[sflag:s19] =	ssyncadd.s32 $0xFFFFC000  }
0x48: {  	[spmem:s1] =	stream.indirect.scatter.add.f32 [tilespmem:s17], [sflag:$0x3], $0x80, s29, s16, $0xb8;
	[tilespmem:$0x1E800] =	vst v63  }
0x49: {  	_ =	swait.ge [sflag:s14], $0x4000  }
0x4a: {  	[sflag:s14] =	ssyncset.done $0x0  }
0x4b: {  	s30 =	sadd.s32 $0x100, s25;
	[sflag:s14] =	ssyncadd.s32 $0xFFFFC000  }
0x4c: {  	[tilespmem:s17], [sflag:$0x1] =	stream.indirect.gather [hbm4b:s4+s16], $0x80, s30, s16, $0xb8;
	[tilespmem:$0x1E800] =	vst v63  }
0x4d: {  	_ =	swait.ge [sflag:s20], $0x4000  }
0x4e: {  	[sflag:s20] =	ssyncset.done $0x0  }
0x4f: {  	s31 =	sadd.s32 $0x1480, s25;
	[sflag:s20] =	ssyncadd.s32 $0xFFFFC000  }
0x50: {  	[spmem:s1] =	stream.indirect.scatter.add.f32 [tilespmem:s18], [sflag:$0x3], $0x80, s31, s16, $0xb8;
	[tilespmem:$0x1E800] =	vst v63  }
0x51: {  	_ =	swait.ge [sflag:s14], $0x4000  }
0x52: {  	[sflag:s14] =	ssyncset.done $0x0  }
0x53: {  	[sflag:s14] =	ssyncadd.s32 $0xFFFFC000  }
0x54: {  	[tilespmem:s18], [sflag:$0x2] =	stream.indirect.gather [hbm4b:s4+s16], $0x80, s21, s16, $0xb8;
	[tilespmem:$0x1E800] =	vst v63  }
0x55: {  	_ =	swait.ge [sflag:s19], $0x4000  }
0x56: {  	[sflag:s19] =	ssyncset.done $0x0  }
0x57: {  	[sflag:s19] =	ssyncadd.s32 $0xFFFFC000  }
0x58: {  	[spmem:s1] =	stream.indirect.scatter.add.f32 [tilespmem:s17], [sflag:$0x3], $0x80, s22, s16, $0xb8;
	[tilespmem:$0x1E800] =	vst v63  }
0x59: {  	_ =	swait.ge [sflag:s14], $0x4000  }
0x5a: {  	[sflag:s14] =	ssyncset.done $0x0  }
0x5b: {  	[sflag:s14] =	ssyncadd.s32 $0xFFFFC000  }
0x5c: {  	_ =	swait.ge [sflag:s20], $0x4000  }
0x5d: {  	[sflag:s20] =	ssyncset.done $0x0  }
0x5e: {  	[sflag:s20] =	ssyncadd.s32 $0xFFFFC000  }
0x5f: {  	[spmem:s1] =	stream.indirect.scatter.add.f32 [tilespmem:s18], [sflag:$0x3], $0x80, s23, s16, $0xb8;
	[tilespmem:$0x1E800] =	vst v63  }
0x60: {  	_ =	swait.ge [sflag:s14], $0x4000  }
0x61: {  	[sflag:s14] =	ssyncset.done $0x0  }
0x62: {  	s26 =	simm.s32 $0x0;
	[sflag:s14] =	ssyncadd.s32 $0xFFFFC000  }
0x63: {  	[tilespmem:s26], [sflag:$0x3] =	stream.linear.gather [hbm4b:s9+s26], $0x1400, $0x38;
	[tilespmem:$0x1E800] =	vst v63  }
0x64: {  	_ =	swait.ge [sflag:s14], $0x1400  }
0x65: {  	[sflag:s14] =	ssyncset.done $0x0  }
0x66: {  	[sflag:s14] =	ssyncadd.s32 $0xFFFFEC00  }
0x67: {  	[tilespmem:s15], [sflag:$0x3] =	stream.linear.gather [hbm4b:s10+s26], $0x1400, $0x38;
	[tilespmem:$0x1E800] =	vst v63  }
0x68: {  	_ =	swait.ge [sflag:s14], $0x1400  }
0x69: {  	[sflag:s14] =	ssyncset.done $0x0  }
0x6a: {  	[sflag:s14] =	ssyncadd.s32 $0xFFFFEC00  }
0x6b: {  	[tilespmem:s17], [sflag:$0x1] =	stream.indirect.gather [hbm4b:s4+s16], $0x80, s26, s16, $0xb8;
	[tilespmem:$0x1E800] =	vst v63  }
0x6c: {  	s28 =	simm.s32 $0x80  }
0x6d: {  	[tilespmem:s18], [sflag:$0x2] =	stream.indirect.gather [hbm4b:s4+s16], $0x80, s28, s16, $0xb8;
	[tilespmem:$0x1E800] =	vst v63  }
0x6e: {  	_ =	swait.ge [sflag:s19], $0x4000  }
0x6f: {  	[sflag:s19] =	ssyncset.done $0x0  }
0x70: {  	s29 =	simm.s32 $0x1400;
	[sflag:s19] =	ssyncadd.s32 $0xFFFFC000  }
0x71: {  	[spmem:s1] =	stream.indirect.scatter.add.f32 [tilespmem:s17], [sflag:$0x3], $0x80, s29, s16, $0xb8;
	[tilespmem:$0x1E800] =	vst v63  }
0x72: {  	_ =	swait.ge [sflag:s14], $0x4000  }
0x73: {  	[sflag:s14] =	ssyncset.done $0x0  }
0x74: {  	s30 =	simm.s32 $0x100;
	[sflag:s14] =	ssyncadd.s32 $0xFFFFC000  }
0x75: {  	[tilespmem:s17], [sflag:$0x1] =	stream.indirect.gather [hbm4b:s4+s16], $0x80, s30, s16, $0xb8;
	[tilespmem:$0x1E800] =	vst v63  }
0x76: {  	_ =	swait.ge [sflag:s20], $0x4000  }
0x77: {  	[sflag:s20] =	ssyncset.done $0x0  }
0x78: {  	s31 =	simm.s32 $0x1480;
	[sflag:s20] =	ssyncadd.s32 $0xFFFFC000  }
0x79: {  	[spmem:s1] =	stream.indirect.scatter.add.f32 [tilespmem:s18], [sflag:$0x3], $0x80, s31, s16, $0xb8;
	[tilespmem:$0x1E800] =	vst v63  }
0x7a: {  	_ =	swait.ge [sflag:s14], $0x4000  }
0x7b: {  	s25 =	simm.s32 $0x100;
	s26 =	simm.s32 $0x800;
	[sflag:s14] =	ssyncset.done $0x0  }
.LBB2_4:
0x7c: {  	s28 =	sadd.s32 $0x80, s25  }
0x7d: {  	[sflag:s14] =	ssyncadd.s32 $0xFFFFC000;
	s29 =	smov.u32 s26;
	s30 =	sadd.s32 $0x400, s26  }
0x7e: {  	[tilespmem:s18], [sflag:$0x2] =	stream.indirect.gather [hbm4b:s4+s16], $0x80, s28, s16, $0xb8;
	[tilespmem:$0x1E800] =	vst v63  }
0x7f: {  	p0 =	sne.s32 s26, $0x4800;
	_ =	swait.ge [sflag:s19], $0x4000  }
0x80: {  	[sflag:s19] =	ssyncset.done $0x0  }
0x81: {  	s26 =	sadd.s32 $0x1400, s25;
	[sflag:s19] =	ssyncadd.s32 $0xFFFFC000  }
0x82: {  	[spmem:s1] =	stream.indirect.scatter.add.f32 [tilespmem:s17], [sflag:$0x3], $0x80, s26, s16, $0xb8;
	[tilespmem:$0x1E800] =	vst v63  }
0x83: {  	_ =	swait.ge [sflag:s14], $0x4000  }
0x84: {  	[sflag:s14] =	ssyncset.done $0x0  }
0x85: {  	s26 =	sadd.s32 $0x100, s25;
	[sflag:s14] =	ssyncadd.s32 $0xFFFFC000  }
0x86: {  	[tilespmem:s17], [sflag:$0x1] =	stream.indirect.gather [hbm4b:s4+s16], $0x80, s26, s16, $0xb8;
	[tilespmem:$0x1E800] =	vst v63  }
0x87: {  	_ =	swait.ge [sflag:s20], $0x4000  }
.Ltmp1:
0x88: {  	[sflag:s20] =	ssyncset.done $0x0;
	(pc) =	sbr.rel @p0 .LBB2_4-.Ltmp1, $4  }
0x89: {  	s25 =	sadd.s32 $0x1480, s25;
	[sflag:s20] =	ssyncadd.s32 $0xFFFFC000  }
0x8a: {  	[spmem:s1] =	stream.indirect.scatter.add.f32 [tilespmem:s18], [sflag:$0x3], $0x80, s25, s16, $0xb8;
	[tilespmem:$0x1E800] =	vst v63  }
0x8b: {  	_ =	swait.ge [sflag:s14], $0x4000  }
0x8c: {  	s26 =	smov.u32 s30;
	s25 =	sshra.s32 s29, $0x2;
	[sflag:s14] =	ssyncset.done $0x0  }
0x8d: {  	s26 =	sadd.s32 $0x80, s25;
	[sflag:s14] =	ssyncadd.s32 $0xFFFFC000  }
0x8e: {  	[tilespmem:s18], [sflag:$0x2] =	stream.indirect.gather [hbm4b:s4+s16], $0x80, s26, s16, $0xb8;
	[tilespmem:$0x1E800] =	vst v63  }
0x8f: {  	_ =	swait.ge [sflag:s19], $0x4000  }
0x90: {  	[sflag:s19] =	ssyncset.done $0x0  }
0x91: {  	s29 =	sadd.s32 $0x1400, s25;
	[sflag:s19] =	ssyncadd.s32 $0xFFFFC000  }
0x92: {  	[spmem:s1] =	stream.indirect.scatter.add.f32 [tilespmem:s17], [sflag:$0x3], $0x80, s29, s16, $0xb8;
	[tilespmem:$0x1E800] =	vst v63  }
0x93: {  	_ =	swait.ge [sflag:s14], $0x4000  }
0x94: {  	[sflag:s14] =	ssyncset.done $0x0  }
0x95: {  	s30 =	sadd.s32 $0x100, s25;
	[sflag:s14] =	ssyncadd.s32 $0xFFFFC000  }
0x96: {  	[tilespmem:s17], [sflag:$0x1] =	stream.indirect.gather [hbm4b:s4+s16], $0x80, s30, s16, $0xb8;
	[tilespmem:$0x1E800] =	vst v63  }
0x97: {  	_ =	swait.ge [sflag:s20], $0x4000  }
0x98: {  	[sflag:s20] =	ssyncset.done $0x0  }
0x99: {  	s31 =	sadd.s32 $0x1480, s25;
	[sflag:s20] =	ssyncadd.s32 $0xFFFFC000  }
0x9a: {  	[spmem:s1] =	stream.indirect.scatter.add.f32 [tilespmem:s18], [sflag:$0x3], $0x80, s31, s16, $0xb8;
	[tilespmem:$0x1E800] =	vst v63  }
0x9b: {  	_ =	swait.ge [sflag:s14], $0x4000  }
0x9c: {  	[sflag:s14] =	ssyncset.done $0x0  }
0x9d: {  	[sflag:s14] =	ssyncadd.s32 $0xFFFFC000  }
0x9e: {  	[tilespmem:s18], [sflag:$0x2] =	stream.indirect.gather [hbm4b:s4+s16], $0x80, s21, s16, $0xb8;
	[tilespmem:$0x1E800] =	vst v63  }
0x9f: {  	_ =	swait.ge [sflag:s19], $0x4000  }
0xa0: {  	[sflag:s19] =	ssyncset.done $0x0  }
0xa1: {  	[sflag:s19] =	ssyncadd.s32 $0xFFFFC000  }
0xa2: {  	[spmem:s1] =	stream.indirect.scatter.add.f32 [tilespmem:s17], [sflag:$0x3], $0x80, s22, s16, $0xb8;
	[tilespmem:$0x1E800] =	vst v63  }
0xa3: {  	_ =	swait.ge [sflag:s14], $0x4000  }
0xa4: {  	[sflag:s14] =	ssyncset.done $0x0  }
0xa5: {  	[sflag:s14] =	ssyncadd.s32 $0xFFFFC000  }
0xa6: {  	_ =	swait.ge [sflag:s20], $0x4000  }
0xa7: {  	[sflag:s20] =	ssyncset.done $0x0  }
0xa8: {  	[sflag:s20] =	ssyncadd.s32 $0xFFFFC000  }
0xa9: {  	[spmem:s1] =	stream.indirect.scatter.add.f32 [tilespmem:s18], [sflag:$0x3], $0x80, s23, s16, $0xb8;
	[tilespmem:$0x1E800] =	vst v63  }
0xaa: {  	_ =	swait.ge [sflag:s14], $0x4000  }
0xab: {  	s24 =	sadd.s32 $0x1, s24;
	[sflag:s14] =	ssyncset.done $0x0  }
0xac: {  	p0 =	sne.s32 s24, s12;
	[sflag:s14] =	ssyncadd.s32 $0xFFFFC000  }
.Ltmp2:
0xad: {  	[bflag:$0x0] =	sbarrier.arrive $0xFFFF;
	(pc) =	sbr.rel @p0 .LBB2_1-.Ltmp2, $4  }
0xae: {  	[hbm:s11], [sflag:s6] =	dma.local [spmem:s13], $0x2800  }
0xaf: {  	_ =	swait.ge [sflag:s14], $0x2800  }
0xb0: {  	[sflag:s14] =	ssyncset.done $0x0  }
0xb1: {  	[sflag:s14] =	ssyncadd.s32 $0xFFFFD800  }
0xb2: {  	_ =	sfence.sel $0x180000  }
0xb3: {  	[bflag:$0x0] =	sbarrier.arrive $0xFFFF  }
0xb4: {  	p0 =	sne.s32 s2, $0x0;
	_ =	strace $0x9000004A  }
0xb5: {  	s0 =	sadd.s32 @!p0 $0x100000, s0;
	[bflag:$0x2] =	sbarrier.arrive $0xFFFF  }
0xb6: {  	[sflag:s0] =	ssyncadd.tile.s32 @!p0 $0x1;
	_ =	shalt  }
.Lfunc_end2:
_tile_overlayer_lowered:
.L_overlay_start_2:
0xb7: {  	(tag) =	ssettag $0x2  }
0xb8: {  	s0 =	rddreg [dreg:$0x0];
	s2 =	stileid.u32  }
0xb9: {  	s1 =	rddreg [dreg:$0x1];
	p0 =	sne.s32 s2, $0x0  }
0xba: {  	s3 =	rddreg [dreg:$0x2];
	[bflag:$0x3] =	sbarrier.arrive $0xFFFF;
	s2 =	simm.s32 @!p0 $0x1C03  }
0xbb: {  	[timem:s3], [sflag:s2] =	dma.local @!p0 [hbm:s0], s1  }
0xbc: {  	s0 =	simm.s32 @!p0 $0x3  }
0xbd: {  	_ =	swait.ge @!p0 [sflag:s0], s1  }
0xbe: {  	s1 =	ssub.s32 @!p0 $0x0, s1;
	[sflag:s0] =	ssyncset.done @!p0 $0x0  }
0xbf: {  	[sflag:s0] =	ssyncadd.s32 @!p0 s1  }
0xc0: {  	[bflag:$0x3] =	sbarrier.arrive $0xFFFF  }
0xc1: {  	_ =	shalt  }

// kernel: kernel.16.cloned.1.call-start
scs
__scs_entry_jumppad:
0x0: {  	(pc) =	sbr.rel $0x88, $3  }
0x1: {  	(tag) =	ssettag $0x0;
	lr =	simm.s32 $0x1  }
0x2: {  	[smem:$0x3F99] =	sst lr;
	_ =	strace $0xD0000000  }
0x3: {  	_ = 	snop  }
0x4: {  	_ = 	snop  }
0x5: {  	_ = 	snop  }
0x6: {  	_ = 	snop  }
0x7: {  	_ = 	snop  }
__scs_overlays_trampoline_lowered:
0x8: {  	[smem:$0x3FA8] =	sst s0  }
0x9: {  	[smem:$0x3FA9] =	sst s1  }
0xa: {  	[smem:$0x3FAA] =	sst s2  }
0xb: {  	[smem:$0x3FAB] =	sst s3  }
0xc: {  	[smem:$0x3FAC] =	sst s4  }
0xd: {  	[smem:$0x3FAD] =	sst s5  }
0xe: {  	[smem:$0x3FAE] =	sst s6  }
0xf: {  	[smem:$0x3FAF] =	sst s7  }
0x10: {  	[smem:$0x3FB0] =	sst s8  }
0x11: {  	[smem:$0x3FB1] =	sst s9;
	s0 =	simm.s32 @!p0 $0x0  }
0x12: {  	s1 =	sld [smem:$0x3F97];
	s0 =	simm.s32 @p0 $0x1  }
0x13: {  	[smem:$0x3FB2] =	sst s0;
	s0 =	simm.s32 @!p1 $0x0  }
0x14: {  	s2 =	sld [smem:$0x3F96];
	s0 =	simm.s32 @p1 $0x1  }
0x15: {  	[smem:$0x3FB3] =	sst s0;
	s0 =	simm.s32 @!p2 $0x0  }
0x16: {  	s3 =	sld [smem:$0x3FDB];
	s0 =	simm.s32 @p2 $0x1  }
0x17: {  	s4 =	simm.s32 $0x1BF5;
	[smem:$0x3FB5] =	sst s0  }
0x18: {  	s0 =	sld [smem:$0x3F98];
	_ =	swait.ge [sflag:s4], $0x0  }
0x19: {  	s7 =	sld [smem:$0x3F99]  }
0x1a: {  	s8 =	sadd.s32 $0xFFFFE003, lr  }
0x1b: {  	s9 =	sadd.s32 $0xFFFFFEF7, lr;
	s5 =	simm.s32 $0xFFFFFFFF;
	p2 =	slt.u32 s8, $0xFFFFF086  }
0x1c: {  	p1 =	slt.u32 s9, $0xF7A;
	s5 =	simm.s32 @!p2 $0x0  }
0x1d: {  	s5 =	simm.s32 @p1 $0x1;
	p0 =	seq.s32 s7, s2  }
0x1e: {  	s7 =	smul.u32 @!p0 $0xF7A, s2;
	p2 =	seq.s32 @!p0 s5, $0x0  }
0x1f: {  	s9 =	smul.u32 $0xF7A, s1;
	s8 =	simm.s32 @!p0 $0x1BF5;
	p2 =	por !p2, p0  }
0x20: {  	[sflag:s8] =	ssyncset.s32 @!p0 $0xFFFFF086;
	s6 =	sadd.s32 @!p0 s3, s7;
	s7 =	simm.s32 @!p0 $0x108  }
0x21: {  	s3 =	sadd.s32 s3, s9;
	s6 =	sadd.s32 @!p0 $0x88, s6;
	s7 =	simm.s32 @p2 $0x1082  }
0x22: {  	[simem:s7], [sflag:s8] =	dma.local @!p0 [hbm:s6], $0xF7A  }
0x23: {  	s9 =	sor.u32 $0xD0000000, s2;
	s6 =	simm.s32 $0x108;
	_ =	swait.ge @!p0 [sflag:s8], $0x0  }
0x24: {  	s3 =	sadd.s32 $0x88, s3;
	s6 =	simm.s32 @!p1 $0x1082;
	[sflag:s4] =	ssyncset.s32 $0xFFFFF086  }
0x25: {  	[simem:s6], [sflag:s4] =	dma.local [hbm:s3], $0xF7A  }
0x26: {  	[smem:$0x3F99] =	sst s1;
	(tag) =	ssettag s2;
	_ =	strace s9  }
0x27: {  	s1 =	sld [smem:$0x3FA9]  }
0x28: {  	s2 =	sld [smem:$0x3FAA]  }
0x29: {  	s4 =	sld [smem:$0x3FAC]  }
0x2a: {  	p0 =	seq.s32 s5, $0x0;
	s5 =	sld [smem:$0x3FAD]  }
0x2b: {  	s6 =	sld [smem:$0x3FAE]  }
0x2c: {  	s7 =	sld [smem:$0x3FAF]  }
0x2d: {  	s3 =	simm.s32 $0x108;
	s8 =	sld [smem:$0x3FB0]  }
0x2e: {  	s3 =	simm.s32 @!p0 $0x1082;
	s9 =	sld [smem:$0x3FB1]  }
0x2f: {  	lr =	sadd.s32 s0, s3;
	s0 =	sld [smem:$0x3FA8]  }
0x30: {  	s3 =	sld [smem:$0x3FAB]  }
0x31: {  	[smem:$0x3FB4] =	sst s10  }
0x32: {  	s10 =	sld [smem:$0x3FB2];
	_ =	sdelay $0x3  }
0x33: {  	p0 =	seq.s32 s10, $0x1;
	s10 =	sld [smem:$0x3FB4];
	_ =	sdelay $0x3  }
0x34: {  	[smem:$0x3FB4] =	sst s10  }
0x35: {  	s10 =	sld [smem:$0x3FB3];
	_ =	sdelay $0x3  }
0x36: {  	p1 =	seq.s32 s10, $0x1;
	s10 =	sld [smem:$0x3FB4];
	_ =	sdelay $0x3  }
0x37: {  	[smem:$0x3FB4] =	sst s10  }
0x38: {  	s10 =	sld [smem:$0x3FB5]  }
0x39: {  	_ = 	snop;
	(pc) =	sbr.ind lr, $3  }
0x3a: {  	_ = 	snop  }
0x3b: {  	_ = 	snop  }
0x3c: {  	p2 =	seq.s32 s10, $0x1;
	s10 =	sld [smem:$0x3FB4]  }
0x3d: {  	_ =	shalt  }
0x3e: {  	_ =	shalt  }
0x3f: {  	_ =	shalt  }
0x40: {  	_ =	shalt  }
0x41: {  	_ =	shalt  }
0x42: {  	_ =	shalt  }
0x43: {  	_ =	shalt  }
0x44: {  	_ =	shalt  }
0x45: {  	_ =	shalt  }
0x46: {  	_ =	shalt  }
0x47: {  	_ =	shalt  }
0x48: {  	_ =	shalt  }
0x49: {  	_ =	shalt  }
0x4a: {  	_ =	shalt  }
0x4b: {  	_ =	shalt  }
0x4c: {  	_ =	shalt  }
0x4d: {  	_ =	shalt  }
0x4e: {  	_ =	shalt  }
0x4f: {  	_ =	shalt  }
0x50: {  	_ =	shalt  }
0x51: {  	_ =	shalt  }
0x52: {  	_ =	shalt  }
0x53: {  	_ =	shalt  }
0x54: {  	_ =	shalt  }
0x55: {  	_ =	shalt  }
0x56: {  	_ =	shalt  }
0x57: {  	_ =	shalt  }
0x58: {  	_ =	shalt  }
0x59: {  	_ =	shalt  }
0x5a: {  	_ =	shalt  }
0x5b: {  	_ =	shalt  }
0x5c: {  	_ =	shalt  }
0x5d: {  	_ =	shalt  }
0x5e: {  	_ =	shalt  }
0x5f: {  	_ =	shalt  }
0x60: {  	_ =	shalt  }
0x61: {  	_ =	shalt  }
0x62: {  	_ =	shalt  }
0x63: {  	_ =	shalt  }
0x64: {  	_ =	shalt  }
0x65: {  	_ =	shalt  }
0x66: {  	_ =	shalt  }
0x67: {  	_ =	shalt  }
0x68: {  	_ =	shalt  }
0x69: {  	_ =	shalt  }
0x6a: {  	_ =	shalt  }
0x6b: {  	_ =	shalt  }
0x6c: {  	_ =	shalt  }
0x6d: {  	_ =	shalt  }
0x6e: {  	_ =	shalt  }
0x6f: {  	_ =	shalt  }
0x70: {  	_ =	shalt  }
0x71: {  	_ =	shalt  }
0x72: {  	_ =	shalt  }
0x73: {  	_ =	shalt  }
0x74: {  	_ =	shalt  }
0x75: {  	_ =	shalt  }
0x76: {  	_ =	shalt  }
0x77: {  	_ =	shalt  }
0x78: {  	_ =	shalt  }
0x79: {  	_ =	shalt  }
0x7a: {  	_ =	shalt  }
0x7b: {  	_ =	shalt  }
0x7c: {  	_ =	shalt  }
0x7d: {  	_ =	shalt  }
0x7e: {  	_ =	shalt  }
0x7f: {  	_ =	shalt  }
0x80: {  	_ =	shalt  }
0x81: {  	_ =	shalt  }
0x82: {  	_ =	shalt  }
0x83: {  	_ =	shalt  }
0x84: {  	_ =	shalt  }
0x85: {  	_ =	shalt  }
0x86: {  	_ =	shalt  }
0x87: {  	_ =	shalt  }
.Lfunc_end0:
.L_simem_size_0:
called_computation.2_lowered:
.L_overlay_start_0:
0x88: {  	s2 =	sld [smem:$0x3FD9]  }
0x89: {  	s3 =	sld [smem:$0x3FFE];
	_ =	sdelay $0x1  }
0x8a: {  	s1 =	srdreg.scid  }
0x8b: {  	s0 =	sand.u32 $0x1, s1  }
0x8c: {  	s17 =	sshll.u32 s0, $0xA;
	s2 =	sadd.s32 s3, s2  }
0x8d: {  	s2 =	sadd.s32 s2, s17  }
0x8e: {  	[smem:$0x3FC0] =	sst s2  }
0x8f: {  	_ = 	snop  }
0x90: {  	s2 =	sld [smem:$0x3FD0];
	(tm) =	ssettm $0x1  }
0x91: {  	s18 =	sld [smem:$0x3FFB];
	_ =	sdelay $0x3  }
0x92: {  	_ =	strace s18  }
0x93: {  	s3 =	sld [smem:$0x3FFC];
	_ =	sdelay $0x3  }
0x94: {  	_ =	strace s3  }
0x95: {  	s3 =	sld [smem:$0x3FFD];
	_ =	sdelay $0x3  }
0x96: {  	_ =	strace s3  }
0x97: {  	_ =	strace $0x8FFFFFFF  }
0x98: {  	s19 =	sld [smem:$0x3FDB];
	_ =	sdelay $0x1  }
0x99: {  	s4 =	simm.s32 $_scs_section_size  }
0x9a: {  	s5 =	simm.s32 $_size__tile_overlayer_lowered;
	s6 =	simm.s32 $_tile_overlayer_lowered  }
0x9b: {  	s22 =	simm.s32 $0x1BFF;
	s21 =	sshll.u32 s6, $0x1;
	s3 =	sadd.s32 s4, s19  }
0x9c: {  	s7 =	simm.s32 $0x0;
	s20 =	sshll.u32 s5, $0x1;
	s5 =	sadd.s32 s21, s3  }
0x9d: {  	[timem:s7], [sflag:s22] =	dma.local [hbm:s5], s20  }
0x9e: {  	_ =	swait.ge [sflag:s22], s20  }
0x9f: {  	s4 =	ssub.s32 $0x0, s20;
	[sflag:s22] =	ssyncset.done $0x0  }
0xa0: {  	[sflag:s22] =	ssyncadd.s32 s4;
	_ =	sdelay $0x1  }
0xa1: {  	s23 =	simm.s32 $0x1B8B  }
0xa2: {  	_ =	swait.ge [sflag:s23], $0x1  }
0xa3: {  	[sflag:s23] =	ssyncset.done $0x0  }
0xa4: {  	s25 =	simm.s32 $0x1B8E;
	s24 =	sld [smem:$0x3FFE];
	[sflag:s23] =	ssyncadd.s32 $0xFFFFFFFF  }
0xa5: {  	s26 =	simm.s32 $execute0_lowered;
	[smem:$0x3FD2] =	sst s25  }
0xa6: {  	s5 =	sshll.u32 s26, $0x1;
	_ =	strace $0x8000004C;
	[dreg:$0x1] =	wrdreg $0xFFFFFFFF  }
0xa7: {  	s28 =	simm.s32 $_size_execute0_lowered;
	s3 =	sadd.s32 s3, s5;
	[dreg:$0x0] =	wrdreg $0x0  }
0xa8: {  	s5 =	sshll.u32 s28, $0x1;
	[dreg:$0x2] =	wrdreg s3  }
0xa9: {  	[dreg:$0x3] =	wrdreg s5  }
0xaa: {  	[dreg:$0x4] =	wrdreg $0xC0  }
0xab: {  	_ =	task [dreg:s7], $0x5FFFF  }
0xac: {  	[dreg:$0x1] =	wrdreg $0xFFFFFFFF  }
0xad: {  	[dreg:$0x0] =	wrdreg $0x60  }
0xae: {  	[dreg:$0x2] =	wrdreg s24  }
0xaf: {  	[dreg:$0x3] =	wrdreg s2  }
0xb0: {  	[dreg:$0x4] =	wrdreg $0xA8000  }
0xb1: {  	[dreg:$0x5] =	wrdreg $0x9  }
0xb2: {  	_ =	task.clear_ibuf [dreg:s7], $0x6FFFF;
	_ =	strace $0x9000004C  }
0xb3: {  	s29 =	simm.s32 $0x9;
	_ =	strace $0x8000004E  }
0xb4: {  	_ =	swait.ge [sflag:s29], $0x1  }
0xb5: {  	[sflag:s29] =	ssyncadd.s32 $0xFFFFFFFF  }
0xb6: {  	_ =	strace $0x9000004E  }
0xb7: {  	_ =	sfence  }
0xb8: {  	s30 =	sld [smem:$0x0];
	_ =	sdelay $0x2  }
0xb9: {  	s31 =	sshll.u32 s1, $0xD;
	s1 =	sshrl.u32 s1, $0x2  }
0xba: {  	s3 =	sand.u32 $0x4000, s31;
	s1 =	sadd.s32 s1, s30  }
0xbb: {  	s0 =	sor.u32 s3, s0;
	s1 =	sshll.u32 s1, $0x11  }
0xbc: {  	s0 =	sor.u32 s1, s0  }
0xbd: {  	s0 =	sadd.s32 $0x8F2B, s0  }
0xbe: {  	[sflag:s0] =	ssyncadd.remote.s32 $0x1  }
0xbf: {  	_ =	sfence.sel $0xFFFF  }
0xc0: {  	[dreg:$0x0] =	wrdreg $0xFFFFFFFF;
	(pc) =	sbr.abs _section_cstart, $3  }
0xc1: {  	[dreg:$0x1] =	wrdreg $0xFFFFFFFF  }
0xc2: {  	_ =	task.clear_ibuf [dreg:s7], $0x2FFFF;
	_ =	strace $0x9FFFFFFF  }
0xc3: {  	(tm) =	ssettm $0x7FFFFFFF  }
tec
execute0_lowered:
.L_overlay_start_1:
0x0: {  	(tag) =	ssettag $0x1  }
0x1: {  	s6 =	rddreg [dreg:$0x0]  }
0x2: {  	s9 =	rddreg [dreg:$0x1]  }
0x3: {  	s1 =	rddreg [dreg:$0x2]  }
0x4: {  	s2 =	srdreg.scid;
	s0 =	rddreg [dreg:$0x3]  }
0x5: {  	s3 =	simm.s32 $0x0;
	s16 =	simm.s32 $0x80;
	s17 =	simm.s32 $0x2800  }
0x6: {  	s18 =	simm.s32 $0x6800;
	s19 =	simm.s32 $0x1;
	s20 =	simm.s32 $0x2  }
0x7: {  	s21 =	simm.s32 $0x1380;
	s22 =	simm.s32 $0x2700;
	s23 =	simm.s32 $0x2780  }
0x8: {  	s24 =	simm.s32 $0x0;
	s7 =	sand.u32 $0x1, s2;
	s2 =	stileid.u32  }
0x9: {  	[smem:$0x7FF] =	sst s3;
	s4 =	sadd.s32 $0x10000, s6;
	s8 =	smul.u32 $0x140000, s7  }
0xa: {  	s11 =	sadd.s32 $0x2800, s6;
	s5 =	sadd.s32 $0xD800, s6;
	s10 =	smul.u32 $0x14000, s2  }
0xb: {  	_ =	strace $0x8000004D;
	s25 =	sshll.u32 s7, $0x4;
	s7 =	ssub.s32 $0x2, s7  }
0xc: {  	s12 =	smul.u32 $0x50000, s2;
	s28 =	sshll.u32 s2, $0x6;
	s13 =	sshrl.u32 s7, $0x1  }
0xd: {  	s8 =	sadd.s32 s10, s8;
	s10 =	sor.u32 s2, s25;
	s13 =	ssub.s32 s7, s13  }
0xe: {  	s26 =	sshrl.u32 s12, $0x2;
	s8 =	sshrl.u32 s8, $0x3;
	s14 =	smul.u32 $0x2800, s10  }
0xf: {  	s29 =	smul.u32 $0x500, s10;
	s31 =	sadd.s32 s26, s1;
	s12 =	smax.u32 s13, $0x1  }
0x10: {  	s15 =	sadd.s32 s8, s6;
	s6 =	sor.u32 $0x1C03, s28;
	s30 =	sshrl.u32 s14, $0x3  }
0x11: {  	s13 =	sshrl.u32 s31, $0x3;
	s7 =	sadd.s32 s9, s29;
	s10 =	sadd.s32 $0x280, s30  }
0x12: {  	s8 =	sadd.s32 s11, s29;
	s14 =	simm.s32 $0x3;
	s9 =	sadd.s32 s9, s10  }
0x13: {  	s10 =	sadd.s32 s11, s10;
	s11 =	sadd.s32 $0x38000, s15;
	s15 =	simm.s32 $0x1400  }
.LBB2_1:
0x14: {  	[spmem:s13], [sflag:s6] =	dma.local [hbm:s5], $0x2800  }
0x15: {  	_ =	swait.ge [sflag:s14], $0x2800  }
0x16: {  	[sflag:s14] =	ssyncset.done $0x0  }
0x17: {  	[sflag:s14] =	ssyncadd.s32 $0xFFFFD800  }
0x18: {  	[bflag:$0x0] =	sbarrier.arrive $0xFFFF  }
0x19: {  	[tilespmem:s3], [sflag:$0x3] =	stream.linear.gather [hbm4b:s7+s3], $0x1400, $0x38;
	[tilespmem:$0x1E800] =	vst v63  }
0x1a: {  	_ =	swait.ge [sflag:s14], $0x1400  }
0x1b: {  	[sflag:s14] =	ssyncset.done $0x0  }
0x1c: {  	[sflag:s14] =	ssyncadd.s32 $0xFFFFEC00  }
0x1d: {  	[tilespmem:s15], [sflag:$0x3] =	stream.linear.gather [hbm4b:s8+s3], $0x1400, $0x38;
	[tilespmem:$0x1E800] =	vst v63  }
0x1e: {  	_ =	swait.ge [sflag:s14], $0x1400  }
0x1f: {  	[sflag:s14] =	ssyncset.done $0x0  }
0x20: {  	[sflag:s14] =	ssyncadd.s32 $0xFFFFEC00  }
0x21: {  	[tilespmem:s17], [sflag:$0x1] =	stream.indirect.gather [hbm4b:s4+s16], $0x80, s3, s16, $0xb8;
	[tilespmem:$0x1E800] =	vst v63  }
0x22: {  	s25 =	simm.s32 $0x80  }
0x23: {  	[tilespmem:s18], [sflag:$0x2] =	stream.indirect.gather [hbm4b:s4+s16], $0x80, s25, s16, $0xb8;
	[tilespmem:$0x1E800] =	vst v63  }
0x24: {  	_ =	swait.ge [sflag:s19], $0x4000  }
0x25: {  	[sflag:s19] =	ssyncset.done $0x0  }
0x26: {  	s29 =	simm.s32 $0x1400;
	[sflag:s19] =	ssyncadd.s32 $0xFFFFC000  }
0x27: {  	[spmem:s1] =	stream.indirect.scatter.add.f32 [tilespmem:s17], [sflag:$0x3], $0x80, s29, s16, $0xb8;
	[tilespmem:$0x1E800] =	vst v63  }
0x28: {  	_ =	swait.ge [sflag:s14], $0x4000  }
0x29: {  	[sflag:s14] =	ssyncset.done $0x0  }
0x2a: {  	s30 =	simm.s32 $0x100;
	[sflag:s14] =	ssyncadd.s32 $0xFFFFC000  }
0x2b: {  	[tilespmem:s17], [sflag:$0x1] =	stream.indirect.gather [hbm4b:s4+s16], $0x80, s30, s16, $0xb8;
	[tilespmem:$0x1E800] =	vst v63  }
0x2c: {  	_ =	swait.ge [sflag:s20], $0x4000  }
0x2d: {  	[sflag:s20] =	ssyncset.done $0x0  }
0x2e: {  	s31 =	simm.s32 $0x1480;
	[sflag:s20] =	ssyncadd.s32 $0xFFFFC000  }
0x2f: {  	[spmem:s1] =	stream.indirect.scatter.add.f32 [tilespmem:s18], [sflag:$0x3], $0x80, s31, s16, $0xb8;
	[tilespmem:$0x1E800] =	vst v63  }
0x30: {  	_ =	swait.ge [sflag:s14], $0x4000  }
0x31: {  	s26 =	simm.s32 $0x800;
	s25 =	simm.s32 $0x100;
	[sflag:s14] =	ssyncset.done $0x0  }
.LBB2_2:
0x32: {  	s28 =	sadd.s32 $0x80, s25  }
0x33: {  	[sflag:s14] =	ssyncadd.s32 $0xFFFFC000;
	s29 =	smov.u32 s26;
	s30 =	sadd.s32 $0x400, s26  }
0x34: {  	[tilespmem:s18], [sflag:$0x2] =	stream.indirect.gather [hbm4b:s4+s16], $0x80, s28, s16, $0xb8;
	[tilespmem:$0x1E800] =	vst v63  }
0x35: {  	p0 =	sne.s32 s26, $0x4800;
	_ =	swait.ge [sflag:s19], $0x4000  }
0x36: {  	[sflag:s19] =	ssyncset.done $0x0  }
0x37: {  	s26 =	sadd.s32 $0x1400, s25;
	[sflag:s19] =	ssyncadd.s32 $0xFFFFC000  }
0x38: {  	[spmem:s1] =	stream.indirect.scatter.add.f32 [tilespmem:s17], [sflag:$0x3], $0x80, s26, s16, $0xb8;
	[tilespmem:$0x1E800] =	vst v63  }
0x39: {  	_ =	swait.ge [sflag:s14], $0x4000  }
0x3a: {  	[sflag:s14] =	ssyncset.done $0x0  }
0x3b: {  	s26 =	sadd.s32 $0x100, s25;
	[sflag:s14] =	ssyncadd.s32 $0xFFFFC000  }
0x3c: {  	[tilespmem:s17], [sflag:$0x1] =	stream.indirect.gather [hbm4b:s4+s16], $0x80, s26, s16, $0xb8;
	[tilespmem:$0x1E800] =	vst v63  }
0x3d: {  	_ =	swait.ge [sflag:s20], $0x4000  }
.Ltmp0:
0x3e: {  	[sflag:s20] =	ssyncset.done $0x0;
	(pc) =	sbr.rel @p0 .LBB2_2-.Ltmp0, $4  }
0x3f: {  	s25 =	sadd.s32 $0x1480, s25;
	[sflag:s20] =	ssyncadd.s32 $0xFFFFC000  }
0x40: {  	[spmem:s1] =	stream.indirect.scatter.add.f32 [tilespmem:s18], [sflag:$0x3], $0x80, s25, s16, $0xb8;
	[tilespmem:$0x1E800] =	vst v63  }
0x41: {  	_ =	swait.ge [sflag:s14], $0x4000  }
0x42: {  	s26 =	smov.u32 s30;
	s25 =	sshra.s32 s29, $0x2;
	[sflag:s14] =	ssyncset.done $0x0  }
0x43: {  	s26 =	sadd.s32 $0x80, s25;
	[sflag:s14] =	ssyncadd.s32 $0xFFFFC000  }
0x44: {  	[tilespmem:s18], [sflag:$0x2] =	stream.indirect.gather [hbm4b:s4+s16], $0x80, s26, s16, $0xb8;
	[tilespmem:$0x1E800] =	vst v63  }
0x45: {  	_ =	swait.ge [sflag:s19], $0x4000  }
0x46: {  	[sflag:s19] =	ssyncset.done $0x0  }
0x47: {  	s29 =	sadd.s32 $0x1400, s25;
	[sflag:s19] =	ssyncadd.s32 $0xFFFFC000  }
0x48: {  	[spmem:s1] =	stream.indirect.scatter.add.f32 [tilespmem:s17], [sflag:$0x3], $0x80, s29, s16, $0xb8;
	[tilespmem:$0x1E800] =	vst v63  }
0x49: {  	_ =	swait.ge [sflag:s14], $0x4000  }
0x4a: {  	[sflag:s14] =	ssyncset.done $0x0  }
0x4b: {  	s30 =	sadd.s32 $0x100, s25;
	[sflag:s14] =	ssyncadd.s32 $0xFFFFC000  }
0x4c: {  	[tilespmem:s17], [sflag:$0x1] =	stream.indirect.gather [hbm4b:s4+s16], $0x80, s30, s16, $0xb8;
	[tilespmem:$0x1E800] =	vst v63  }
0x4d: {  	_ =	swait.ge [sflag:s20], $0x4000  }
0x4e: {  	[sflag:s20] =	ssyncset.done $0x0  }
0x4f: {  	s31 =	sadd.s32 $0x1480, s25;
	[sflag:s20] =	ssyncadd.s32 $0xFFFFC000  }
0x50: {  	[spmem:s1] =	stream.indirect.scatter.add.f32 [tilespmem:s18], [sflag:$0x3], $0x80, s31, s16, $0xb8;
	[tilespmem:$0x1E800] =	vst v63  }
0x51: {  	_ =	swait.ge [sflag:s14], $0x4000  }
0x52: {  	[sflag:s14] =	ssyncset.done $0x0  }
0x53: {  	[sflag:s14] =	ssyncadd.s32 $0xFFFFC000  }
0x54: {  	[tilespmem:s18], [sflag:$0x2] =	stream.indirect.gather [hbm4b:s4+s16], $0x80, s21, s16, $0xb8;
	[tilespmem:$0x1E800] =	vst v63  }
0x55: {  	_ =	swait.ge [sflag:s19], $0x4000  }
0x56: {  	[sflag:s19] =	ssyncset.done $0x0  }
0x57: {  	[sflag:s19] =	ssyncadd.s32 $0xFFFFC000  }
0x58: {  	[spmem:s1] =	stream.indirect.scatter.add.f32 [tilespmem:s17], [sflag:$0x3], $0x80, s22, s16, $0xb8;
	[tilespmem:$0x1E800] =	vst v63  }
0x59: {  	_ =	swait.ge [sflag:s14], $0x4000  }
0x5a: {  	[sflag:s14] =	ssyncset.done $0x0  }
0x5b: {  	[sflag:s14] =	ssyncadd.s32 $0xFFFFC000  }
0x5c: {  	_ =	swait.ge [sflag:s20], $0x4000  }
0x5d: {  	[sflag:s20] =	ssyncset.done $0x0  }
0x5e: {  	[sflag:s20] =	ssyncadd.s32 $0xFFFFC000  }
0x5f: {  	[spmem:s1] =	stream.indirect.scatter.add.f32 [tilespmem:s18], [sflag:$0x3], $0x80, s23, s16, $0xb8;
	[tilespmem:$0x1E800] =	vst v63  }
0x60: {  	_ =	swait.ge [sflag:s14], $0x4000  }
0x61: {  	[sflag:s14] =	ssyncset.done $0x0  }
0x62: {  	s26 =	simm.s32 $0x0;
	[sflag:s14] =	ssyncadd.s32 $0xFFFFC000  }
0x63: {  	[tilespmem:s26], [sflag:$0x3] =	stream.linear.gather [hbm4b:s9+s26], $0x1400, $0x38;
	[tilespmem:$0x1E800] =	vst v63  }
0x64: {  	_ =	swait.ge [sflag:s14], $0x1400  }
0x65: {  	[sflag:s14] =	ssyncset.done $0x0  }
0x66: {  	[sflag:s14] =	ssyncadd.s32 $0xFFFFEC00  }
0x67: {  	[tilespmem:s15], [sflag:$0x3] =	stream.linear.gather [hbm4b:s10+s26], $0x1400, $0x38;
	[tilespmem:$0x1E800] =	vst v63  }
0x68: {  	_ =	swait.ge [sflag:s14], $0x1400  }
0x69: {  	[sflag:s14] =	ssyncset.done $0x0  }
0x6a: {  	[sflag:s14] =	ssyncadd.s32 $0xFFFFEC00  }
0x6b: {  	[tilespmem:s17], [sflag:$0x1] =	stream.indirect.gather [hbm4b:s4+s16], $0x80, s26, s16, $0xb8;
	[tilespmem:$0x1E800] =	vst v63  }
0x6c: {  	s28 =	simm.s32 $0x80  }
0x6d: {  	[tilespmem:s18], [sflag:$0x2] =	stream.indirect.gather [hbm4b:s4+s16], $0x80, s28, s16, $0xb8;
	[tilespmem:$0x1E800] =	vst v63  }
0x6e: {  	_ =	swait.ge [sflag:s19], $0x4000  }
0x6f: {  	[sflag:s19] =	ssyncset.done $0x0  }
0x70: {  	s29 =	simm.s32 $0x1400;
	[sflag:s19] =	ssyncadd.s32 $0xFFFFC000  }
0x71: {  	[spmem:s1] =	stream.indirect.scatter.add.f32 [tilespmem:s17], [sflag:$0x3], $0x80, s29, s16, $0xb8;
	[tilespmem:$0x1E800] =	vst v63  }
0x72: {  	_ =	swait.ge [sflag:s14], $0x4000  }
0x73: {  	[sflag:s14] =	ssyncset.done $0x0  }
0x74: {  	s30 =	simm.s32 $0x100;
	[sflag:s14] =	ssyncadd.s32 $0xFFFFC000  }
0x75: {  	[tilespmem:s17], [sflag:$0x1] =	stream.indirect.gather [hbm4b:s4+s16], $0x80, s30, s16, $0xb8;
	[tilespmem:$0x1E800] =	vst v63  }
0x76: {  	_ =	swait.ge [sflag:s20], $0x4000  }
0x77: {  	[sflag:s20] =	ssyncset.done $0x0  }
0x78: {  	s31 =	simm.s32 $0x1480;
	[sflag:s20] =	ssyncadd.s32 $0xFFFFC000  }
0x79: {  	[spmem:s1] =	stream.indirect.scatter.add.f32 [tilespmem:s18], [sflag:$0x3], $0x80, s31, s16, $0xb8;
	[tilespmem:$0x1E800] =	vst v63  }
0x7a: {  	_ =	swait.ge [sflag:s14], $0x4000  }
0x7b: {  	s25 =	simm.s32 $0x100;
	s26 =	simm.s32 $0x800;
	[sflag:s14] =	ssyncset.done $0x0  }
.LBB2_4:
0x7c: {  	s28 =	sadd.s32 $0x80, s25  }
0x7d: {  	[sflag:s14] =	ssyncadd.s32 $0xFFFFC000;
	s29 =	smov.u32 s26;
	s30 =	sadd.s32 $0x400, s26  }
0x7e: {  	[tilespmem:s18], [sflag:$0x2] =	stream.indirect.gather [hbm4b:s4+s16], $0x80, s28, s16, $0xb8;
	[tilespmem:$0x1E800] =	vst v63  }
0x7f: {  	p0 =	sne.s32 s26, $0x4800;
	_ =	swait.ge [sflag:s19], $0x4000  }
0x80: {  	[sflag:s19] =	ssyncset.done $0x0  }
0x81: {  	s26 =	sadd.s32 $0x1400, s25;
	[sflag:s19] =	ssyncadd.s32 $0xFFFFC000  }
0x82: {  	[spmem:s1] =	stream.indirect.scatter.add.f32 [tilespmem:s17], [sflag:$0x3], $0x80, s26, s16, $0xb8;
	[tilespmem:$0x1E800] =	vst v63  }
0x83: {  	_ =	swait.ge [sflag:s14], $0x4000  }
0x84: {  	[sflag:s14] =	ssyncset.done $0x0  }
0x85: {  	s26 =	sadd.s32 $0x100, s25;
	[sflag:s14] =	ssyncadd.s32 $0xFFFFC000  }
0x86: {  	[tilespmem:s17], [sflag:$0x1] =	stream.indirect.gather [hbm4b:s4+s16], $0x80, s26, s16, $0xb8;
	[tilespmem:$0x1E800] =	vst v63  }
0x87: {  	_ =	swait.ge [sflag:s20], $0x4000  }
.Ltmp1:
0x88: {  	[sflag:s20] =	ssyncset.done $0x0;
	(pc) =	sbr.rel @p0 .LBB2_4-.Ltmp1, $4  }
0x89: {  	s25 =	sadd.s32 $0x1480, s25;
	[sflag:s20] =	ssyncadd.s32 $0xFFFFC000  }
0x8a: {  	[spmem:s1] =	stream.indirect.scatter.add.f32 [tilespmem:s18], [sflag:$0x3], $0x80, s25, s16, $0xb8;
	[tilespmem:$0x1E800] =	vst v63  }
0x8b: {  	_ =	swait.ge [sflag:s14], $0x4000  }
0x8c: {  	s26 =	smov.u32 s30;
	s25 =	sshra.s32 s29, $0x2;
	[sflag:s14] =	ssyncset.done $0x0  }
0x8d: {  	s26 =	sadd.s32 $0x80, s25;
	[sflag:s14] =	ssyncadd.s32 $0xFFFFC000  }
0x8e: {  	[tilespmem:s18], [sflag:$0x2] =	stream.indirect.gather [hbm4b:s4+s16], $0x80, s26, s16, $0xb8;
	[tilespmem:$0x1E800] =	vst v63  }
0x8f: {  	_ =	swait.ge [sflag:s19], $0x4000  }
0x90: {  	[sflag:s19] =	ssyncset.done $0x0  }
0x91: {  	s29 =	sadd.s32 $0x1400, s25;
	[sflag:s19] =	ssyncadd.s32 $0xFFFFC000  }
0x92: {  	[spmem:s1] =	stream.indirect.scatter.add.f32 [tilespmem:s17], [sflag:$0x3], $0x80, s29, s16, $0xb8;
	[tilespmem:$0x1E800] =	vst v63  }
0x93: {  	_ =	swait.ge [sflag:s14], $0x4000  }
0x94: {  	[sflag:s14] =	ssyncset.done $0x0  }
0x95: {  	s30 =	sadd.s32 $0x100, s25;
	[sflag:s14] =	ssyncadd.s32 $0xFFFFC000  }
0x96: {  	[tilespmem:s17], [sflag:$0x1] =	stream.indirect.gather [hbm4b:s4+s16], $0x80, s30, s16, $0xb8;
	[tilespmem:$0x1E800] =	vst v63  }
0x97: {  	_ =	swait.ge [sflag:s20], $0x4000  }
0x98: {  	[sflag:s20] =	ssyncset.done $0x0  }
0x99: {  	s31 =	sadd.s32 $0x1480, s25;
	[sflag:s20] =	ssyncadd.s32 $0xFFFFC000  }
0x9a: {  	[spmem:s1] =	stream.indirect.scatter.add.f32 [tilespmem:s18], [sflag:$0x3], $0x80, s31, s16, $0xb8;
	[tilespmem:$0x1E800] =	vst v63  }
0x9b: {  	_ =	swait.ge [sflag:s14], $0x4000  }
0x9c: {  	[sflag:s14] =	ssyncset.done $0x0  }
0x9d: {  	[sflag:s14] =	ssyncadd.s32 $0xFFFFC000  }
0x9e: {  	[tilespmem:s18], [sflag:$0x2] =	stream.indirect.gather [hbm4b:s4+s16], $0x80, s21, s16, $0xb8;
	[tilespmem:$0x1E800] =	vst v63  }
0x9f: {  	_ =	swait.ge [sflag:s19], $0x4000  }
0xa0: {  	[sflag:s19] =	ssyncset.done $0x0  }
0xa1: {  	[sflag:s19] =	ssyncadd.s32 $0xFFFFC000  }
0xa2: {  	[spmem:s1] =	stream.indirect.scatter.add.f32 [tilespmem:s17], [sflag:$0x3], $0x80, s22, s16, $0xb8;
	[tilespmem:$0x1E800] =	vst v63  }
0xa3: {  	_ =	swait.ge [sflag:s14], $0x4000  }
0xa4: {  	[sflag:s14] =	ssyncset.done $0x0  }
0xa5: {  	[sflag:s14] =	ssyncadd.s32 $0xFFFFC000  }
0xa6: {  	_ =	swait.ge [sflag:s20], $0x4000  }
0xa7: {  	[sflag:s20] =	ssyncset.done $0x0  }
0xa8: {  	[sflag:s20] =	ssyncadd.s32 $0xFFFFC000  }
0xa9: {  	[spmem:s1] =	stream.indirect.scatter.add.f32 [tilespmem:s18], [sflag:$0x3], $0x80, s23, s16, $0xb8;
	[tilespmem:$0x1E800] =	vst v63  }
0xaa: {  	_ =	swait.ge [sflag:s14], $0x4000  }
0xab: {  	s24 =	sadd.s32 $0x1, s24;
	[sflag:s14] =	ssyncset.done $0x0  }
0xac: {  	p0 =	sne.s32 s24, s12;
	[sflag:s14] =	ssyncadd.s32 $0xFFFFC000  }
.Ltmp2:
0xad: {  	[bflag:$0x0] =	sbarrier.arrive $0xFFFF;
	(pc) =	sbr.rel @p0 .LBB2_1-.Ltmp2, $4  }
0xae: {  	[hbm:s11], [sflag:s6] =	dma.local [spmem:s13], $0x2800  }
0xaf: {  	_ =	swait.ge [sflag:s14], $0x2800  }
0xb0: {  	[sflag:s14] =	ssyncset.done $0x0  }
0xb1: {  	[sflag:s14] =	ssyncadd.s32 $0xFFFFD800  }
0xb2: {  	_ =	sfence.sel $0x180000  }
0xb3: {  	[bflag:$0x0] =	sbarrier.arrive $0xFFFF  }
0xb4: {  	p0 =	sne.s32 s2, $0x0;
	_ =	strace $0x9000004D  }
0xb5: {  	s0 =	sadd.s32 @!p0 $0x100000, s0;
	[bflag:$0x2] =	sbarrier.arrive $0xFFFF  }
0xb6: {  	[sflag:s0] =	ssyncadd.tile.s32 @!p0 $0x1;
	_ =	shalt  }
.Lfunc_end2:
_tile_overlayer_lowered:
.L_overlay_start_2:
0xb7: {  	(tag) =	ssettag $0x2  }
0xb8: {  	s0 =	rddreg [dreg:$0x0];
	s2 =	stileid.u32  }
0xb9: {  	s1 =	rddreg [dreg:$0x1];
	p0 =	sne.s32 s2, $0x0  }
0xba: {  	s3 =	rddreg [dreg:$0x2];
	[bflag:$0x3] =	sbarrier.arrive $0xFFFF;
	s2 =	simm.s32 @!p0 $0x1C03  }
0xbb: {  	[timem:s3], [sflag:s2] =	dma.local @!p0 [hbm:s0], s1  }
0xbc: {  	s0 =	simm.s32 @!p0 $0x3  }
0xbd: {  	_ =	swait.ge @!p0 [sflag:s0], s1  }
0xbe: {  	s1 =	ssub.s32 @!p0 $0x0, s1;
	[sflag:s0] =	ssyncset.done @!p0 $0x0  }
0xbf: {  	[sflag:s0] =	ssyncadd.s32 @!p0 s1  }
0xc0: {  	[bflag:$0x3] =	sbarrier.arrive $0xFFFF  }
0xc1: {  	_ =	shalt  }

// kernel: kernel.19.cloned.1.call-start
scs
__scs_entry_jumppad:
0x0: {  	(pc) =	sbr.rel $0x88, $3  }
0x1: {  	(tag) =	ssettag $0x0;
	lr =	simm.s32 $0x1  }
0x2: {  	[smem:$0x3F99] =	sst lr;
	_ =	strace $0xD0000000  }
0x3: {  	_ = 	snop  }
0x4: {  	_ = 	snop  }
0x5: {  	_ = 	snop  }
0x6: {  	_ = 	snop  }
0x7: {  	_ = 	snop  }
__scs_overlays_trampoline_lowered:
0x8: {  	[smem:$0x3FA8] =	sst s0  }
0x9: {  	[smem:$0x3FA9] =	sst s1  }
0xa: {  	[smem:$0x3FAA] =	sst s2  }
0xb: {  	[smem:$0x3FAB] =	sst s3  }
0xc: {  	[smem:$0x3FAC] =	sst s4  }
0xd: {  	[smem:$0x3FAD] =	sst s5  }
0xe: {  	[smem:$0x3FAE] =	sst s6  }
0xf: {  	[smem:$0x3FAF] =	sst s7  }
0x10: {  	[smem:$0x3FB0] =	sst s8  }
0x11: {  	[smem:$0x3FB1] =	sst s9;
	s0 =	simm.s32 @!p0 $0x0  }
0x12: {  	s1 =	sld [smem:$0x3F97];
	s0 =	simm.s32 @p0 $0x1  }
0x13: {  	[smem:$0x3FB2] =	sst s0;
	s0 =	simm.s32 @!p1 $0x0  }
0x14: {  	s2 =	sld [smem:$0x3F96];
	s0 =	simm.s32 @p1 $0x1  }
0x15: {  	[smem:$0x3FB3] =	sst s0;
	s0 =	simm.s32 @!p2 $0x0  }
0x16: {  	s3 =	sld [smem:$0x3FDB];
	s0 =	simm.s32 @p2 $0x1  }
0x17: {  	s4 =	simm.s32 $0x1BF5;
	[smem:$0x3FB5] =	sst s0  }
0x18: {  	s0 =	sld [smem:$0x3F98];
	_ =	swait.ge [sflag:s4], $0x0  }
0x19: {  	s7 =	sld [smem:$0x3F99]  }
0x1a: {  	s8 =	sadd.s32 $0xFFFFE003, lr  }
0x1b: {  	s9 =	sadd.s32 $0xFFFFFEF7, lr;
	s5 =	simm.s32 $0xFFFFFFFF;
	p2 =	slt.u32 s8, $0xFFFFF086  }
0x1c: {  	p1 =	slt.u32 s9, $0xF7A;
	s5 =	simm.s32 @!p2 $0x0  }
0x1d: {  	s5 =	simm.s32 @p1 $0x1;
	p0 =	seq.s32 s7, s2  }
0x1e: {  	s7 =	smul.u32 @!p0 $0xF7A, s2;
	p2 =	seq.s32 @!p0 s5, $0x0  }
0x1f: {  	s9 =	smul.u32 $0xF7A, s1;
	s8 =	simm.s32 @!p0 $0x1BF5;
	p2 =	por !p2, p0  }
0x20: {  	[sflag:s8] =	ssyncset.s32 @!p0 $0xFFFFF086;
	s6 =	sadd.s32 @!p0 s3, s7;
	s7 =	simm.s32 @!p0 $0x108  }
0x21: {  	s3 =	sadd.s32 s3, s9;
	s6 =	sadd.s32 @!p0 $0x88, s6;
	s7 =	simm.s32 @p2 $0x1082  }
0x22: {  	[simem:s7], [sflag:s8] =	dma.local @!p0 [hbm:s6], $0xF7A  }
0x23: {  	s9 =	sor.u32 $0xD0000000, s2;
	s6 =	simm.s32 $0x108;
	_ =	swait.ge @!p0 [sflag:s8], $0x0  }
0x24: {  	s3 =	sadd.s32 $0x88, s3;
	s6 =	simm.s32 @!p1 $0x1082;
	[sflag:s4] =	ssyncset.s32 $0xFFFFF086  }
0x25: {  	[simem:s6], [sflag:s4] =	dma.local [hbm:s3], $0xF7A  }
0x26: {  	[smem:$0x3F99] =	sst s1;
	(tag) =	ssettag s2;
	_ =	strace s9  }
0x27: {  	s1 =	sld [smem:$0x3FA9]  }
0x28: {  	s2 =	sld [smem:$0x3FAA]  }
0x29: {  	s4 =	sld [smem:$0x3FAC]  }
0x2a: {  	p0 =	seq.s32 s5, $0x0;
	s5 =	sld [smem:$0x3FAD]  }
0x2b: {  	s6 =	sld [smem:$0x3FAE]  }
0x2c: {  	s7 =	sld [smem:$0x3FAF]  }
0x2d: {  	s3 =	simm.s32 $0x108;
	s8 =	sld [smem:$0x3FB0]  }
0x2e: {  	s3 =	simm.s32 @!p0 $0x1082;
	s9 =	sld [smem:$0x3FB1]  }
0x2f: {  	lr =	sadd.s32 s0, s3;
	s0 =	sld [smem:$0x3FA8]  }
0x30: {  	s3 =	sld [smem:$0x3FAB]  }
0x31: {  	[smem:$0x3FB4] =	sst s10  }
0x32: {  	s10 =	sld [smem:$0x3FB2];
	_ =	sdelay $0x3  }
0x33: {  	p0 =	seq.s32 s10, $0x1;
	s10 =	sld [smem:$0x3FB4];
	_ =	sdelay $0x3  }
0x34: {  	[smem:$0x3FB4] =	sst s10  }
0x35: {  	s10 =	sld [smem:$0x3FB3];
	_ =	sdelay $0x3  }
0x36: {  	p1 =	seq.s32 s10, $0x1;
	s10 =	sld [smem:$0x3FB4];
	_ =	sdelay $0x3  }
0x37: {  	[smem:$0x3FB4] =	sst s10  }
0x38: {  	s10 =	sld [smem:$0x3FB5]  }
0x39: {  	_ = 	snop;
	(pc) =	sbr.ind lr, $3  }
0x3a: {  	_ = 	snop  }
0x3b: {  	_ = 	snop  }
0x3c: {  	p2 =	seq.s32 s10, $0x1;
	s10 =	sld [smem:$0x3FB4]  }
0x3d: {  	_ =	shalt  }
0x3e: {  	_ =	shalt  }
0x3f: {  	_ =	shalt  }
0x40: {  	_ =	shalt  }
0x41: {  	_ =	shalt  }
0x42: {  	_ =	shalt  }
0x43: {  	_ =	shalt  }
0x44: {  	_ =	shalt  }
0x45: {  	_ =	shalt  }
0x46: {  	_ =	shalt  }
0x47: {  	_ =	shalt  }
0x48: {  	_ =	shalt  }
0x49: {  	_ =	shalt  }
0x4a: {  	_ =	shalt  }
0x4b: {  	_ =	shalt  }
0x4c: {  	_ =	shalt  }
0x4d: {  	_ =	shalt  }
0x4e: {  	_ =	shalt  }
0x4f: {  	_ =	shalt  }
0x50: {  	_ =	shalt  }
0x51: {  	_ =	shalt  }
0x52: {  	_ =	shalt  }
0x53: {  	_ =	shalt  }
0x54: {  	_ =	shalt  }
0x55: {  	_ =	shalt  }
0x56: {  	_ =	shalt  }
0x57: {  	_ =	shalt  }
0x58: {  	_ =	shalt  }
0x59: {  	_ =	shalt  }
0x5a: {  	_ =	shalt  }
0x5b: {  	_ =	shalt  }
0x5c: {  	_ =	shalt  }
0x5d: {  	_ =	shalt  }
0x5e: {  	_ =	shalt  }
0x5f: {  	_ =	shalt  }
0x60: {  	_ =	shalt  }
0x61: {  	_ =	shalt  }
0x62: {  	_ =	shalt  }
0x63: {  	_ =	shalt  }
0x64: {  	_ =	shalt  }
0x65: {  	_ =	shalt  }
0x66: {  	_ =	shalt  }
0x67: {  	_ =	shalt  }
0x68: {  	_ =	shalt  }
0x69: {  	_ =	shalt  }
0x6a: {  	_ =	shalt  }
0x6b: {  	_ =	shalt  }
0x6c: {  	_ =	shalt  }
0x6d: {  	_ =	shalt  }
0x6e: {  	_ =	shalt  }
0x6f: {  	_ =	shalt  }
0x70: {  	_ =	shalt  }
0x71: {  	_ =	shalt  }
0x72: {  	_ =	shalt  }
0x73: {  	_ =	shalt  }
0x74: {  	_ =	shalt  }
0x75: {  	_ =	shalt  }
0x76: {  	_ =	shalt  }
0x77: {  	_ =	shalt  }
0x78: {  	_ =	shalt  }
0x79: {  	_ =	shalt  }
0x7a: {  	_ =	shalt  }
0x7b: {  	_ =	shalt  }
0x7c: {  	_ =	shalt  }
0x7d: {  	_ =	shalt  }
0x7e: {  	_ =	shalt  }
0x7f: {  	_ =	shalt  }
0x80: {  	_ =	shalt  }
0x81: {  	_ =	shalt  }
0x82: {  	_ =	shalt  }
0x83: {  	_ =	shalt  }
0x84: {  	_ =	shalt  }
0x85: {  	_ =	shalt  }
0x86: {  	_ =	shalt  }
0x87: {  	_ =	shalt  }
.Lfunc_end0:
.L_simem_size_0:
called_computation.3_lowered:
.L_overlay_start_0:
0x88: {  	s2 =	sld [smem:$0x3FD9]  }
0x89: {  	s3 =	sld [smem:$0x3FFE];
	_ =	sdelay $0x1  }
0x8a: {  	s1 =	srdreg.scid  }
0x8b: {  	s0 =	sand.u32 $0x1, s1  }
0x8c: {  	s17 =	sshll.u32 s0, $0xA;
	s2 =	sadd.s32 s3, s2  }
0x8d: {  	s2 =	sadd.s32 s2, s17  }
0x8e: {  	[smem:$0x3FC0] =	sst s2  }
0x8f: {  	_ = 	snop  }
0x90: {  	s2 =	sld [smem:$0x3FD0];
	(tm) =	ssettm $0x1  }
0x91: {  	s18 =	sld [smem:$0x3FFB];
	_ =	sdelay $0x3  }
0x92: {  	_ =	strace s18  }
0x93: {  	s3 =	sld [smem:$0x3FFC];
	_ =	sdelay $0x3  }
0x94: {  	_ =	strace s3  }
0x95: {  	s3 =	sld [smem:$0x3FFD];
	_ =	sdelay $0x3  }
0x96: {  	_ =	strace s3  }
0x97: {  	_ =	strace $0x8FFFFFFF  }
0x98: {  	s19 =	sld [smem:$0x3FDB];
	_ =	sdelay $0x1  }
0x99: {  	s4 =	simm.s32 $_scs_section_size  }
0x9a: {  	s5 =	simm.s32 $_size__tile_overlayer_lowered;
	s6 =	simm.s32 $_tile_overlayer_lowered  }
0x9b: {  	s22 =	simm.s32 $0x1BFF;
	s21 =	sshll.u32 s6, $0x1;
	s3 =	sadd.s32 s4, s19  }
0x9c: {  	s7 =	simm.s32 $0x0;
	s20 =	sshll.u32 s5, $0x1;
	s5 =	sadd.s32 s21, s3  }
0x9d: {  	[timem:s7], [sflag:s22] =	dma.local [hbm:s5], s20  }
0x9e: {  	_ =	swait.ge [sflag:s22], s20  }
0x9f: {  	s4 =	ssub.s32 $0x0, s20;
	[sflag:s22] =	ssyncset.done $0x0  }
0xa0: {  	[sflag:s22] =	ssyncadd.s32 s4;
	_ =	sdelay $0x1  }
0xa1: {  	s23 =	simm.s32 $0x1B8B  }
0xa2: {  	_ =	swait.ge [sflag:s23], $0x1  }
0xa3: {  	[sflag:s23] =	ssyncset.done $0x0  }
0xa4: {  	s25 =	simm.s32 $0x1B8E;
	s24 =	sld [smem:$0x3FFE];
	[sflag:s23] =	ssyncadd.s32 $0xFFFFFFFF  }
0xa5: {  	s26 =	simm.s32 $execute0_lowered;
	[smem:$0x3FD2] =	sst s25  }
0xa6: {  	s5 =	sshll.u32 s26, $0x1;
	_ =	strace $0x8000004F;
	[dreg:$0x1] =	wrdreg $0xFFFFFFFF  }
0xa7: {  	s28 =	simm.s32 $_size_execute0_lowered;
	s3 =	sadd.s32 s3, s5;
	[dreg:$0x0] =	wrdreg $0x0  }
0xa8: {  	s5 =	sshll.u32 s28, $0x1;
	[dreg:$0x2] =	wrdreg s3  }
0xa9: {  	[dreg:$0x3] =	wrdreg s5  }
0xaa: {  	[dreg:$0x4] =	wrdreg $0xC0  }
0xab: {  	_ =	task [dreg:s7], $0x5FFFF  }
0xac: {  	[dreg:$0x1] =	wrdreg $0xFFFFFFFF  }
0xad: {  	[dreg:$0x0] =	wrdreg $0x60  }
0xae: {  	[dreg:$0x2] =	wrdreg s24  }
0xaf: {  	[dreg:$0x3] =	wrdreg s2  }
0xb0: {  	[dreg:$0x4] =	wrdreg $0xA8000  }
0xb1: {  	[dreg:$0x5] =	wrdreg $0x9  }
0xb2: {  	_ =	task.clear_ibuf [dreg:s7], $0x6FFFF;
	_ =	strace $0x9000004F  }
0xb3: {  	s29 =	simm.s32 $0x9;
	_ =	strace $0x80000051  }
0xb4: {  	_ =	swait.ge [sflag:s29], $0x1  }
0xb5: {  	[sflag:s29] =	ssyncadd.s32 $0xFFFFFFFF  }
0xb6: {  	_ =	strace $0x90000051  }
0xb7: {  	_ =	sfence  }
0xb8: {  	s30 =	sld [smem:$0x0];
	_ =	sdelay $0x2  }
0xb9: {  	s31 =	sshll.u32 s1, $0xD;
	s1 =	sshrl.u32 s1, $0x2  }
0xba: {  	s3 =	sand.u32 $0x4000, s31;
	s1 =	sadd.s32 s1, s30  }
0xbb: {  	s0 =	sor.u32 s3, s0;
	s1 =	sshll.u32 s1, $0x11  }
0xbc: {  	s0 =	sor.u32 s1, s0  }
0xbd: {  	s0 =	sadd.s32 $0x8F2B, s0  }
0xbe: {  	[sflag:s0] =	ssyncadd.remote.s32 $0x1  }
0xbf: {  	_ =	sfence.sel $0xFFFF  }
0xc0: {  	[dreg:$0x0] =	wrdreg $0xFFFFFFFF;
	(pc) =	sbr.abs _section_cstart, $3  }
0xc1: {  	[dreg:$0x1] =	wrdreg $0xFFFFFFFF  }
0xc2: {  	_ =	task.clear_ibuf [dreg:s7], $0x2FFFF;
	_ =	strace $0x9FFFFFFF  }
0xc3: {  	(tm) =	ssettm $0x7FFFFFFF  }
tec
execute0_lowered:
.L_overlay_start_1:
0x0: {  	(tag) =	ssettag $0x1  }
0x1: {  	s6 =	rddreg [dreg:$0x0]  }
0x2: {  	s9 =	rddreg [dreg:$0x1]  }
0x3: {  	s1 =	rddreg [dreg:$0x2]  }
0x4: {  	s2 =	srdreg.scid;
	s0 =	rddreg [dreg:$0x3]  }
0x5: {  	s3 =	simm.s32 $0x0;
	s16 =	simm.s32 $0x80;
	s17 =	simm.s32 $0x2800  }
0x6: {  	s18 =	simm.s32 $0x6800;
	s19 =	simm.s32 $0x1;
	s20 =	simm.s32 $0x2  }
0x7: {  	s21 =	simm.s32 $0x1380;
	s22 =	simm.s32 $0x2700;
	s23 =	simm.s32 $0x2780  }
0x8: {  	s24 =	simm.s32 $0x0;
	s7 =	sand.u32 $0x1, s2;
	s2 =	stileid.u32  }
0x9: {  	[smem:$0x7FF] =	sst s3;
	s4 =	sadd.s32 $0x10000, s6;
	s8 =	smul.u32 $0x140000, s7  }
0xa: {  	s11 =	sadd.s32 $0x2800, s6;
	s5 =	sadd.s32 $0xD800, s6;
	s10 =	smul.u32 $0x14000, s2  }
0xb: {  	_ =	strace $0x80000050;
	s25 =	sshll.u32 s7, $0x4;
	s7 =	ssub.s32 $0x2, s7  }
0xc: {  	s12 =	smul.u32 $0x50000, s2;
	s28 =	sshll.u32 s2, $0x6;
	s13 =	sshrl.u32 s7, $0x1  }
0xd: {  	s8 =	sadd.s32 s10, s8;
	s10 =	sor.u32 s2, s25;
	s13 =	ssub.s32 s7, s13  }
0xe: {  	s26 =	sshrl.u32 s12, $0x2;
	s8 =	sshrl.u32 s8, $0x3;
	s14 =	smul.u32 $0x2800, s10  }
0xf: {  	s29 =	smul.u32 $0x500, s10;
	s31 =	sadd.s32 s26, s1;
	s12 =	smax.u32 s13, $0x1  }
0x10: {  	s15 =	sadd.s32 s8, s6;
	s6 =	sor.u32 $0x1C03, s28;
	s30 =	sshrl.u32 s14, $0x3  }
0x11: {  	s13 =	sshrl.u32 s31, $0x3;
	s7 =	sadd.s32 s9, s29;
	s10 =	sadd.s32 $0x280, s30  }
0x12: {  	s8 =	sadd.s32 s11, s29;
	s14 =	simm.s32 $0x3;
	s9 =	sadd.s32 s9, s10  }
0x13: {  	s10 =	sadd.s32 s11, s10;
	s11 =	sadd.s32 $0x38000, s15;
	s15 =	simm.s32 $0x1400  }
.LBB2_1:
0x14: {  	[spmem:s13], [sflag:s6] =	dma.local [hbm:s5], $0x2800  }
0x15: {  	_ =	swait.ge [sflag:s14], $0x2800  }
0x16: {  	[sflag:s14] =	ssyncset.done $0x0  }
0x17: {  	[sflag:s14] =	ssyncadd.s32 $0xFFFFD800  }
0x18: {  	[bflag:$0x0] =	sbarrier.arrive $0xFFFF  }
0x19: {  	[tilespmem:s3], [sflag:$0x3] =	stream.linear.gather [hbm4b:s7+s3], $0x1400, $0x38;
	[tilespmem:$0x1E800] =	vst v63  }
0x1a: {  	_ =	swait.ge [sflag:s14], $0x1400  }
0x1b: {  	[sflag:s14] =	ssyncset.done $0x0  }
0x1c: {  	[sflag:s14] =	ssyncadd.s32 $0xFFFFEC00  }
0x1d: {  	[tilespmem:s15], [sflag:$0x3] =	stream.linear.gather [hbm4b:s8+s3], $0x1400, $0x38;
	[tilespmem:$0x1E800] =	vst v63  }
0x1e: {  	_ =	swait.ge [sflag:s14], $0x1400  }
0x1f: {  	[sflag:s14] =	ssyncset.done $0x0  }
0x20: {  	[sflag:s14] =	ssyncadd.s32 $0xFFFFEC00  }
0x21: {  	[tilespmem:s17], [sflag:$0x1] =	stream.indirect.gather [hbm4b:s4+s16], $0x80, s3, s16, $0xb8;
	[tilespmem:$0x1E800] =	vst v63  }
0x22: {  	s25 =	simm.s32 $0x80  }
0x23: {  	[tilespmem:s18], [sflag:$0x2] =	stream.indirect.gather [hbm4b:s4+s16], $0x80, s25, s16, $0xb8;
	[tilespmem:$0x1E800] =	vst v63  }
0x24: {  	_ =	swait.ge [sflag:s19], $0x4000  }
0x25: {  	[sflag:s19] =	ssyncset.done $0x0  }
0x26: {  	s29 =	simm.s32 $0x1400;
	[sflag:s19] =	ssyncadd.s32 $0xFFFFC000  }
0x27: {  	[spmem:s1] =	stream.indirect.scatter.add.f32 [tilespmem:s17], [sflag:$0x3], $0x80, s29, s16, $0xb8;
	[tilespmem:$0x1E800] =	vst v63  }
0x28: {  	_ =	swait.ge [sflag:s14], $0x4000  }
0x29: {  	[sflag:s14] =	ssyncset.done $0x0  }
0x2a: {  	s30 =	simm.s32 $0x100;
	[sflag:s14] =	ssyncadd.s32 $0xFFFFC000  }
0x2b: {  	[tilespmem:s17], [sflag:$0x1] =	stream.indirect.gather [hbm4b:s4+s16], $0x80, s30, s16, $0xb8;
	[tilespmem:$0x1E800] =	vst v63  }
0x2c: {  	_ =	swait.ge [sflag:s20], $0x4000  }
0x2d: {  	[sflag:s20] =	ssyncset.done $0x0  }
0x2e: {  	s31 =	simm.s32 $0x1480;
	[sflag:s20] =	ssyncadd.s32 $0xFFFFC000  }
0x2f: {  	[spmem:s1] =	stream.indirect.scatter.add.f32 [tilespmem:s18], [sflag:$0x3], $0x80, s31, s16, $0xb8;
	[tilespmem:$0x1E800] =	vst v63  }
0x30: {  	_ =	swait.ge [sflag:s14], $0x4000  }
0x31: {  	s26 =	simm.s32 $0x800;
	s25 =	simm.s32 $0x100;
	[sflag:s14] =	ssyncset.done $0x0  }
.LBB2_2:
0x32: {  	s28 =	sadd.s32 $0x80, s25  }
0x33: {  	[sflag:s14] =	ssyncadd.s32 $0xFFFFC000;
	s29 =	smov.u32 s26;
	s30 =	sadd.s32 $0x400, s26  }
0x34: {  	[tilespmem:s18], [sflag:$0x2] =	stream.indirect.gather [hbm4b:s4+s16], $0x80, s28, s16, $0xb8;
	[tilespmem:$0x1E800] =	vst v63  }
0x35: {  	p0 =	sne.s32 s26, $0x4800;
	_ =	swait.ge [sflag:s19], $0x4000  }
0x36: {  	[sflag:s19] =	ssyncset.done $0x0  }
0x37: {  	s26 =	sadd.s32 $0x1400, s25;
	[sflag:s19] =	ssyncadd.s32 $0xFFFFC000  }
0x38: {  	[spmem:s1] =	stream.indirect.scatter.add.f32 [tilespmem:s17], [sflag:$0x3], $0x80, s26, s16, $0xb8;
	[tilespmem:$0x1E800] =	vst v63  }
0x39: {  	_ =	swait.ge [sflag:s14], $0x4000  }
0x3a: {  	[sflag:s14] =	ssyncset.done $0x0  }
0x3b: {  	s26 =	sadd.s32 $0x100, s25;
	[sflag:s14] =	ssyncadd.s32 $0xFFFFC000  }
0x3c: {  	[tilespmem:s17], [sflag:$0x1] =	stream.indirect.gather [hbm4b:s4+s16], $0x80, s26, s16, $0xb8;
	[tilespmem:$0x1E800] =	vst v63  }
0x3d: {  	_ =	swait.ge [sflag:s20], $0x4000  }
.Ltmp0:
0x3e: {  	[sflag:s20] =	ssyncset.done $0x0;
	(pc) =	sbr.rel @p0 .LBB2_2-.Ltmp0, $4  }
0x3f: {  	s25 =	sadd.s32 $0x1480, s25;
	[sflag:s20] =	ssyncadd.s32 $0xFFFFC000  }
0x40: {  	[spmem:s1] =	stream.indirect.scatter.add.f32 [tilespmem:s18], [sflag:$0x3], $0x80, s25, s16, $0xb8;
	[tilespmem:$0x1E800] =	vst v63  }
0x41: {  	_ =	swait.ge [sflag:s14], $0x4000  }
0x42: {  	s26 =	smov.u32 s30;
	s25 =	sshra.s32 s29, $0x2;
	[sflag:s14] =	ssyncset.done $0x0  }
0x43: {  	s26 =	sadd.s32 $0x80, s25;
	[sflag:s14] =	ssyncadd.s32 $0xFFFFC000  }
0x44: {  	[tilespmem:s18], [sflag:$0x2] =	stream.indirect.gather [hbm4b:s4+s16], $0x80, s26, s16, $0xb8;
	[tilespmem:$0x1E800] =	vst v63  }
0x45: {  	_ =	swait.ge [sflag:s19], $0x4000  }
0x46: {  	[sflag:s19] =	ssyncset.done $0x0  }
0x47: {  	s29 =	sadd.s32 $0x1400, s25;
	[sflag:s19] =	ssyncadd.s32 $0xFFFFC000  }
0x48: {  	[spmem:s1] =	stream.indirect.scatter.add.f32 [tilespmem:s17], [sflag:$0x3], $0x80, s29, s16, $0xb8;
	[tilespmem:$0x1E800] =	vst v63  }
0x49: {  	_ =	swait.ge [sflag:s14], $0x4000  }
0x4a: {  	[sflag:s14] =	ssyncset.done $0x0  }
0x4b: {  	s30 =	sadd.s32 $0x100, s25;
	[sflag:s14] =	ssyncadd.s32 $0xFFFFC000  }
0x4c: {  	[tilespmem:s17], [sflag:$0x1] =	stream.indirect.gather [hbm4b:s4+s16], $0x80, s30, s16, $0xb8;
	[tilespmem:$0x1E800] =	vst v63  }
0x4d: {  	_ =	swait.ge [sflag:s20], $0x4000  }
0x4e: {  	[sflag:s20] =	ssyncset.done $0x0  }
0x4f: {  	s31 =	sadd.s32 $0x1480, s25;
	[sflag:s20] =	ssyncadd.s32 $0xFFFFC000  }
0x50: {  	[spmem:s1] =	stream.indirect.scatter.add.f32 [tilespmem:s18], [sflag:$0x3], $0x80, s31, s16, $0xb8;
	[tilespmem:$0x1E800] =	vst v63  }
0x51: {  	_ =	swait.ge [sflag:s14], $0x4000  }
0x52: {  	[sflag:s14] =	ssyncset.done $0x0  }
0x53: {  	[sflag:s14] =	ssyncadd.s32 $0xFFFFC000  }
0x54: {  	[tilespmem:s18], [sflag:$0x2] =	stream.indirect.gather [hbm4b:s4+s16], $0x80, s21, s16, $0xb8;
	[tilespmem:$0x1E800] =	vst v63  }
0x55: {  	_ =	swait.ge [sflag:s19], $0x4000  }
0x56: {  	[sflag:s19] =	ssyncset.done $0x0  }
0x57: {  	[sflag:s19] =	ssyncadd.s32 $0xFFFFC000  }
0x58: {  	[spmem:s1] =	stream.indirect.scatter.add.f32 [tilespmem:s17], [sflag:$0x3], $0x80, s22, s16, $0xb8;
	[tilespmem:$0x1E800] =	vst v63  }
0x59: {  	_ =	swait.ge [sflag:s14], $0x4000  }
0x5a: {  	[sflag:s14] =	ssyncset.done $0x0  }
0x5b: {  	[sflag:s14] =	ssyncadd.s32 $0xFFFFC000  }
0x5c: {  	_ =	swait.ge [sflag:s20], $0x4000  }
0x5d: {  	[sflag:s20] =	ssyncset.done $0x0  }
0x5e: {  	[sflag:s20] =	ssyncadd.s32 $0xFFFFC000  }
0x5f: {  	[spmem:s1] =	stream.indirect.scatter.add.f32 [tilespmem:s18], [sflag:$0x3], $0x80, s23, s16, $0xb8;
	[tilespmem:$0x1E800] =	vst v63  }
0x60: {  	_ =	swait.ge [sflag:s14], $0x4000  }
0x61: {  	[sflag:s14] =	ssyncset.done $0x0  }
0x62: {  	s26 =	simm.s32 $0x0;
	[sflag:s14] =	ssyncadd.s32 $0xFFFFC000  }
0x63: {  	[tilespmem:s26], [sflag:$0x3] =	stream.linear.gather [hbm4b:s9+s26], $0x1400, $0x38;
	[tilespmem:$0x1E800] =	vst v63  }
0x64: {  	_ =	swait.ge [sflag:s14], $0x1400  }
0x65: {  	[sflag:s14] =	ssyncset.done $0x0  }
0x66: {  	[sflag:s14] =	ssyncadd.s32 $0xFFFFEC00  }
0x67: {  	[tilespmem:s15], [sflag:$0x3] =	stream.linear.gather [hbm4b:s10+s26], $0x1400, $0x38;
	[tilespmem:$0x1E800] =	vst v63  }
0x68: {  	_ =	swait.ge [sflag:s14], $0x1400  }
0x69: {  	[sflag:s14] =	ssyncset.done $0x0  }
0x6a: {  	[sflag:s14] =	ssyncadd.s32 $0xFFFFEC00  }
0x6b: {  	[tilespmem:s17], [sflag:$0x1] =	stream.indirect.gather [hbm4b:s4+s16], $0x80, s26, s16, $0xb8;
	[tilespmem:$0x1E800] =	vst v63  }
0x6c: {  	s28 =	simm.s32 $0x80  }
0x6d: {  	[tilespmem:s18], [sflag:$0x2] =	stream.indirect.gather [hbm4b:s4+s16], $0x80, s28, s16, $0xb8;
	[tilespmem:$0x1E800] =	vst v63  }
0x6e: {  	_ =	swait.ge [sflag:s19], $0x4000  }
0x6f: {  	[sflag:s19] =	ssyncset.done $0x0  }
0x70: {  	s29 =	simm.s32 $0x1400;
	[sflag:s19] =	ssyncadd.s32 $0xFFFFC000  }
0x71: {  	[spmem:s1] =	stream.indirect.scatter.add.f32 [tilespmem:s17], [sflag:$0x3], $0x80, s29, s16, $0xb8;
	[tilespmem:$0x1E800] =	vst v63  }
0x72: {  	_ =	swait.ge [sflag:s14], $0x4000  }
0x73: {  	[sflag:s14] =	ssyncset.done $0x0  }
0x74: {  	s30 =	simm.s32 $0x100;
	[sflag:s14] =	ssyncadd.s32 $0xFFFFC000  }
0x75: {  	[tilespmem:s17], [sflag:$0x1] =	stream.indirect.gather [hbm4b:s4+s16], $0x80, s30, s16, $0xb8;
	[tilespmem:$0x1E800] =	vst v63  }
0x76: {  	_ =	swait.ge [sflag:s20], $0x4000  }
0x77: {  	[sflag:s20] =	ssyncset.done $0x0  }
0x78: {  	s31 =	simm.s32 $0x1480;
	[sflag:s20] =	ssyncadd.s32 $0xFFFFC000  }
0x79: {  	[spmem:s1] =	stream.indirect.scatter.add.f32 [tilespmem:s18], [sflag:$0x3], $0x80, s31, s16, $0xb8;
	[tilespmem:$0x1E800] =	vst v63  }
0x7a: {  	_ =	swait.ge [sflag:s14], $0x4000  }
0x7b: {  	s25 =	simm.s32 $0x100;
	s26 =	simm.s32 $0x800;
	[sflag:s14] =	ssyncset.done $0x0  }
.LBB2_4:
0x7c: {  	s28 =	sadd.s32 $0x80, s25  }
0x7d: {  	[sflag:s14] =	ssyncadd.s32 $0xFFFFC000;
	s29 =	smov.u32 s26;
	s30 =	sadd.s32 $0x400, s26  }
0x7e: {  	[tilespmem:s18], [sflag:$0x2] =	stream.indirect.gather [hbm4b:s4+s16], $0x80, s28, s16, $0xb8;
	[tilespmem:$0x1E800] =	vst v63  }
0x7f: {  	p0 =	sne.s32 s26, $0x4800;
	_ =	swait.ge [sflag:s19], $0x4000  }
0x80: {  	[sflag:s19] =	ssyncset.done $0x0  }
0x81: {  	s26 =	sadd.s32 $0x1400, s25;
	[sflag:s19] =	ssyncadd.s32 $0xFFFFC000  }
0x82: {  	[spmem:s1] =	stream.indirect.scatter.add.f32 [tilespmem:s17], [sflag:$0x3], $0x80, s26, s16, $0xb8;
	[tilespmem:$0x1E800] =	vst v63  }
0x83: {  	_ =	swait.ge [sflag:s14], $0x4000  }
0x84: {  	[sflag:s14] =	ssyncset.done $0x0  }
0x85: {  	s26 =	sadd.s32 $0x100, s25;
	[sflag:s14] =	ssyncadd.s32 $0xFFFFC000  }
0x86: {  	[tilespmem:s17], [sflag:$0x1] =	stream.indirect.gather [hbm4b:s4+s16], $0x80, s26, s16, $0xb8;
	[tilespmem:$0x1E800] =	vst v63  }
0x87: {  	_ =	swait.ge [sflag:s20], $0x4000  }
.Ltmp1:
0x88: {  	[sflag:s20] =	ssyncset.done $0x0;
	(pc) =	sbr.rel @p0 .LBB2_4-.Ltmp1, $4  }
0x89: {  	s25 =	sadd.s32 $0x1480, s25;
	[sflag:s20] =	ssyncadd.s32 $0xFFFFC000  }
0x8a: {  	[spmem:s1] =	stream.indirect.scatter.add.f32 [tilespmem:s18], [sflag:$0x3], $0x80, s25, s16, $0xb8;
	[tilespmem:$0x1E800] =	vst v63  }
0x8b: {  	_ =	swait.ge [sflag:s14], $0x4000  }
0x8c: {  	s26 =	smov.u32 s30;
	s25 =	sshra.s32 s29, $0x2;
	[sflag:s14] =	ssyncset.done $0x0  }
0x8d: {  	s26 =	sadd.s32 $0x80, s25;
	[sflag:s14] =	ssyncadd.s32 $0xFFFFC000  }
0x8e: {  	[tilespmem:s18], [sflag:$0x2] =	stream.indirect.gather [hbm4b:s4+s16], $0x80, s26, s16, $0xb8;
	[tilespmem:$0x1E800] =	vst v63  }
0x8f: {  	_ =	swait.ge [sflag:s19], $0x4000  }
0x90: {  	[sflag:s19] =	ssyncset.done $0x0  }
0x91: {  	s29 =	sadd.s32 $0x1400, s25;
	[sflag:s19] =	ssyncadd.s32 $0xFFFFC000  }
0x92: {  	[spmem:s1] =	stream.indirect.scatter.add.f32 [tilespmem:s17], [sflag:$0x3], $0x80, s29, s16, $0xb8;
	[tilespmem:$0x1E800] =	vst v63  }
0x93: {  	_ =	swait.ge [sflag:s14], $0x4000  }
0x94: {  	[sflag:s14] =	ssyncset.done $0x0  }
0x95: {  	s30 =	sadd.s32 $0x100, s25;
	[sflag:s14] =	ssyncadd.s32 $0xFFFFC000  }
0x96: {  	[tilespmem:s17], [sflag:$0x1] =	stream.indirect.gather [hbm4b:s4+s16], $0x80, s30, s16, $0xb8;
	[tilespmem:$0x1E800] =	vst v63  }
0x97: {  	_ =	swait.ge [sflag:s20], $0x4000  }
0x98: {  	[sflag:s20] =	ssyncset.done $0x0  }
0x99: {  	s31 =	sadd.s32 $0x1480, s25;
	[sflag:s20] =	ssyncadd.s32 $0xFFFFC000  }
0x9a: {  	[spmem:s1] =	stream.indirect.scatter.add.f32 [tilespmem:s18], [sflag:$0x3], $0x80, s31, s16, $0xb8;
	[tilespmem:$0x1E800] =	vst v63  }
0x9b: {  	_ =	swait.ge [sflag:s14], $0x4000  }
0x9c: {  	[sflag:s14] =	ssyncset.done $0x0  }
0x9d: {  	[sflag:s14] =	ssyncadd.s32 $0xFFFFC000  }
0x9e: {  	[tilespmem:s18], [sflag:$0x2] =	stream.indirect.gather [hbm4b:s4+s16], $0x80, s21, s16, $0xb8;
	[tilespmem:$0x1E800] =	vst v63  }
0x9f: {  	_ =	swait.ge [sflag:s19], $0x4000  }
0xa0: {  	[sflag:s19] =	ssyncset.done $0x0  }
0xa1: {  	[sflag:s19] =	ssyncadd.s32 $0xFFFFC000  }
0xa2: {  	[spmem:s1] =	stream.indirect.scatter.add.f32 [tilespmem:s17], [sflag:$0x3], $0x80, s22, s16, $0xb8;
	[tilespmem:$0x1E800] =	vst v63  }
0xa3: {  	_ =	swait.ge [sflag:s14], $0x4000  }
0xa4: {  	[sflag:s14] =	ssyncset.done $0x0  }
0xa5: {  	[sflag:s14] =	ssyncadd.s32 $0xFFFFC000  }
0xa6: {  	_ =	swait.ge [sflag:s20], $0x4000  }
0xa7: {  	[sflag:s20] =	ssyncset.done $0x0  }
0xa8: {  	[sflag:s20] =	ssyncadd.s32 $0xFFFFC000  }
0xa9: {  	[spmem:s1] =	stream.indirect.scatter.add.f32 [tilespmem:s18], [sflag:$0x3], $0x80, s23, s16, $0xb8;
	[tilespmem:$0x1E800] =	vst v63  }
0xaa: {  	_ =	swait.ge [sflag:s14], $0x4000  }
0xab: {  	s24 =	sadd.s32 $0x1, s24;
	[sflag:s14] =	ssyncset.done $0x0  }
0xac: {  	p0 =	sne.s32 s24, s12;
	[sflag:s14] =	ssyncadd.s32 $0xFFFFC000  }
.Ltmp2:
0xad: {  	[bflag:$0x0] =	sbarrier.arrive $0xFFFF;
	(pc) =	sbr.rel @p0 .LBB2_1-.Ltmp2, $4  }
0xae: {  	[hbm:s11], [sflag:s6] =	dma.local [spmem:s13], $0x2800  }
0xaf: {  	_ =	swait.ge [sflag:s14], $0x2800  }
0xb0: {  	[sflag:s14] =	ssyncset.done $0x0  }
0xb1: {  	[sflag:s14] =	ssyncadd.s32 $0xFFFFD800  }
0xb2: {  	_ =	sfence.sel $0x180000  }
0xb3: {  	[bflag:$0x0] =	sbarrier.arrive $0xFFFF  }
0xb4: {  	p0 =	sne.s32 s2, $0x0;
	_ =	strace $0x90000050  }
0xb5: {  	s0 =	sadd.s32 @!p0 $0x100000, s0;
	[bflag:$0x2] =	sbarrier.arrive $0xFFFF  }
0xb6: {  	[sflag:s0] =	ssyncadd.tile.s32 @!p0 $0x1;
	_ =	shalt  }
.Lfunc_end2:
_tile_overlayer_lowered:
.L_overlay_start_2:
0xb7: {  	(tag) =	ssettag $0x2  }
0xb8: {  	s0 =	rddreg [dreg:$0x0];
	s2 =	stileid.u32  }
0xb9: {  	s1 =	rddreg [dreg:$0x1];
	p0 =	sne.s32 s2, $0x0  }
0xba: {  	s3 =	rddreg [dreg:$0x2];
	[bflag:$0x3] =	sbarrier.arrive $0xFFFF;
	s2 =	simm.s32 @!p0 $0x1C03  }
0xbb: {  	[timem:s3], [sflag:s2] =	dma.local @!p0 [hbm:s0], s1  }
0xbc: {  	s0 =	simm.s32 @!p0 $0x3  }
0xbd: {  	_ =	swait.ge @!p0 [sflag:s0], s1  }
0xbe: {  	s1 =	ssub.s32 @!p0 $0x0, s1;
	[sflag:s0] =	ssyncset.done @!p0 $0x0  }
0xbf: {  	[sflag:s0] =	ssyncadd.s32 @!p0 s1  }
0xc0: {  	[bflag:$0x3] =	sbarrier.arrive $0xFFFF  }
0xc1: {  	_ =	shalt  }

</sc_bundles>
